<compile_context>
chip_gen: v7x
topology: tpu7x:2x2x1
jax: 0.10.2.dev20260603
libtpu: 0.0.44.dev20260713+nightly
codegen_flags: <defaults>
</compile_context>

<pallas_src>
import functools

import jax
import jax.numpy as jnp
from jax import lax
from jax.experimental import pallas as pl
from jax.experimental.pallas import tpu as pltpu
from jax.experimental.pallas import tpu_sc as plsc

N_NODES = 100000
N_INPUT = 1024
K_MAX = 8
N_OUT = 128
BATCH = 32

NPAD = 100352
NRES = NPAD - N_INPUT
BLK = 1024
GRID = NRES // BLK
E = K_MAX * NRES
NW = 32
PER_W = E // NW
CHUNK = PER_W // 4
VECS = CHUNK // 16


def _pack_body(s_ref, o_ref):
    blk = s_ref[...]
    sh = lax.broadcasted_iota(jnp.int32, (BATCH, 1), 0)
    w = jnp.sum(jnp.left_shift(blk, sh), axis=0)
    o_ref[...] = w.reshape(1, 16, 128)


def _gather_body(table_hbm, idx_hbm, out_hbm, table_v, idx_v, out_v):
    wid = lax.axis_index("s") * 2 + lax.axis_index("c")
    pltpu.sync_copy(table_hbm, table_v)
    for c in range(4):
        base = wid * PER_W + c * CHUNK
        pltpu.sync_copy(idx_hbm.at[pl.ds(base, CHUNK)], idx_v)

        def body(i, carry):
            iv = idx_v[pl.ds(i * 16, 16)]
            out_v[pl.ds(i * 16, 16)] = plsc.load_gather(table_v, [iv])
            return carry

        lax.fori_loop(0, VECS, body, 0)
        pltpu.sync_copy(out_v, out_hbm.at[pl.ds(base, CHUNK)])


def _main_body(lut_ref, g_ref, m_ref, p_ref, w_ref, bias_ref, out_ref):
    i = pl.program_id(0)
    rowid = i * BLK + lax.broadcasted_iota(jnp.int32, (BLK, 1), 0)
    wblk = jnp.where(rowid < N_NODES - N_INPUT, w_ref[...], 0.0)
    lutblk = lut_ref[...]
    s = lutblk.astype(jnp.float32)
    jidx = lax.broadcasted_iota(jnp.int32, (16, 256), 0)
    cidx = lax.broadcasted_iota(jnp.int32, (16, 256), 1)
    m16 = jnp.where(cidx // 16 == jidx,
                    jnp.left_shift(1, cidx % 16), 0).astype(jnp.float32)
    h = lax.dot_general(m16, s, (((1,), (1,)), ((), ())),
                        preferred_element_type=jnp.float32)
    h = h.astype(jnp.int32).reshape(16, 8, 128)
    words = [h[2 * j] + jnp.left_shift(h[2 * j + 1], 16) for j in range(8)]

    g = g_ref[...].reshape(K_MAX, 8, 128)
    m = m_ref[...].reshape(K_MAX, 8, 128)
    gm = [g[k] * m[k] for k in range(K_MAX)]
    msum = m[0]
    for k in range(1, K_MAX):
        msum = msum + m[k]
    nn = msum == 0
    pk = p_ref[...].reshape(8, 128)

    rows = [None] * BATCH
    for q in range(8):
        acc = None
        for k in range(K_MAX):
            quad = jnp.right_shift(gm[k], q) & 0x01010101
            acc = quad if acc is None else acc + acc + quad
        pquad = jnp.right_shift(pk, q) & 0x01010101
        for j in range(4):
            bb = q + 8 * j
            idx = jnp.right_shift(acc, 8 * j) & 255
            b5 = jnp.right_shift(idx, 5) & 1
            b6 = jnp.right_shift(idx, 6) & 1
            b7 = jnp.right_shift(idx, 7) & 1
            s01 = jnp.where(b5 == 0, words[0], words[1])
            s23 = jnp.where(b5 == 0, words[2], words[3])
            s45 = jnp.where(b5 == 0, words[4], words[5])
            s67 = jnp.where(b5 == 0, words[6], words[7])
            s03 = jnp.where(b6 == 0, s01, s23)
            s47 = jnp.where(b6 == 0, s45, s67)
            sel = jnp.where(b7 == 0, s03, s47)
            lbit = jnp.right_shift(sel, idx & 31) & 1
            old = jnp.right_shift(pquad, 8 * j) & 1
            rows[bb] = jnp.where(nn, old, lbit)
    res = jnp.stack(rows).reshape(BATCH, BLK).astype(jnp.float32)
    part = jnp.dot(res, wblk, preferred_element_type=jnp.float32)

    @pl.when(i == 0)
    def _():
        out_ref[...] = part

    @pl.when(i > 0)
    def _():
        out_ref[...] += part

    @pl.when(i == GRID - 1)
    def _():
        out_ref[...] = jax.nn.sigmoid(out_ref[...] + bias_ref[...])


def _pack_call(states_p):
    return pl.pallas_call(
        _pack_body,
        grid=(NPAD // 2048,),
        in_specs=[pl.BlockSpec((BATCH, 2048), lambda i: (0, i))],
        out_specs=pl.BlockSpec((1, 16, 128), lambda i: (i, 0, 0)),
        out_shape=jax.ShapeDtypeStruct((NPAD // 2048, 16, 128), jnp.int32),
    )(states_p)


def _main_call(lut_p, g2, m2, p3, w_p, bias):
    return pl.pallas_call(
        _main_body,
        grid=(GRID,),
        in_specs=[
            pl.BlockSpec((BLK, 256), lambda i: (i + 1, 0)),
            pl.BlockSpec((K_MAX, BLK), lambda i: (0, i)),
            pl.BlockSpec((K_MAX, BLK), lambda i: (0, i)),
            pl.BlockSpec((1, 8, 128), lambda i: (i, 0, 0)),
            pl.BlockSpec((BLK, N_OUT), lambda i: (i, 0)),
            pl.BlockSpec((1, N_OUT), lambda i: (0, 0)),
        ],
        out_specs=pl.BlockSpec((BATCH, N_OUT), lambda i: (0, 0)),
        out_shape=jax.ShapeDtypeStruct((BATCH, N_OUT), jnp.float32),
    )(lut_p, g2, m2, p3, w_p, bias)


def _gather_call(packed_flat, idx_t):
    mesh = plsc.VectorSubcoreMesh(core_axis_name="c", subcore_axis_name="s")
    f = functools.partial(
        pl.kernel,
        mesh=mesh,
        out_type=jax.ShapeDtypeStruct((E,), jnp.int32),
        scratch_types=[
            pltpu.VMEM((NPAD,), jnp.int32),
            pltpu.VMEM((CHUNK,), jnp.int32),
            pltpu.VMEM((CHUNK,), jnp.int32),
        ],
        compiler_params=pltpu.CompilerParams(needs_layout_passes=False),
    )(_gather_body)
    return f(packed_flat, idx_t)


def kernel(states, adj_list, adj_list_mask, lut, W, b):
    nres0 = N_NODES - N_INPUT
    adj_p = jnp.pad(adj_list[N_INPUT:], ((0, NRES - nres0), (0, 0)))
    idx_t = adj_p.T.reshape(-1)
    m2 = jnp.pad(adj_list_mask[N_INPUT:], ((0, NRES - nres0), (0, 0))).T
    bias = b.reshape(1, N_OUT)

    packed = _pack_call(states).reshape(-1)
    g2 = _gather_call(packed, idx_t).reshape(K_MAX, NRES)
    p3 = packed[N_INPUT:].reshape(GRID, 8, 128)
    return _main_call(lut, g2, m2, p3, W, bias)

# --- scband reference (transcript-rebuilt; emitter-appended) ---
"""Pipeline reference for scband-boolean-reservoir-3255585210786 (READ-ONLY COPY).

The authoritative reference and input builder live on the scoring server;
editing this copy changes nothing except your own understanding.
"""

import jax, jax.numpy as jnp
import numpy as np

N_NODES = 100000
N_INPUT = 1024
K_MAX = 8
N_OUT = 128
BATCH = 32


def setup_inputs(seed: int = 0):
    key = jax.random.key(seed)
    k1, k2, k3, k4, k5 = jax.random.split(key, 5)
    states = jax.random.randint(k1, (BATCH, N_NODES), 0, 2, dtype=jnp.int32)
    adj_list = jax.random.randint(k2, (N_NODES, K_MAX), 0, N_NODES, dtype=jnp.int32)
    adj_list_mask = jax.random.randint(k3, (N_NODES, K_MAX), 0, 2, dtype=jnp.int32)
    lut = jax.random.randint(k4, (N_NODES, 2 ** K_MAX), 0, 2, dtype=jnp.int32)
    W = jax.random.normal(k5, (N_NODES - N_INPUT, N_OUT), dtype=jnp.float32) * 0.02
    b = jnp.zeros((N_OUT,), dtype=jnp.float32)
    return {"states": states, "adj_list": adj_list, "adj_list_mask": adj_list_mask, "lut": lut, "W": W, "b": b}


def reference(states, adj_list, adj_list_mask, lut, W, b):
    B = states.shape[0]
    # gather incoming-neighbor states: states[:, adj_list] -> [B, N, K]
    neighbor_states = jnp.take(states, adj_list.reshape(-1), axis=1).reshape(B, N_NODES, K_MAX)
    # zero out padded (invalid) neighbor slots
    masked = neighbor_states * adj_list_mask[None, :, :]
    # bin2int with big-endian powers of two (flipped arange, as in make_minimal_powers_of_two)
    powers_of_2 = (2 ** jnp.arange(K_MAX, dtype=jnp.int32))[::-1]
    lut_idx = jnp.sum(masked * powers_of_2[None, None, :], axis=-1)  # [B, N]
    # per-node LUT lookup: new_state[b, n] = lut[n, lut_idx[b, n]]
    new_states = jnp.take_along_axis(
        jnp.broadcast_to(lut[None, :, :], (B, N_NODES, lut.shape[1])),
        lut_idx[:, :, None], axis=2)[..., 0]
    # nodes with no incoming neighbors keep their previous state
    no_neighbours = ~(adj_list_mask.astype(bool).any(axis=1))
    new_states = jnp.where(no_neighbours[None, :], states, new_states)
    # readout over reservoir (non-input) nodes
    res = new_states[:, N_INPUT:].astype(jnp.float32)
    out = jax.nn.sigmoid(res @ W + b)
    return out

if __name__ == "__main__":
    import jax
    _d = setup_inputs()
    print(jax.jit(kernel)(*tuple(_d.values())))

</pallas_src>

<mosaic_0001>
#map = affine_map<(d0, d1) -> (0)>
module attributes {stable_mosaic.version = 14 : i64} {
  func.func @_gather_body(%arg0: i32, %arg1: i32, %arg2: memref<100352xi32, #tpu.memory_space<hbm>>, %arg3: memref<794624xi32, #tpu.memory_space<hbm>>, %arg4: memref<794624xi32, #tpu.memory_space<hbm>>, %arg5: memref<100352xi32, #tpu.memory_space<vmem>>, %arg6: memref<6208xi32, #tpu.memory_space<vmem>>, %arg7: memref<6208xi32, #tpu.memory_space<vmem>>) attributes {dimension_semantics = [#tpu.dimension_semantics<core_parallel>, #tpu.dimension_semantics<subcore_parallel>], iteration_bounds = array<i64: 2, 16>, scalar_prefetch = 0 : i64, scratch_operands = 3 : i64, tpu.core_type = #tpu.core_type<sc_vector_subcore>, window_params = [{transform_indices = #map}, {transform_indices = #map}, {transform_indices = #map}]} {
    %mul3A = arith.constant 2 : i32
    %mul3A_0 = arith.muli %arg1, %mul3A : i32
    %add3A = arith.addi %mul3A_0, %arg0 : i32
    "tpu.region"() ({
      %run_scoped3A = tpu.sem_alloc : memref<!tpu.dma_semaphore, #tpu.memory_space<semaphore_mem>>
      tpu.enqueue_dma source(%arg2 : memref<100352xi32, #tpu.memory_space<hbm>>) target(%arg5 : memref<100352xi32, #tpu.memory_space<vmem>>) target_semaphore(%run_scoped3A : memref<!tpu.dma_semaphore, #tpu.memory_space<semaphore_mem>>)
      tpu.wait_dma2 semaphore(%run_scoped3A : memref<!tpu.dma_semaphore, #tpu.memory_space<semaphore_mem>>) src(%arg2 : memref<100352xi32, #tpu.memory_space<hbm>>) dst(%arg5 : memref<100352xi32, #tpu.memory_space<vmem>>)
      tpu.yield
    }) : () -> ()
    %mul3A_1 = arith.constant 24832 : i32
    %mul3A_2 = arith.muli %add3A, %mul3A_1 : i32
    %add3A_3 = arith.constant 0 : i32
    %add3A_4 = arith.addi %mul3A_2, %add3A_3 : i32
    "tpu.region"() ({
      %run_scoped3A = tpu.sem_alloc : memref<!tpu.dma_semaphore, #tpu.memory_space<semaphore_mem>>
      %dma_start3A = tpu.memref_slice %arg3[%add3A_4] : memref<794624xi32, #tpu.memory_space<hbm>> -> memref<6208xi32, #tpu.memory_space<hbm>>
      %dma_start3A_40 = tpu.memref_slice %arg3[%add3A_4] : memref<794624xi32, #tpu.memory_space<hbm>> -> memref<6208xi32, #tpu.memory_space<hbm>>
      tpu.enqueue_dma source(%dma_start3A_40 : memref<6208xi32, #tpu.memory_space<hbm>>) target(%arg6 : memref<6208xi32, #tpu.memory_space<vmem>>) target_semaphore(%run_scoped3A : memref<!tpu.dma_semaphore, #tpu.memory_space<semaphore_mem>>)
      %dma_wait3A = tpu.memref_slice %arg3[%add3A_4] : memref<794624xi32, #tpu.memory_space<hbm>> -> memref<6208xi32, #tpu.memory_space<hbm>>
      %dma_wait3A_41 = tpu.memref_slice %arg3[%add3A_4] : memref<794624xi32, #tpu.memory_space<hbm>> -> memref<6208xi32, #tpu.memory_space<hbm>>
      tpu.wait_dma2 semaphore(%run_scoped3A : memref<!tpu.dma_semaphore, #tpu.memory_space<semaphore_mem>>) src(%dma_wait3A_41 : memref<6208xi32, #tpu.memory_space<hbm>>) dst(%arg6 : memref<6208xi32, #tpu.memory_space<vmem>>)
      tpu.yield
    }) : () -> ()
    %scan3A = arith.constant 0 : i32
    %scan3A_5 = arith.constant 0 : i32
    %scan3A_6 = arith.constant 388 : i32
    %scan3A_7 = arith.addi %scan3A_5, %scan3A_6 : i32
    %scan3A_8 = arith.constant 1 : i32
    scf.for %scan3A_40 = %scan3A_5 to %scan3A_7 step %scan3A_8  : i32 {
      %mul3A_41 = arith.constant 16 : i32
      %mul3A_42 = arith.muli %scan3A_40, %mul3A_41 : i32
      %get3A = arith.index_cast %mul3A_42 : i32 to index
      %get3A_43 = tpu.vector_load %arg6[%get3A] {strides = array<i32>} : memref<6208xi32, #tpu.memory_space<vmem>>, vector<16xi32>,
      %gather3A = tpu.vector_load_idx %arg5[%get3A_43] : memref<100352xi32, #tpu.memory_space<vmem>>[vector<16xi32>], vector<16xi32>,
      %mul3A_44 = arith.constant 16 : i32
      %mul3A_45 = arith.muli %scan3A_40, %mul3A_44 : i32
      %swap3A = arith.index_cast %mul3A_45 : i32 to index
      %swap3A_46 = tpu.vector_load %arg7[%swap3A] {strides = array<i32>} : memref<6208xi32, #tpu.memory_space<vmem>>, vector<16xi32>,
      tpu.vector_store %arg7[%swap3A], %gather3A {strides = array<i32>} : memref<6208xi32, #tpu.memory_space<vmem>>, vector<16xi32>,
    }
    %scan3A_9 = arith.constant 388 : i32
    "tpu.region"() ({
      %run_scoped3A = tpu.sem_alloc : memref<!tpu.dma_semaphore, #tpu.memory_space<semaphore_mem>>
      %dma_start3A = tpu.memref_slice %arg4[%add3A_4] : memref<794624xi32, #tpu.memory_space<hbm>> -> memref<6208xi32, #tpu.memory_space<hbm>>
      %dma_start3A_40 = tpu.memref_slice %arg4[%add3A_4] : memref<794624xi32, #tpu.memory_space<hbm>> -> memref<6208xi32, #tpu.memory_space<hbm>>
      tpu.enqueue_dma source(%arg7 : memref<6208xi32, #tpu.memory_space<vmem>>) target(%dma_start3A_40 : memref<6208xi32, #tpu.memory_space<hbm>>) target_semaphore(%run_scoped3A : memref<!tpu.dma_semaphore, #tpu.memory_space<semaphore_mem>>)
      %dma_wait3A = tpu.memref_slice %arg4[%add3A_4] : memref<794624xi32, #tpu.memory_space<hbm>> -> memref<6208xi32, #tpu.memory_space<hbm>>
      %dma_wait3A_41 = tpu.memref_slice %arg4[%add3A_4] : memref<794624xi32, #tpu.memory_space<hbm>> -> memref<6208xi32, #tpu.memory_space<hbm>>
      tpu.wait_dma2 semaphore(%run_scoped3A : memref<!tpu.dma_semaphore, #tpu.memory_space<semaphore_mem>>) src(%arg7 : memref<6208xi32, #tpu.memory_space<vmem>>) dst(%dma_wait3A_41 : memref<6208xi32, #tpu.memory_space<hbm>>)
      tpu.yield
    }) : () -> ()
    %mul3A_10 = arith.constant 24832 : i32
    %mul3A_11 = arith.muli %add3A, %mul3A_10 : i32
    %add3A_12 = arith.constant 6208 : i32
    %add3A_13 = arith.addi %mul3A_11, %add3A_12 : i32
    "tpu.region"() ({
      %run_scoped3A = tpu.sem_alloc : memref<!tpu.dma_semaphore, #tpu.memory_space<semaphore_mem>>
      %dma_start3A = tpu.memref_slice %arg3[%add3A_13] : memref<794624xi32, #tpu.memory_space<hbm>> -> memref<6208xi32, #tpu.memory_space<hbm>>
      %dma_start3A_40 = tpu.memref_slice %arg3[%add3A_13] : memref<794624xi32, #tpu.memory_space<hbm>> -> memref<6208xi32, #tpu.memory_space<hbm>>
      tpu.enqueue_dma source(%dma_start3A_40 : memref<6208xi32, #tpu.memory_space<hbm>>) target(%arg6 : memref<6208xi32, #tpu.memory_space<vmem>>) target_semaphore(%run_scoped3A : memref<!tpu.dma_semaphore, #tpu.memory_space<semaphore_mem>>)
      %dma_wait3A = tpu.memref_slice %arg3[%add3A_13] : memref<794624xi32, #tpu.memory_space<hbm>> -> memref<6208xi32, #tpu.memory_space<hbm>>
      %dma_wait3A_41 = tpu.memref_slice %arg3[%add3A_13] : memref<794624xi32, #tpu.memory_space<hbm>> -> memref<6208xi32, #tpu.memory_space<hbm>>
      tpu.wait_dma2 semaphore(%run_scoped3A : memref<!tpu.dma_semaphore, #tpu.memory_space<semaphore_mem>>) src(%dma_wait3A_41 : memref<6208xi32, #tpu.memory_space<hbm>>) dst(%arg6 : memref<6208xi32, #tpu.memory_space<vmem>>)
      tpu.yield
    }) : () -> ()
    %scan3A_14 = arith.constant 0 : i32
    %scan3A_15 = arith.constant 0 : i32
    %scan3A_16 = arith.constant 388 : i32
    %scan3A_17 = arith.addi %scan3A_15, %scan3A_16 : i32
    %scan3A_18 = arith.constant 1 : i32
    scf.for %scan3A_40 = %scan3A_15 to %scan3A_17 step %scan3A_18  : i32 {
      %mul3A_41 = arith.constant 16 : i32
      %mul3A_42 = arith.muli %scan3A_40, %mul3A_41 : i32
      %get3A = arith.index_cast %mul3A_42 : i32 to index
      %get3A_43 = tpu.vector_load %arg6[%get3A] {strides = array<i32>} : memref<6208xi32, #tpu.memory_space<vmem>>, vector<16xi32>,
      %gather3A = tpu.vector_load_idx %arg5[%get3A_43] : memref<100352xi32, #tpu.memory_space<vmem>>[vector<16xi32>], vector<16xi32>,
      %mul3A_44 = arith.constant 16 : i32
      %mul3A_45 = arith.muli %scan3A_40, %mul3A_44 : i32
      %swap3A = arith.index_cast %mul3A_45 : i32 to index
      %swap3A_46 = tpu.vector_load %arg7[%swap3A] {strides = array<i32>} : memref<6208xi32, #tpu.memory_space<vmem>>, vector<16xi32>,
      tpu.vector_store %arg7[%swap3A], %gather3A {strides = array<i32>} : memref<6208xi32, #tpu.memory_space<vmem>>, vector<16xi32>,
    }
    %scan3A_19 = arith.constant 388 : i32
    "tpu.region"() ({
      %run_scoped3A = tpu.sem_alloc : memref<!tpu.dma_semaphore, #tpu.memory_space<semaphore_mem>>
      %dma_start3A = tpu.memref_slice %arg4[%add3A_13] : memref<794624xi32, #tpu.memory_space<hbm>> -> memref<6208xi32, #tpu.memory_space<hbm>>
      %dma_start3A_40 = tpu.memref_slice %arg4[%add3A_13] : memref<794624xi32, #tpu.memory_space<hbm>> -> memref<6208xi32, #tpu.memory_space<hbm>>
      tpu.enqueue_dma source(%arg7 : memref<6208xi32, #tpu.memory_space<vmem>>) target(%dma_start3A_40 : memref<6208xi32, #tpu.memory_space<hbm>>) target_semaphore(%run_scoped3A : memref<!tpu.dma_semaphore, #tpu.memory_space<semaphore_mem>>)
      %dma_wait3A = tpu.memref_slice %arg4[%add3A_13] : memref<794624xi32, #tpu.memory_space<hbm>> -> memref<6208xi32, #tpu.memory_space<hbm>>
      %dma_wait3A_41 = tpu.memref_slice %arg4[%add3A_13] : memref<794624xi32, #tpu.memory_space<hbm>> -> memref<6208xi32, #tpu.memory_space<hbm>>
      tpu.wait_dma2 semaphore(%run_scoped3A : memref<!tpu.dma_semaphore, #tpu.memory_space<semaphore_mem>>) src(%arg7 : memref<6208xi32, #tpu.memory_space<vmem>>) dst(%dma_wait3A_41 : memref<6208xi32, #tpu.memory_space<hbm>>)
      tpu.yield
    }) : () -> ()
    %mul3A_20 = arith.constant 24832 : i32
    %mul3A_21 = arith.muli %add3A, %mul3A_20 : i32
    %add3A_22 = arith.constant 12416 : i32
    %add3A_23 = arith.addi %mul3A_21, %add3A_22 : i32
    "tpu.region"() ({
      %run_scoped3A = tpu.sem_alloc : memref<!tpu.dma_semaphore, #tpu.memory_space<semaphore_mem>>
      %dma_start3A = tpu.memref_slice %arg3[%add3A_23] : memref<794624xi32, #tpu.memory_space<hbm>> -> memref<6208xi32, #tpu.memory_space<hbm>>
      %dma_start3A_40 = tpu.memref_slice %arg3[%add3A_23] : memref<794624xi32, #tpu.memory_space<hbm>> -> memref<6208xi32, #tpu.memory_space<hbm>>
      tpu.enqueue_dma source(%dma_start3A_40 : memref<6208xi32, #tpu.memory_space<hbm>>) target(%arg6 : memref<6208xi32, #tpu.memory_space<vmem>>) target_semaphore(%run_scoped3A : memref<!tpu.dma_semaphore, #tpu.memory_space<semaphore_mem>>)
      %dma_wait3A = tpu.memref_slice %arg3[%add3A_23] : memref<794624xi32, #tpu.memory_space<hbm>> -> memref<6208xi32, #tpu.memory_space<hbm>>
      %dma_wait3A_41 = tpu.memref_slice %arg3[%add3A_23] : memref<794624xi32, #tpu.memory_space<hbm>> -> memref<6208xi32, #tpu.memory_space<hbm>>
      tpu.wait_dma2 semaphore(%run_scoped3A : memref<!tpu.dma_semaphore, #tpu.memory_space<semaphore_mem>>) src(%dma_wait3A_41 : memref<6208xi32, #tpu.memory_space<hbm>>) dst(%arg6 : memref<6208xi32, #tpu.memory_space<vmem>>)
      tpu.yield
    }) : () -> ()
    %scan3A_24 = arith.constant 0 : i32
    %scan3A_25 = arith.constant 0 : i32
    %scan3A_26 = arith.constant 388 : i32
    %scan3A_27 = arith.addi %scan3A_25, %scan3A_26 : i32
    %scan3A_28 = arith.constant 1 : i32
    scf.for %scan3A_40 = %scan3A_25 to %scan3A_27 step %scan3A_28  : i32 {
      %mul3A_41 = arith.constant 16 : i32
      %mul3A_42 = arith.muli %scan3A_40, %mul3A_41 : i32
      %get3A = arith.index_cast %mul3A_42 : i32 to index
      %get3A_43 = tpu.vector_load %arg6[%get3A] {strides = array<i32>} : memref<6208xi32, #tpu.memory_space<vmem>>, vector<16xi32>,
      %gather3A = tpu.vector_load_idx %arg5[%get3A_43] : memref<100352xi32, #tpu.memory_space<vmem>>[vector<16xi32>], vector<16xi32>,
      %mul3A_44 = arith.constant 16 : i32
      %mul3A_45 = arith.muli %scan3A_40, %mul3A_44 : i32
      %swap3A = arith.index_cast %mul3A_45 : i32 to index
      %swap3A_46 = tpu.vector_load %arg7[%swap3A] {strides = array<i32>} : memref<6208xi32, #tpu.memory_space<vmem>>, vector<16xi32>,
      tpu.vector_store %arg7[%swap3A], %gather3A {strides = array<i32>} : memref<6208xi32, #tpu.memory_space<vmem>>, vector<16xi32>,
    }
    %scan3A_29 = arith.constant 388 : i32
    "tpu.region"() ({
      %run_scoped3A = tpu.sem_alloc : memref<!tpu.dma_semaphore, #tpu.memory_space<semaphore_mem>>
      %dma_start3A = tpu.memref_slice %arg4[%add3A_23] : memref<794624xi32, #tpu.memory_space<hbm>> -> memref<6208xi32, #tpu.memory_space<hbm>>
      %dma_start3A_40 = tpu.memref_slice %arg4[%add3A_23] : memref<794624xi32, #tpu.memory_space<hbm>> -> memref<6208xi32, #tpu.memory_space<hbm>>
      tpu.enqueue_dma source(%arg7 : memref<6208xi32, #tpu.memory_space<vmem>>) target(%dma_start3A_40 : memref<6208xi32, #tpu.memory_space<hbm>>) target_semaphore(%run_scoped3A : memref<!tpu.dma_semaphore, #tpu.memory_space<semaphore_mem>>)
      %dma_wait3A = tpu.memref_slice %arg4[%add3A_23] : memref<794624xi32, #tpu.memory_space<hbm>> -> memref<6208xi32, #tpu.memory_space<hbm>>
      %dma_wait3A_41 = tpu.memref_slice %arg4[%add3A_23] : memref<794624xi32, #tpu.memory_space<hbm>> -> memref<6208xi32, #tpu.memory_space<hbm>>
      tpu.wait_dma2 semaphore(%run_scoped3A : memref<!tpu.dma_semaphore, #tpu.memory_space<semaphore_mem>>) src(%arg7 : memref<6208xi32, #tpu.memory_space<vmem>>) dst(%dma_wait3A_41 : memref<6208xi32, #tpu.memory_space<hbm>>)
      tpu.yield
    }) : () -> ()
    %mul3A_30 = arith.constant 24832 : i32
    %mul3A_31 = arith.muli %add3A, %mul3A_30 : i32
    %add3A_32 = arith.constant 18624 : i32
    %add3A_33 = arith.addi %mul3A_31, %add3A_32 : i32
    "tpu.region"() ({
      %run_scoped3A = tpu.sem_alloc : memref<!tpu.dma_semaphore, #tpu.memory_space<semaphore_mem>>
      %dma_start3A = tpu.memref_slice %arg3[%add3A_33] : memref<794624xi32, #tpu.memory_space<hbm>> -> memref<6208xi32, #tpu.memory_space<hbm>>
      %dma_start3A_40 = tpu.memref_slice %arg3[%add3A_33] : memref<794624xi32, #tpu.memory_space<hbm>> -> memref<6208xi32, #tpu.memory_space<hbm>>
      tpu.enqueue_dma source(%dma_start3A_40 : memref<6208xi32, #tpu.memory_space<hbm>>) target(%arg6 : memref<6208xi32, #tpu.memory_space<vmem>>) target_semaphore(%run_scoped3A : memref<!tpu.dma_semaphore, #tpu.memory_space<semaphore_mem>>)
      %dma_wait3A = tpu.memref_slice %arg3[%add3A_33] : memref<794624xi32, #tpu.memory_space<hbm>> -> memref<6208xi32, #tpu.memory_space<hbm>>
      %dma_wait3A_41 = tpu.memref_slice %arg3[%add3A_33] : memref<794624xi32, #tpu.memory_space<hbm>> -> memref<6208xi32, #tpu.memory_space<hbm>>
      tpu.wait_dma2 semaphore(%run_scoped3A : memref<!tpu.dma_semaphore, #tpu.memory_space<semaphore_mem>>) src(%dma_wait3A_41 : memref<6208xi32, #tpu.memory_space<hbm>>) dst(%arg6 : memref<6208xi32, #tpu.memory_space<vmem>>)
      tpu.yield
    }) : () -> ()
    %scan3A_34 = arith.constant 0 : i32
    %scan3A_35 = arith.constant 0 : i32
    %scan3A_36 = arith.constant 388 : i32
    %scan3A_37 = arith.addi %scan3A_35, %scan3A_36 : i32
    %scan3A_38 = arith.constant 1 : i32
    scf.for %scan3A_40 = %scan3A_35 to %scan3A_37 step %scan3A_38  : i32 {
      %mul3A_41 = arith.constant 16 : i32
      %mul3A_42 = arith.muli %scan3A_40, %mul3A_41 : i32
      %get3A = arith.index_cast %mul3A_42 : i32 to index
      %get3A_43 = tpu.vector_load %arg6[%get3A] {strides = array<i32>} : memref<6208xi32, #tpu.memory_space<vmem>>, vector<16xi32>,
      %gather3A = tpu.vector_load_idx %arg5[%get3A_43] : memref<100352xi32, #tpu.memory_space<vmem>>[vector<16xi32>], vector<16xi32>,
      %mul3A_44 = arith.constant 16 : i32
      %mul3A_45 = arith.muli %scan3A_40, %mul3A_44 : i32
      %swap3A = arith.index_cast %mul3A_45 : i32 to index
      %swap3A_46 = tpu.vector_load %arg7[%swap3A] {strides = array<i32>} : memref<6208xi32, #tpu.memory_space<vmem>>, vector<16xi32>,
      tpu.vector_store %arg7[%swap3A], %gather3A {strides = array<i32>} : memref<6208xi32, #tpu.memory_space<vmem>>, vector<16xi32>,
    }
    %scan3A_39 = arith.constant 388 : i32
    "tpu.region"() ({
      %run_scoped3A = tpu.sem_alloc : memref<!tpu.dma_semaphore, #tpu.memory_space<semaphore_mem>>
      %dma_start3A = tpu.memref_slice %arg4[%add3A_33] : memref<794624xi32, #tpu.memory_space<hbm>> -> memref<6208xi32, #tpu.memory_space<hbm>>
      %dma_start3A_40 = tpu.memref_slice %arg4[%add3A_33] : memref<794624xi32, #tpu.memory_space<hbm>> -> memref<6208xi32, #tpu.memory_space<hbm>>
      tpu.enqueue_dma source(%arg7 : memref<6208xi32, #tpu.memory_space<vmem>>) target(%dma_start3A_40 : memref<6208xi32, #tpu.memory_space<hbm>>) target_semaphore(%run_scoped3A : memref<!tpu.dma_semaphore, #tpu.memory_space<semaphore_mem>>)
      %dma_wait3A = tpu.memref_slice %arg4[%add3A_33] : memref<794624xi32, #tpu.memory_space<hbm>> -> memref<6208xi32, #tpu.memory_space<hbm>>
      %dma_wait3A_41 = tpu.memref_slice %arg4[%add3A_33] : memref<794624xi32, #tpu.memory_space<hbm>> -> memref<6208xi32, #tpu.memory_space<hbm>>
      tpu.wait_dma2 semaphore(%run_scoped3A : memref<!tpu.dma_semaphore, #tpu.memory_space<semaphore_mem>>) src(%arg7 : memref<6208xi32, #tpu.memory_space<vmem>>) dst(%dma_wait3A_41 : memref<6208xi32, #tpu.memory_space<hbm>>)
      tpu.yield
    }) : () -> ()
    return
  }
}

module attributes {stable_mosaic.version = 14 : i64} {
  func.func @_pack_body(%arg0: i32, %arg1: memref<32x2048xi32, #tpu.memory_space<vmem>>, %arg2: memref<1x16x128xi32, #tpu.memory_space<vmem>>) attributes {dimension_semantics = [#tpu.dimension_semantics<arbitrary>], iteration_bounds = array<i64: 49>, scalar_prefetch = 0 : i64, scratch_operands = 0 : i64, tpu.core_type = #tpu.core_type<tc>, window_params = [{transform_indices = @transform_0, window_bounds = array<i64: 32, 2048>}, {transform_indices = @transform_1, window_bounds = array<i64: 1, 16, 128>}]} {
    %get3A = arith.constant 0 : index
    %get3A_0 = arith.constant 0 : index
    %get3A_1 = vector.load %arg1[%get3A, %get3A_0] : memref<32x2048xi32, #tpu.memory_space<vmem>>, vector<32x2048xi32>
    %iota3A = tpu.iota {dimensions = array<i32: 0>} : vector<32x1xi32>
    %shift_left3A = vector.broadcast %iota3A : vector<32x1xi32> to vector<32x2048xi32>
    %shift_left3A_2 = arith.shli %get3A_1, %shift_left3A : vector<32x2048xi32>
    %reduce_sum3A = arith.constant dense<0> : vector<2048xi32>
    %reduce_sum3A_3 = vector.multi_reduction <add>, %shift_left3A_2, %reduce_sum3A [0] : vector<32x2048xi32> to vector<2048xi32>
    %reshape3A = vector.shape_cast %reduce_sum3A_3 : vector<2048xi32> to vector<1x16x128xi32>
    %swap3A = arith.constant 0 : index
    %swap3A_4 = arith.constant 0 : index
    %swap3A_5 = arith.constant 0 : index
    %swap3A_6 = vector.load %arg2[%swap3A, %swap3A_4, %swap3A_5] : memref<1x16x128xi32, #tpu.memory_space<vmem>>, vector<1x16x128xi32>
    tpu.vector_store %arg2[%swap3A, %swap3A_4, %swap3A_5], %reshape3A {strides = array<i32>} : memref<1x16x128xi32, #tpu.memory_space<vmem>>, vector<1x16x128xi32>,
    return
  }
  func.func @transform_0(%arg0: i32) -> (i32, i32) {
    %c0_i32 = arith.constant 0 : i32
    %c0_i32_0 = arith.constant 0 : i32
    return %c0_i32, %arg0 : i32, i32
  }
  func.func @transform_1(%arg0: i32) -> (i32, i32, i32) {
    %c0_i32 = arith.constant 0 : i32
    %c0_i32_0 = arith.constant 0 : i32
    %c0_i32_1 = arith.constant 0 : i32
    return %arg0, %c0_i32, %c0_i32_0 : i32, i32, i32
  }
}

module attributes {stable_mosaic.version = 14 : i64} {
  func.func @_main_body(%arg0: i32, %arg1: memref<1024x256xi32, #tpu.memory_space<vmem>>, %arg2: memref<8x1024xi32, #tpu.memory_space<vmem>>, %arg3: memref<8x1024xi32, #tpu.memory_space<vmem>>, %arg4: memref<1x8x128xi32, #tpu.memory_space<vmem>>, %arg5: memref<1024x128xf32, #tpu.memory_space<vmem>>, %arg6: memref<1x128xf32, #tpu.memory_space<vmem>>, %arg7: memref<32x128xf32, #tpu.memory_space<vmem>>) attributes {dimension_semantics = [#tpu.dimension_semantics<arbitrary>], iteration_bounds = array<i64: 97>, scalar_prefetch = 0 : i64, scratch_operands = 0 : i64, tpu.core_type = #tpu.core_type<tc>, window_params = [{transform_indices = @transform_0, window_bounds = array<i64: 1024, 256>}, {transform_indices = @transform_1, window_bounds = array<i64: 8, 1024>}, {transform_indices = @transform_2, window_bounds = array<i64: 8, 1024>}, {transform_indices = @transform_3, window_bounds = array<i64: 1, 8, 128>}, {transform_indices = @transform_4, window_bounds = array<i64: 1024, 128>}, {pipeline_mode = #tpu.pipeline_mode<synchronous>, transform_indices = @transform_5, window_bounds = array<i64: 1, 128>}, {pipeline_mode = #tpu.pipeline_mode<synchronous>, transform_indices = @transform_6, window_bounds = array<i64: 32, 128>}]} {
    %mul3A = arith.constant 1024 : i32
    %mul3A_0 = arith.muli %arg0, %mul3A : i32
    %iota3A = tpu.iota {dimensions = array<i32: 0>} : vector<1024x1xi32>
    %add3A = vector.broadcast %mul3A_0 : i32 to vector<1024x1xi32>
    %add3A_1 = arith.addi %add3A, %iota3A : vector<1024x1xi32>
    %lt3A = arith.constant 98976 : i32
    %lt3A_2 = vector.broadcast %lt3A : i32 to vector<1024x1xi32>
    %lt3A_3 = arith.cmpi slt, %add3A_1, %lt3A_2 : vector<1024x1xi32>
    %get3A = arith.constant 0 : index
    %get3A_4 = arith.constant 0 : index
    %get3A_5 = vector.load %arg5[%get3A, %get3A_4] : memref<1024x128xf32, #tpu.memory_space<vmem>>, vector<1024x128xf32>
    %jit3A = arith.constant 0.000000e+00 : f32
    %broadcast_in_dim3A = vector.shape_cast %lt3A_3 : vector<1024x1xi1> to vector<1024x1xi1>
    %broadcast_in_dim3A_6 = vector.broadcast %broadcast_in_dim3A : vector<1024x1xi1> to vector<1024x128xi1>
    %broadcast_in_dim3A_7 = vector.broadcast %jit3A : f32 to vector<1024x128xf32>
    %select_n3A = arith.select %broadcast_in_dim3A_6, %get3A_5, %broadcast_in_dim3A_7 : vector<1024x128xi1>, vector<1024x128xf32>
    %get3A_8 = arith.constant 0 : index
    %get3A_9 = arith.constant 0 : index
    %get3A_10 = vector.load %arg1[%get3A_8, %get3A_9] : memref<1024x256xi32, #tpu.memory_space<vmem>>, vector<1024x256xi32>
    %convert_element_type3A = arith.sitofp %get3A_10 : vector<1024x256xi32> to vector<1024x256xf32>
    %iota3A_11 = tpu.iota {dimensions = array<i32: 0>} : vector<16x256xi32>
    %iota3A_12 = tpu.iota {dimensions = array<i32: 1>} : vector<16x256xi32>
    %jit3A_13 = arith.constant 16 : i32
    %div3A = vector.broadcast %jit3A_13 : i32 to vector<16x256xi32>
    %div3A_14 = arith.divsi %iota3A_12, %div3A : vector<16x256xi32>
    %sign3A = arith.constant 0 : i32
    %sign3A_15 = vector.broadcast %sign3A : i32 to vector<16x256xi32>
    %sign3A_16 = arith.cmpi sgt, %iota3A_12, %sign3A_15 : vector<16x256xi32>
    %sign3A_17 = arith.extui %sign3A_16 : vector<16x256xi1> to vector<16x256xi32>
    %sign3A_18 = arith.constant 0 : i32
    %sign3A_19 = vector.broadcast %sign3A_18 : i32 to vector<16x256xi32>
    %sign3A_20 = arith.cmpi slt, %iota3A_12, %sign3A_19 : vector<16x256xi32>
    %sign3A_21 = arith.extui %sign3A_20 : vector<16x256xi1> to vector<16x256xi32>
    %sign3A_22 = arith.subi %sign3A_17, %sign3A_21 : vector<16x256xi32>
    %sign3A_23 = arith.constant 0 : i32
    %sign3A_24 = arith.cmpi sgt, %jit3A_13, %sign3A_23 : i32
    %sign3A_25 = arith.extui %sign3A_24 : i1 to i32
    %sign3A_26 = arith.constant 0 : i32
    %sign3A_27 = arith.cmpi slt, %jit3A_13, %sign3A_26 : i32
    %sign3A_28 = arith.extui %sign3A_27 : i1 to i32
    %sign3A_29 = arith.subi %sign3A_25, %sign3A_28 : i32
    %ne3A = vector.broadcast %sign3A_29 : i32 to vector<16x256xi32>
    %ne3A_30 = arith.cmpi ne, %sign3A_22, %ne3A : vector<16x256xi32>
    %rem3A = vector.broadcast %jit3A_13 : i32 to vector<16x256xi32>
    %rem3A_31 = arith.remsi %iota3A_12, %rem3A : vector<16x256xi32>
    %ne3A_32 = arith.constant 0 : i32
    %ne3A_33 = vector.broadcast %ne3A_32 : i32 to vector<16x256xi32>
    %ne3A_34 = arith.cmpi ne, %rem3A_31, %ne3A_33 : vector<16x256xi32>
    %and3A = arith.andi %ne3A_30, %ne3A_34 : vector<16x256xi1>
    %sub3A = arith.constant 1 : i32
    %sub3A_35 = vector.broadcast %sub3A : i32 to vector<16x256xi32>
    %sub3A_36 = arith.subi %div3A_14, %sub3A_35 : vector<16x256xi32>
    %select_n3A_37 = arith.select %and3A, %sub3A_36, %div3A_14 : vector<16x256xi1>, vector<16x256xi32>
    %eq3A = arith.cmpi eq, %select_n3A_37, %iota3A_11 : vector<16x256xi32>
    %jit3A_38 = arith.constant 16 : i32
    %eq3A_39 = arith.constant 0 : i32
    %eq3A_40 = arith.cmpi eq, %jit3A_38, %eq3A_39 : i32
    %jit3A_41 = arith.constant 1 : i32
    %select_n3A_42 = arith.select %eq3A_40, %jit3A_41, %jit3A_38 : i32
    %rem3A_43 = vector.broadcast %select_n3A_42 : i32 to vector<16x256xi32>
    %rem3A_44 = arith.remsi %iota3A_12, %rem3A_43 : vector<16x256xi32>
    %ne3A_45 = arith.constant 0 : i32
    %ne3A_46 = vector.broadcast %ne3A_45 : i32 to vector<16x256xi32>
    %ne3A_47 = arith.cmpi ne, %rem3A_44, %ne3A_46 : vector<16x256xi32>
    %lt3A_48 = arith.constant 0 : i32
    %lt3A_49 = vector.broadcast %lt3A_48 : i32 to vector<16x256xi32>
    %lt3A_50 = arith.cmpi slt, %rem3A_44, %lt3A_49 : vector<16x256xi32>
    %lt3A_51 = arith.constant 0 : i32
    %lt3A_52 = arith.cmpi slt, %select_n3A_42, %lt3A_51 : i32
    %ne3A_53 = vector.broadcast %lt3A_52 : i1 to vector<16x256xi1>
    %ne3A_54 = vector.broadcast %ne3A_53 : vector<16x256xi1> to vector<16x256xi1>
    %ne3A_55 = arith.xori %lt3A_50, %ne3A_54 : vector<16x256xi1>
    %and3A_56 = arith.andi %ne3A_55, %ne3A_47 : vector<16x256xi1>
    %add3A_57 = vector.broadcast %select_n3A_42 : i32 to vector<16x256xi32>
    %add3A_58 = arith.addi %rem3A_44, %add3A_57 : vector<16x256xi32>
    %select_n3A_59 = arith.select %and3A_56, %add3A_58, %rem3A_44 : vector<16x256xi1>, vector<16x256xi32>
    %shift_left3A = arith.constant 1 : i32
    %shift_left3A_60 = vector.broadcast %shift_left3A : i32 to vector<16x256xi32>
    %shift_left3A_61 = arith.shli %shift_left3A_60, %select_n3A_59 : vector<16x256xi32>
    %jit3A_62 = arith.constant 0 : i32
    %broadcast_in_dim3A_63 = vector.broadcast %jit3A_62 : i32 to vector<16x256xi32>
    %select_n3A_64 = arith.select %eq3A, %shift_left3A_61, %broadcast_in_dim3A_63 : vector<16x256xi1>, vector<16x256xi32>
    %convert_element_type3A_65 = arith.sitofp %select_n3A_64 : vector<16x256xi32> to vector<16x256xf32>
    %dot_general3A = arith.constant dense<0.000000e+00> : vector<16x1024xf32>
    %dot_general3A_66 = tpu.matmul %convert_element_type3A_65, %convert_element_type3A, %dot_general3A {dimension_numbers = #tpu.dot_dimension_numbers<[1], [1], [0], [0], [0, 0, 1, 0], [], []>, transpose_lhs_hint = false} : vector<16x256xf32>, vector<1024x256xf32>, vector<16x1024xf32> -> vector<16x1024xf32>
    %convert_element_type3A_67 = arith.fptosi %dot_general3A_66 : vector<16x1024xf32> to vector<16x1024xi32>
    %reshape3A = vector.shape_cast %convert_element_type3A_67 : vector<16x1024xi32> to vector<16x8x128xi32>
    %slice3A = vector.extract_strided_slice %reshape3A {offsets = [0, 0, 0], sizes = [1, 8, 128], strides = [1, 1, 1]} : vector<16x8x128xi32> to vector<1x8x128xi32>
    %squeeze3A = vector.shape_cast %slice3A : vector<1x8x128xi32> to vector<8x128xi32>
    %slice3A_68 = vector.extract_strided_slice %reshape3A {offsets = [1, 0, 0], sizes = [1, 8, 128], strides = [1, 1, 1]} : vector<16x8x128xi32> to vector<1x8x128xi32>
    %squeeze3A_69 = vector.shape_cast %slice3A_68 : vector<1x8x128xi32> to vector<8x128xi32>
    %shift_left3A_70 = arith.constant 16 : i32
    %shift_left3A_71 = vector.broadcast %shift_left3A_70 : i32 to vector<8x128xi32>
    %shift_left3A_72 = arith.shli %squeeze3A_69, %shift_left3A_71 : vector<8x128xi32>
    %add3A_73 = arith.addi %squeeze3A, %shift_left3A_72 : vector<8x128xi32>
    %slice3A_74 = vector.extract_strided_slice %reshape3A {offsets = [2, 0, 0], sizes = [1, 8, 128], strides = [1, 1, 1]} : vector<16x8x128xi32> to vector<1x8x128xi32>
    %squeeze3A_75 = vector.shape_cast %slice3A_74 : vector<1x8x128xi32> to vector<8x128xi32>
    %slice3A_76 = vector.extract_strided_slice %reshape3A {offsets = [3, 0, 0], sizes = [1, 8, 128], strides = [1, 1, 1]} : vector<16x8x128xi32> to vector<1x8x128xi32>
    %squeeze3A_77 = vector.shape_cast %slice3A_76 : vector<1x8x128xi32> to vector<8x128xi32>
    %shift_left3A_78 = arith.constant 16 : i32
    %shift_left3A_79 = vector.broadcast %shift_left3A_78 : i32 to vector<8x128xi32>
    %shift_left3A_80 = arith.shli %squeeze3A_77, %shift_left3A_79 : vector<8x128xi32>
    %add3A_81 = arith.addi %squeeze3A_75, %shift_left3A_80 : vector<8x128xi32>
    %slice3A_82 = vector.extract_strided_slice %reshape3A {offsets = [4, 0, 0], sizes = [1, 8, 128], strides = [1, 1, 1]} : vector<16x8x128xi32> to vector<1x8x128xi32>
    %squeeze3A_83 = vector.shape_cast %slice3A_82 : vector<1x8x128xi32> to vector<8x128xi32>
    %slice3A_84 = vector.extract_strided_slice %reshape3A {offsets = [5, 0, 0], sizes = [1, 8, 128], strides = [1, 1, 1]} : vector<16x8x128xi32> to vector<1x8x128xi32>
    %squeeze3A_85 = vector.shape_cast %slice3A_84 : vector<1x8x128xi32> to vector<8x128xi32>
    %shift_left3A_86 = arith.constant 16 : i32
    %shift_left3A_87 = vector.broadcast %shift_left3A_86 : i32 to vector<8x128xi32>
    %shift_left3A_88 = arith.shli %squeeze3A_85, %shift_left3A_87 : vector<8x128xi32>
    %add3A_89 = arith.addi %squeeze3A_83, %shift_left3A_88 : vector<8x128xi32>
    %slice3A_90 = vector.extract_strided_slice %reshape3A {offsets = [6, 0, 0], sizes = [1, 8, 128], strides = [1, 1, 1]} : vector<16x8x128xi32> to vector<1x8x128xi32>
    %squeeze3A_91 = vector.shape_cast %slice3A_90 : vector<1x8x128xi32> to vector<8x128xi32>
    %slice3A_92 = vector.extract_strided_slice %reshape3A {offsets = [7, 0, 0], sizes = [1, 8, 128], strides = [1, 1, 1]} : vector<16x8x128xi32> to vector<1x8x128xi32>
    %squeeze3A_93 = vector.shape_cast %slice3A_92 : vector<1x8x128xi32> to vector<8x128xi32>
    %shift_left3A_94 = arith.constant 16 : i32
    %shift_left3A_95 = vector.broadcast %shift_left3A_94 : i32 to vector<8x128xi32>
    %shift_left3A_96 = arith.shli %squeeze3A_93, %shift_left3A_95 : vector<8x128xi32>
    %add3A_97 = arith.addi %squeeze3A_91, %shift_left3A_96 : vector<8x128xi32>
    %slice3A_98 = vector.extract_strided_slice %reshape3A {offsets = [8, 0, 0], sizes = [1, 8, 128], strides = [1, 1, 1]} : vector<16x8x128xi32> to vector<1x8x128xi32>
    %squeeze3A_99 = vector.shape_cast %slice3A_98 : vector<1x8x128xi32> to vector<8x128xi32>
    %slice3A_100 = vector.extract_strided_slice %reshape3A {offsets = [9, 0, 0], sizes = [1, 8, 128], strides = [1, 1, 1]} : vector<16x8x128xi32> to vector<1x8x128xi32>
    %squeeze3A_101 = vector.shape_cast %slice3A_100 : vector<1x8x128xi32> to vector<8x128xi32>
    %shift_left3A_102 = arith.constant 16 : i32
    %shift_left3A_103 = vector.broadcast %shift_left3A_102 : i32 to vector<8x128xi32>
    %shift_left3A_104 = arith.shli %squeeze3A_101, %shift_left3A_103 : vector<8x128xi32>
    %add3A_105 = arith.addi %squeeze3A_99, %shift_left3A_104 : vector<8x128xi32>
    %slice3A_106 = vector.extract_strided_slice %reshape3A {offsets = [10, 0, 0], sizes = [1, 8, 128], strides = [1, 1, 1]} : vector<16x8x128xi32> to vector<1x8x128xi32>
    %squeeze3A_107 = vector.shape_cast %slice3A_106 : vector<1x8x128xi32> to vector<8x128xi32>
    %slice3A_108 = vector.extract_strided_slice %reshape3A {offsets = [11, 0, 0], sizes = [1, 8, 128], strides = [1, 1, 1]} : vector<16x8x128xi32> to vector<1x8x128xi32>
    %squeeze3A_109 = vector.shape_cast %slice3A_108 : vector<1x8x128xi32> to vector<8x128xi32>
    %shift_left3A_110 = arith.constant 16 : i32
    %shift_left3A_111 = vector.broadcast %shift_left3A_110 : i32 to vector<8x128xi32>
    %shift_left3A_112 = arith.shli %squeeze3A_109, %shift_left3A_111 : vector<8x128xi32>
    %add3A_113 = arith.addi %squeeze3A_107, %shift_left3A_112 : vector<8x128xi32>
    %slice3A_114 = vector.extract_strided_slice %reshape3A {offsets = [12, 0, 0], sizes = [1, 8, 128], strides = [1, 1, 1]} : vector<16x8x128xi32> to vector<1x8x128xi32>
    %squeeze3A_115 = vector.shape_cast %slice3A_114 : vector<1x8x128xi32> to vector<8x128xi32>
    %slice3A_116 = vector.extract_strided_slice %reshape3A {offsets = [13, 0, 0], sizes = [1, 8, 128], strides = [1, 1, 1]} : vector<16x8x128xi32> to vector<1x8x128xi32>
    %squeeze3A_117 = vector.shape_cast %slice3A_116 : vector<1x8x128xi32> to vector<8x128xi32>
    %shift_left3A_118 = arith.constant 16 : i32
    %shift_left3A_119 = vector.broadcast %shift_left3A_118 : i32 to vector<8x128xi32>
    %shift_left3A_120 = arith.shli %squeeze3A_117, %shift_left3A_119 : vector<8x128xi32>
    %add3A_121 = arith.addi %squeeze3A_115, %shift_left3A_120 : vector<8x128xi32>
    %slice3A_122 = vector.extract_strided_slice %reshape3A {offsets = [14, 0, 0], sizes = [1, 8, 128], strides = [1, 1, 1]} : vector<16x8x128xi32> to vector<1x8x128xi32>
    %squeeze3A_123 = vector.shape_cast %slice3A_122 : vector<1x8x128xi32> to vector<8x128xi32>
    %slice3A_124 = vector.extract_strided_slice %reshape3A {offsets = [15, 0, 0], sizes = [1, 8, 128], strides = [1, 1, 1]} : vector<16x8x128xi32> to vector<1x8x128xi32>
    %squeeze3A_125 = vector.shape_cast %slice3A_124 : vector<1x8x128xi32> to vector<8x128xi32>
    %shift_left3A_126 = arith.constant 16 : i32
    %shift_left3A_127 = vector.broadcast %shift_left3A_126 : i32 to vector<8x128xi32>
    %shift_left3A_128 = arith.shli %squeeze3A_125, %shift_left3A_127 : vector<8x128xi32>
    %add3A_129 = arith.addi %squeeze3A_123, %shift_left3A_128 : vector<8x128xi32>
    %get3A_130 = arith.constant 0 : index
    %get3A_131 = arith.constant 0 : index
    %get3A_132 = vector.load %arg2[%get3A_130, %get3A_131] : memref<8x1024xi32, #tpu.memory_space<vmem>>, vector<8x1024xi32>
    %reshape3A_133 = vector.shape_cast %get3A_132 : vector<8x1024xi32> to vector<8x8x128xi32>
    %get3A_134 = arith.constant 0 : index
    %get3A_135 = arith.constant 0 : index
    %get3A_136 = vector.load %arg3[%get3A_134, %get3A_135] : memref<8x1024xi32, #tpu.memory_space<vmem>>, vector<8x1024xi32>
    %reshape3A_137 = vector.shape_cast %get3A_136 : vector<8x1024xi32> to vector<8x8x128xi32>
    %slice3A_138 = vector.extract_strided_slice %reshape3A_133 {offsets = [0, 0, 0], sizes = [1, 8, 128], strides = [1, 1, 1]} : vector<8x8x128xi32> to vector<1x8x128xi32>
    %squeeze3A_139 = vector.shape_cast %slice3A_138 : vector<1x8x128xi32> to vector<8x128xi32>
    %slice3A_140 = vector.extract_strided_slice %reshape3A_137 {offsets = [0, 0, 0], sizes = [1, 8, 128], strides = [1, 1, 1]} : vector<8x8x128xi32> to vector<1x8x128xi32>
    %squeeze3A_141 = vector.shape_cast %slice3A_140 : vector<1x8x128xi32> to vector<8x128xi32>
    %mul3A_142 = arith.muli %squeeze3A_139, %squeeze3A_141 : vector<8x128xi32>
    %slice3A_143 = vector.extract_strided_slice %reshape3A_133 {offsets = [1, 0, 0], sizes = [1, 8, 128], strides = [1, 1, 1]} : vector<8x8x128xi32> to vector<1x8x128xi32>
    %squeeze3A_144 = vector.shape_cast %slice3A_143 : vector<1x8x128xi32> to vector<8x128xi32>
    %slice3A_145 = vector.extract_strided_slice %reshape3A_137 {offsets = [1, 0, 0], sizes = [1, 8, 128], strides = [1, 1, 1]} : vector<8x8x128xi32> to vector<1x8x128xi32>
    %squeeze3A_146 = vector.shape_cast %slice3A_145 : vector<1x8x128xi32> to vector<8x128xi32>
    %mul3A_147 = arith.muli %squeeze3A_144, %squeeze3A_146 : vector<8x128xi32>
    %slice3A_148 = vector.extract_strided_slice %reshape3A_133 {offsets = [2, 0, 0], sizes = [1, 8, 128], strides = [1, 1, 1]} : vector<8x8x128xi32> to vector<1x8x128xi32>
    %squeeze3A_149 = vector.shape_cast %slice3A_148 : vector<1x8x128xi32> to vector<8x128xi32>
    %slice3A_150 = vector.extract_strided_slice %reshape3A_137 {offsets = [2, 0, 0], sizes = [1, 8, 128], strides = [1, 1, 1]} : vector<8x8x128xi32> to vector<1x8x128xi32>
    %squeeze3A_151 = vector.shape_cast %slice3A_150 : vector<1x8x128xi32> to vector<8x128xi32>
    %mul3A_152 = arith.muli %squeeze3A_149, %squeeze3A_151 : vector<8x128xi32>
    %slice3A_153 = vector.extract_strided_slice %reshape3A_133 {offsets = [3, 0, 0], sizes = [1, 8, 128], strides = [1, 1, 1]} : vector<8x8x128xi32> to vector<1x8x128xi32>
    %squeeze3A_154 = vector.shape_cast %slice3A_153 : vector<1x8x128xi32> to vector<8x128xi32>
    %slice3A_155 = vector.extract_strided_slice %reshape3A_137 {offsets = [3, 0, 0], sizes = [1, 8, 128], strides = [1, 1, 1]} : vector<8x8x128xi32> to vector<1x8x128xi32>
    %squeeze3A_156 = vector.shape_cast %slice3A_155 : vector<1x8x128xi32> to vector<8x128xi32>
    %mul3A_157 = arith.muli %squeeze3A_154, %squeeze3A_156 : vector<8x128xi32>
    %slice3A_158 = vector.extract_strided_slice %reshape3A_133 {offsets = [4, 0, 0], sizes = [1, 8, 128], strides = [1, 1, 1]} : vector<8x8x128xi32> to vector<1x8x128xi32>
    %squeeze3A_159 = vector.shape_cast %slice3A_158 : vector<1x8x128xi32> to vector<8x128xi32>
    %slice3A_160 = vector.extract_strided_slice %reshape3A_137 {offsets = [4, 0, 0], sizes = [1, 8, 128], strides = [1, 1, 1]} : vector<8x8x128xi32> to vector<1x8x128xi32>
    %squeeze3A_161 = vector.shape_cast %slice3A_160 : vector<1x8x128xi32> to vector<8x128xi32>
    %mul3A_162 = arith.muli %squeeze3A_159, %squeeze3A_161 : vector<8x128xi32>
    %slice3A_163 = vector.extract_strided_slice %reshape3A_133 {offsets = [5, 0, 0], sizes = [1, 8, 128], strides = [1, 1, 1]} : vector<8x8x128xi32> to vector<1x8x128xi32>
    %squeeze3A_164 = vector.shape_cast %slice3A_163 : vector<1x8x128xi32> to vector<8x128xi32>
    %slice3A_165 = vector.extract_strided_slice %reshape3A_137 {offsets = [5, 0, 0], sizes = [1, 8, 128], strides = [1, 1, 1]} : vector<8x8x128xi32> to vector<1x8x128xi32>
    %squeeze3A_166 = vector.shape_cast %slice3A_165 : vector<1x8x128xi32> to vector<8x128xi32>
    %mul3A_167 = arith.muli %squeeze3A_164, %squeeze3A_166 : vector<8x128xi32>
    %slice3A_168 = vector.extract_strided_slice %reshape3A_133 {offsets = [6, 0, 0], sizes = [1, 8, 128], strides = [1, 1, 1]} : vector<8x8x128xi32> to vector<1x8x128xi32>
    %squeeze3A_169 = vector.shape_cast %slice3A_168 : vector<1x8x128xi32> to vector<8x128xi32>
    %slice3A_170 = vector.extract_strided_slice %reshape3A_137 {offsets = [6, 0, 0], sizes = [1, 8, 128], strides = [1, 1, 1]} : vector<8x8x128xi32> to vector<1x8x128xi32>
    %squeeze3A_171 = vector.shape_cast %slice3A_170 : vector<1x8x128xi32> to vector<8x128xi32>
    %mul3A_172 = arith.muli %squeeze3A_169, %squeeze3A_171 : vector<8x128xi32>
    %slice3A_173 = vector.extract_strided_slice %reshape3A_133 {offsets = [7, 0, 0], sizes = [1, 8, 128], strides = [1, 1, 1]} : vector<8x8x128xi32> to vector<1x8x128xi32>
    %squeeze3A_174 = vector.shape_cast %slice3A_173 : vector<1x8x128xi32> to vector<8x128xi32>
    %slice3A_175 = vector.extract_strided_slice %reshape3A_137 {offsets = [7, 0, 0], sizes = [1, 8, 128], strides = [1, 1, 1]} : vector<8x8x128xi32> to vector<1x8x128xi32>
    %squeeze3A_176 = vector.shape_cast %slice3A_175 : vector<1x8x128xi32> to vector<8x128xi32>
    %mul3A_177 = arith.muli %squeeze3A_174, %squeeze3A_176 : vector<8x128xi32>
    %slice3A_178 = vector.extract_strided_slice %reshape3A_137 {offsets = [0, 0, 0], sizes = [1, 8, 128], strides = [1, 1, 1]} : vector<8x8x128xi32> to vector<1x8x128xi32>
    %squeeze3A_179 = vector.shape_cast %slice3A_178 : vector<1x8x128xi32> to vector<8x128xi32>
    %slice3A_180 = vector.extract_strided_slice %reshape3A_137 {offsets = [1, 0, 0], sizes = [1, 8, 128], strides = [1, 1, 1]} : vector<8x8x128xi32> to vector<1x8x128xi32>
    %squeeze3A_181 = vector.shape_cast %slice3A_180 : vector<1x8x128xi32> to vector<8x128xi32>
    %add3A_182 = arith.addi %squeeze3A_179, %squeeze3A_181 : vector<8x128xi32>
    %slice3A_183 = vector.extract_strided_slice %reshape3A_137 {offsets = [2, 0, 0], sizes = [1, 8, 128], strides = [1, 1, 1]} : vector<8x8x128xi32> to vector<1x8x128xi32>
    %squeeze3A_184 = vector.shape_cast %slice3A_183 : vector<1x8x128xi32> to vector<8x128xi32>
    %add3A_185 = arith.addi %add3A_182, %squeeze3A_184 : vector<8x128xi32>
    %slice3A_186 = vector.extract_strided_slice %reshape3A_137 {offsets = [3, 0, 0], sizes = [1, 8, 128], strides = [1, 1, 1]} : vector<8x8x128xi32> to vector<1x8x128xi32>
    %squeeze3A_187 = vector.shape_cast %slice3A_186 : vector<1x8x128xi32> to vector<8x128xi32>
    %add3A_188 = arith.addi %add3A_185, %squeeze3A_187 : vector<8x128xi32>
    %slice3A_189 = vector.extract_strided_slice %reshape3A_137 {offsets = [4, 0, 0], sizes = [1, 8, 128], strides = [1, 1, 1]} : vector<8x8x128xi32> to vector<1x8x128xi32>
    %squeeze3A_190 = vector.shape_cast %slice3A_189 : vector<1x8x128xi32> to vector<8x128xi32>
    %add3A_191 = arith.addi %add3A_188, %squeeze3A_190 : vector<8x128xi32>
    %slice3A_192 = vector.extract_strided_slice %reshape3A_137 {offsets = [5, 0, 0], sizes = [1, 8, 128], strides = [1, 1, 1]} : vector<8x8x128xi32> to vector<1x8x128xi32>
    %squeeze3A_193 = vector.shape_cast %slice3A_192 : vector<1x8x128xi32> to vector<8x128xi32>
    %add3A_194 = arith.addi %add3A_191, %squeeze3A_193 : vector<8x128xi32>
    %slice3A_195 = vector.extract_strided_slice %reshape3A_137 {offsets = [6, 0, 0], sizes = [1, 8, 128], strides = [1, 1, 1]} : vector<8x8x128xi32> to vector<1x8x128xi32>
    %squeeze3A_196 = vector.shape_cast %slice3A_195 : vector<1x8x128xi32> to vector<8x128xi32>
    %add3A_197 = arith.addi %add3A_194, %squeeze3A_196 : vector<8x128xi32>
    %slice3A_198 = vector.extract_strided_slice %reshape3A_137 {offsets = [7, 0, 0], sizes = [1, 8, 128], strides = [1, 1, 1]} : vector<8x8x128xi32> to vector<1x8x128xi32>
    %squeeze3A_199 = vector.shape_cast %slice3A_198 : vector<1x8x128xi32> to vector<8x128xi32>
    %add3A_200 = arith.addi %add3A_197, %squeeze3A_199 : vector<8x128xi32>
    %eq3A_201 = arith.constant 0 : i32
    %eq3A_202 = vector.broadcast %eq3A_201 : i32 to vector<8x128xi32>
    %eq3A_203 = arith.cmpi eq, %add3A_200, %eq3A_202 : vector<8x128xi32>
    %get3A_204 = arith.constant 0 : index
    %get3A_205 = arith.constant 0 : index
    %get3A_206 = arith.constant 0 : index
    %get3A_207 = vector.load %arg4[%get3A_204, %get3A_205, %get3A_206] : memref<1x8x128xi32, #tpu.memory_space<vmem>>, vector<1x8x128xi32>
    %reshape3A_208 = vector.shape_cast %get3A_207 : vector<1x8x128xi32> to vector<8x128xi32>
    %shift_right_arithmetic3A = arith.constant 0 : i32
    %shift_right_arithmetic3A_209 = vector.broadcast %shift_right_arithmetic3A : i32 to vector<8x128xi32>
    %shift_right_arithmetic3A_210 = arith.shrsi %mul3A_142, %shift_right_arithmetic3A_209 : vector<8x128xi32>
    %and3A_211 = arith.constant 16843009 : i32
    %and3A_212 = vector.broadcast %and3A_211 : i32 to vector<8x128xi32>
    %and3A_213 = arith.andi %shift_right_arithmetic3A_210, %and3A_212 : vector<8x128xi32>
    %shift_right_arithmetic3A_214 = arith.constant 0 : i32
    %shift_right_arithmetic3A_215 = vector.broadcast %shift_right_arithmetic3A_214 : i32 to vector<8x128xi32>
    %shift_right_arithmetic3A_216 = arith.shrsi %mul3A_147, %shift_right_arithmetic3A_215 : vector<8x128xi32>
    %and3A_217 = arith.constant 16843009 : i32
    %and3A_218 = vector.broadcast %and3A_217 : i32 to vector<8x128xi32>
    %and3A_219 = arith.andi %shift_right_arithmetic3A_216, %and3A_218 : vector<8x128xi32>
    %add3A_220 = arith.addi %and3A_213, %and3A_213 : vector<8x128xi32>
    %add3A_221 = arith.addi %add3A_220, %and3A_219 : vector<8x128xi32>
    %shift_right_arithmetic3A_222 = arith.constant 0 : i32
    %shift_right_arithmetic3A_223 = vector.broadcast %shift_right_arithmetic3A_222 : i32 to vector<8x128xi32>
    %shift_right_arithmetic3A_224 = arith.shrsi %mul3A_152, %shift_right_arithmetic3A_223 : vector<8x128xi32>
    %and3A_225 = arith.constant 16843009 : i32
    %and3A_226 = vector.broadcast %and3A_225 : i32 to vector<8x128xi32>
    %and3A_227 = arith.andi %shift_right_arithmetic3A_224, %and3A_226 : vector<8x128xi32>
    %add3A_228 = arith.addi %add3A_221, %add3A_221 : vector<8x128xi32>
    %add3A_229 = arith.addi %add3A_228, %and3A_227 : vector<8x128xi32>
    %shift_right_arithmetic3A_230 = arith.constant 0 : i32
    %shift_right_arithmetic3A_231 = vector.broadcast %shift_right_arithmetic3A_230 : i32 to vector<8x128xi32>
    %shift_right_arithmetic3A_232 = arith.shrsi %mul3A_157, %shift_right_arithmetic3A_231 : vector<8x128xi32>
    %and3A_233 = arith.constant 16843009 : i32
    %and3A_234 = vector.broadcast %and3A_233 : i32 to vector<8x128xi32>
    %and3A_235 = arith.andi %shift_right_arithmetic3A_232, %and3A_234 : vector<8x128xi32>
    %add3A_236 = arith.addi %add3A_229, %add3A_229 : vector<8x128xi32>
    %add3A_237 = arith.addi %add3A_236, %and3A_235 : vector<8x128xi32>
    %shift_right_arithmetic3A_238 = arith.constant 0 : i32
    %shift_right_arithmetic3A_239 = vector.broadcast %shift_right_arithmetic3A_238 : i32 to vector<8x128xi32>
    %shift_right_arithmetic3A_240 = arith.shrsi %mul3A_162, %shift_right_arithmetic3A_239 : vector<8x128xi32>
    %and3A_241 = arith.constant 16843009 : i32
    %and3A_242 = vector.broadcast %and3A_241 : i32 to vector<8x128xi32>
    %and3A_243 = arith.andi %shift_right_arithmetic3A_240, %and3A_242 : vector<8x128xi32>
    %add3A_244 = arith.addi %add3A_237, %add3A_237 : vector<8x128xi32>
    %add3A_245 = arith.addi %add3A_244, %and3A_243 : vector<8x128xi32>
    %shift_right_arithmetic3A_246 = arith.constant 0 : i32
    %shift_right_arithmetic3A_247 = vector.broadcast %shift_right_arithmetic3A_246 : i32 to vector<8x128xi32>
    %shift_right_arithmetic3A_248 = arith.shrsi %mul3A_167, %shift_right_arithmetic3A_247 : vector<8x128xi32>
    %and3A_249 = arith.constant 16843009 : i32
    %and3A_250 = vector.broadcast %and3A_249 : i32 to vector<8x128xi32>
    %and3A_251 = arith.andi %shift_right_arithmetic3A_248, %and3A_250 : vector<8x128xi32>
    %add3A_252 = arith.addi %add3A_245, %add3A_245 : vector<8x128xi32>
    %add3A_253 = arith.addi %add3A_252, %and3A_251 : vector<8x128xi32>
    %shift_right_arithmetic3A_254 = arith.constant 0 : i32
    %shift_right_arithmetic3A_255 = vector.broadcast %shift_right_arithmetic3A_254 : i32 to vector<8x128xi32>
    %shift_right_arithmetic3A_256 = arith.shrsi %mul3A_172, %shift_right_arithmetic3A_255 : vector<8x128xi32>
    %and3A_257 = arith.constant 16843009 : i32
    %and3A_258 = vector.broadcast %and3A_257 : i32 to vector<8x128xi32>
    %and3A_259 = arith.andi %shift_right_arithmetic3A_256, %and3A_258 : vector<8x128xi32>
    %add3A_260 = arith.addi %add3A_253, %add3A_253 : vector<8x128xi32>
    %add3A_261 = arith.addi %add3A_260, %and3A_259 : vector<8x128xi32>
    %shift_right_arithmetic3A_262 = arith.constant 0 : i32
    %shift_right_arithmetic3A_263 = vector.broadcast %shift_right_arithmetic3A_262 : i32 to vector<8x128xi32>
    %shift_right_arithmetic3A_264 = arith.shrsi %mul3A_177, %shift_right_arithmetic3A_263 : vector<8x128xi32>
    %and3A_265 = arith.constant 16843009 : i32
    %and3A_266 = vector.broadcast %and3A_265 : i32 to vector<8x128xi32>
    %and3A_267 = arith.andi %shift_right_arithmetic3A_264, %and3A_266 : vector<8x128xi32>
    %add3A_268 = arith.addi %add3A_261, %add3A_261 : vector<8x128xi32>
    %add3A_269 = arith.addi %add3A_268, %and3A_267 : vector<8x128xi32>
    %shift_right_arithmetic3A_270 = arith.constant 0 : i32
    %shift_right_arithmetic3A_271 = vector.broadcast %shift_right_arithmetic3A_270 : i32 to vector<8x128xi32>
    %shift_right_arithmetic3A_272 = arith.shrsi %reshape3A_208, %shift_right_arithmetic3A_271 : vector<8x128xi32>
    %and3A_273 = arith.constant 16843009 : i32
    %and3A_274 = vector.broadcast %and3A_273 : i32 to vector<8x128xi32>
    %and3A_275 = arith.andi %shift_right_arithmetic3A_272, %and3A_274 : vector<8x128xi32>
    %shift_right_arithmetic3A_276 = arith.constant 0 : i32
    %shift_right_arithmetic3A_277 = vector.broadcast %shift_right_arithmetic3A_276 : i32 to vector<8x128xi32>
    %shift_right_arithmetic3A_278 = arith.shrsi %add3A_269, %shift_right_arithmetic3A_277 : vector<8x128xi32>
    %and3A_279 = arith.constant 255 : i32
    %and3A_280 = vector.broadcast %and3A_279 : i32 to vector<8x128xi32>
    %and3A_281 = arith.andi %shift_right_arithmetic3A_278, %and3A_280 : vector<8x128xi32>
    %shift_right_arithmetic3A_282 = arith.constant 5 : i32
    %shift_right_arithmetic3A_283 = vector.broadcast %shift_right_arithmetic3A_282 : i32 to vector<8x128xi32>
    %shift_right_arithmetic3A_284 = arith.shrsi %and3A_281, %shift_right_arithmetic3A_283 : vector<8x128xi32>
    %and3A_285 = arith.constant 1 : i32
    %and3A_286 = vector.broadcast %and3A_285 : i32 to vector<8x128xi32>
    %and3A_287 = arith.andi %shift_right_arithmetic3A_284, %and3A_286 : vector<8x128xi32>
    %shift_right_arithmetic3A_288 = arith.constant 6 : i32
    %shift_right_arithmetic3A_289 = vector.broadcast %shift_right_arithmetic3A_288 : i32 to vector<8x128xi32>
    %shift_right_arithmetic3A_290 = arith.shrsi %and3A_281, %shift_right_arithmetic3A_289 : vector<8x128xi32>
    %and3A_291 = arith.constant 1 : i32
    %and3A_292 = vector.broadcast %and3A_291 : i32 to vector<8x128xi32>
    %and3A_293 = arith.andi %shift_right_arithmetic3A_290, %and3A_292 : vector<8x128xi32>
    %shift_right_arithmetic3A_294 = arith.constant 7 : i32
    %shift_right_arithmetic3A_295 = vector.broadcast %shift_right_arithmetic3A_294 : i32 to vector<8x128xi32>
    %shift_right_arithmetic3A_296 = arith.shrsi %and3A_281, %shift_right_arithmetic3A_295 : vector<8x128xi32>
    %and3A_297 = arith.constant 1 : i32
    %and3A_298 = vector.broadcast %and3A_297 : i32 to vector<8x128xi32>
    %and3A_299 = arith.andi %shift_right_arithmetic3A_296, %and3A_298 : vector<8x128xi32>
    %eq3A_300 = arith.constant 0 : i32
    %eq3A_301 = vector.broadcast %eq3A_300 : i32 to vector<8x128xi32>
    %eq3A_302 = arith.cmpi eq, %and3A_287, %eq3A_301 : vector<8x128xi32>
    %select_n3A_303 = arith.select %eq3A_302, %add3A_73, %add3A_81 : vector<8x128xi1>, vector<8x128xi32>
    %eq3A_304 = arith.constant 0 : i32
    %eq3A_305 = vector.broadcast %eq3A_304 : i32 to vector<8x128xi32>
    %eq3A_306 = arith.cmpi eq, %and3A_287, %eq3A_305 : vector<8x128xi32>
    %select_n3A_307 = arith.select %eq3A_306, %add3A_89, %add3A_97 : vector<8x128xi1>, vector<8x128xi32>
    %eq3A_308 = arith.constant 0 : i32
    %eq3A_309 = vector.broadcast %eq3A_308 : i32 to vector<8x128xi32>
    %eq3A_310 = arith.cmpi eq, %and3A_287, %eq3A_309 : vector<8x128xi32>
    %select_n3A_311 = arith.select %eq3A_310, %add3A_105, %add3A_113 : vector<8x128xi1>, vector<8x128xi32>
    %eq3A_312 = arith.constant 0 : i32
    %eq3A_313 = vector.broadcast %eq3A_312 : i32 to vector<8x128xi32>
    %eq3A_314 = arith.cmpi eq, %and3A_287, %eq3A_313 : vector<8x128xi32>
    %select_n3A_315 = arith.select %eq3A_314, %add3A_121, %add3A_129 : vector<8x128xi1>, vector<8x128xi32>
    %eq3A_316 = arith.constant 0 : i32
    %eq3A_317 = vector.broadcast %eq3A_316 : i32 to vector<8x128xi32>
    %eq3A_318 = arith.cmpi eq, %and3A_293, %eq3A_317 : vector<8x128xi32>
    %select_n3A_319 = arith.select %eq3A_318, %select_n3A_303, %select_n3A_307 : vector<8x128xi1>, vector<8x128xi32>
    %eq3A_320 = arith.constant 0 : i32
    %eq3A_321 = vector.broadcast %eq3A_320 : i32 to vector<8x128xi32>
    %eq3A_322 = arith.cmpi eq, %and3A_293, %eq3A_321 : vector<8x128xi32>
    %select_n3A_323 = arith.select %eq3A_322, %select_n3A_311, %select_n3A_315 : vector<8x128xi1>, vector<8x128xi32>
    %eq3A_324 = arith.constant 0 : i32
    %eq3A_325 = vector.broadcast %eq3A_324 : i32 to vector<8x128xi32>
    %eq3A_326 = arith.cmpi eq, %and3A_299, %eq3A_325 : vector<8x128xi32>
    %select_n3A_327 = arith.select %eq3A_326, %select_n3A_319, %select_n3A_323 : vector<8x128xi1>, vector<8x128xi32>
    %and3A_328 = arith.constant 31 : i32
    %and3A_329 = vector.broadcast %and3A_328 : i32 to vector<8x128xi32>
    %and3A_330 = arith.andi %and3A_281, %and3A_329 : vector<8x128xi32>
    %shift_right_arithmetic3A_331 = arith.shrsi %select_n3A_327, %and3A_330 : vector<8x128xi32>
    %and3A_332 = arith.constant 1 : i32
    %and3A_333 = vector.broadcast %and3A_332 : i32 to vector<8x128xi32>
    %and3A_334 = arith.andi %shift_right_arithmetic3A_331, %and3A_333 : vector<8x128xi32>
    %shift_right_arithmetic3A_335 = arith.constant 0 : i32
    %shift_right_arithmetic3A_336 = vector.broadcast %shift_right_arithmetic3A_335 : i32 to vector<8x128xi32>
    %shift_right_arithmetic3A_337 = arith.shrsi %and3A_275, %shift_right_arithmetic3A_336 : vector<8x128xi32>
    %and3A_338 = arith.constant 1 : i32
    %and3A_339 = vector.broadcast %and3A_338 : i32 to vector<8x128xi32>
    %and3A_340 = arith.andi %shift_right_arithmetic3A_337, %and3A_339 : vector<8x128xi32>
    %select_n3A_341 = arith.select %eq3A_203, %and3A_340, %and3A_334 : vector<8x128xi1>, vector<8x128xi32>
    %shift_right_arithmetic3A_342 = arith.constant 8 : i32
    %shift_right_arithmetic3A_343 = vector.broadcast %shift_right_arithmetic3A_342 : i32 to vector<8x128xi32>
    %shift_right_arithmetic3A_344 = arith.shrsi %add3A_269, %shift_right_arithmetic3A_343 : vector<8x128xi32>
    %and3A_345 = arith.constant 255 : i32
    %and3A_346 = vector.broadcast %and3A_345 : i32 to vector<8x128xi32>
    %and3A_347 = arith.andi %shift_right_arithmetic3A_344, %and3A_346 : vector<8x128xi32>
    %shift_right_arithmetic3A_348 = arith.constant 5 : i32
    %shift_right_arithmetic3A_349 = vector.broadcast %shift_right_arithmetic3A_348 : i32 to vector<8x128xi32>
    %shift_right_arithmetic3A_350 = arith.shrsi %and3A_347, %shift_right_arithmetic3A_349 : vector<8x128xi32>
    %and3A_351 = arith.constant 1 : i32
    %and3A_352 = vector.broadcast %and3A_351 : i32 to vector<8x128xi32>
    %and3A_353 = arith.andi %shift_right_arithmetic3A_350, %and3A_352 : vector<8x128xi32>
    %shift_right_arithmetic3A_354 = arith.constant 6 : i32
    %shift_right_arithmetic3A_355 = vector.broadcast %shift_right_arithmetic3A_354 : i32 to vector<8x128xi32>
    %shift_right_arithmetic3A_356 = arith.shrsi %and3A_347, %shift_right_arithmetic3A_355 : vector<8x128xi32>
    %and3A_357 = arith.constant 1 : i32
    %and3A_358 = vector.broadcast %and3A_357 : i32 to vector<8x128xi32>
    %and3A_359 = arith.andi %shift_right_arithmetic3A_356, %and3A_358 : vector<8x128xi32>
    %shift_right_arithmetic3A_360 = arith.constant 7 : i32
    %shift_right_arithmetic3A_361 = vector.broadcast %shift_right_arithmetic3A_360 : i32 to vector<8x128xi32>
    %shift_right_arithmetic3A_362 = arith.shrsi %and3A_347, %shift_right_arithmetic3A_361 : vector<8x128xi32>
    %and3A_363 = arith.constant 1 : i32
    %and3A_364 = vector.broadcast %and3A_363 : i32 to vector<8x128xi32>
    %and3A_365 = arith.andi %shift_right_arithmetic3A_362, %and3A_364 : vector<8x128xi32>
    %eq3A_366 = arith.constant 0 : i32
    %eq3A_367 = vector.broadcast %eq3A_366 : i32 to vector<8x128xi32>
    %eq3A_368 = arith.cmpi eq, %and3A_353, %eq3A_367 : vector<8x128xi32>
    %select_n3A_369 = arith.select %eq3A_368, %add3A_73, %add3A_81 : vector<8x128xi1>, vector<8x128xi32>
    %eq3A_370 = arith.constant 0 : i32
    %eq3A_371 = vector.broadcast %eq3A_370 : i32 to vector<8x128xi32>
    %eq3A_372 = arith.cmpi eq, %and3A_353, %eq3A_371 : vector<8x128xi32>
    %select_n3A_373 = arith.select %eq3A_372, %add3A_89, %add3A_97 : vector<8x128xi1>, vector<8x128xi32>
    %eq3A_374 = arith.constant 0 : i32
    %eq3A_375 = vector.broadcast %eq3A_374 : i32 to vector<8x128xi32>
    %eq3A_376 = arith.cmpi eq, %and3A_353, %eq3A_375 : vector<8x128xi32>
    %select_n3A_377 = arith.select %eq3A_376, %add3A_105, %add3A_113 : vector<8x128xi1>, vector<8x128xi32>
    %eq3A_378 = arith.constant 0 : i32
    %eq3A_379 = vector.broadcast %eq3A_378 : i32 to vector<8x128xi32>
    %eq3A_380 = arith.cmpi eq, %and3A_353, %eq3A_379 : vector<8x128xi32>
    %select_n3A_381 = arith.select %eq3A_380, %add3A_121, %add3A_129 : vector<8x128xi1>, vector<8x128xi32>
    %eq3A_382 = arith.constant 0 : i32
    %eq3A_383 = vector.broadcast %eq3A_382 : i32 to vector<8x128xi32>
    %eq3A_384 = arith.cmpi eq, %and3A_359, %eq3A_383 : vector<8x128xi32>
    %select_n3A_385 = arith.select %eq3A_384, %select_n3A_369, %select_n3A_373 : vector<8x128xi1>, vector<8x128xi32>
    %eq3A_386 = arith.constant 0 : i32
    %eq3A_387 = vector.broadcast %eq3A_386 : i32 to vector<8x128xi32>
    %eq3A_388 = arith.cmpi eq, %and3A_359, %eq3A_387 : vector<8x128xi32>
    %select_n3A_389 = arith.select %eq3A_388, %select_n3A_377, %select_n3A_381 : vector<8x128xi1>, vector<8x128xi32>
    %eq3A_390 = arith.constant 0 : i32
    %eq3A_391 = vector.broadcast %eq3A_390 : i32 to vector<8x128xi32>
    %eq3A_392 = arith.cmpi eq, %and3A_365, %eq3A_391 : vector<8x128xi32>
    %select_n3A_393 = arith.select %eq3A_392, %select_n3A_385, %select_n3A_389 : vector<8x128xi1>, vector<8x128xi32>
    %and3A_394 = arith.constant 31 : i32
    %and3A_395 = vector.broadcast %and3A_394 : i32 to vector<8x128xi32>
    %and3A_396 = arith.andi %and3A_347, %and3A_395 : vector<8x128xi32>
    %shift_right_arithmetic3A_397 = arith.shrsi %select_n3A_393, %and3A_396 : vector<8x128xi32>
    %and3A_398 = arith.constant 1 : i32
    %and3A_399 = vector.broadcast %and3A_398 : i32 to vector<8x128xi32>
    %and3A_400 = arith.andi %shift_right_arithmetic3A_397, %and3A_399 : vector<8x128xi32>
    %shift_right_arithmetic3A_401 = arith.constant 8 : i32
    %shift_right_arithmetic3A_402 = vector.broadcast %shift_right_arithmetic3A_401 : i32 to vector<8x128xi32>
    %shift_right_arithmetic3A_403 = arith.shrsi %and3A_275, %shift_right_arithmetic3A_402 : vector<8x128xi32>
    %and3A_404 = arith.constant 1 : i32
    %and3A_405 = vector.broadcast %and3A_404 : i32 to vector<8x128xi32>
    %and3A_406 = arith.andi %shift_right_arithmetic3A_403, %and3A_405 : vector<8x128xi32>
    %select_n3A_407 = arith.select %eq3A_203, %and3A_406, %and3A_400 : vector<8x128xi1>, vector<8x128xi32>
    %shift_right_arithmetic3A_408 = arith.constant 16 : i32
    %shift_right_arithmetic3A_409 = vector.broadcast %shift_right_arithmetic3A_408 : i32 to vector<8x128xi32>
    %shift_right_arithmetic3A_410 = arith.shrsi %add3A_269, %shift_right_arithmetic3A_409 : vector<8x128xi32>
    %and3A_411 = arith.constant 255 : i32
    %and3A_412 = vector.broadcast %and3A_411 : i32 to vector<8x128xi32>
    %and3A_413 = arith.andi %shift_right_arithmetic3A_410, %and3A_412 : vector<8x128xi32>
    %shift_right_arithmetic3A_414 = arith.constant 5 : i32
    %shift_right_arithmetic3A_415 = vector.broadcast %shift_right_arithmetic3A_414 : i32 to vector<8x128xi32>
    %shift_right_arithmetic3A_416 = arith.shrsi %and3A_413, %shift_right_arithmetic3A_415 : vector<8x128xi32>
    %and3A_417 = arith.constant 1 : i32
    %and3A_418 = vector.broadcast %and3A_417 : i32 to vector<8x128xi32>
    %and3A_419 = arith.andi %shift_right_arithmetic3A_416, %and3A_418 : vector<8x128xi32>
    %shift_right_arithmetic3A_420 = arith.constant 6 : i32
    %shift_right_arithmetic3A_421 = vector.broadcast %shift_right_arithmetic3A_420 : i32 to vector<8x128xi32>
    %shift_right_arithmetic3A_422 = arith.shrsi %and3A_413, %shift_right_arithmetic3A_421 : vector<8x128xi32>
    %and3A_423 = arith.constant 1 : i32
    %and3A_424 = vector.broadcast %and3A_423 : i32 to vector<8x128xi32>
    %and3A_425 = arith.andi %shift_right_arithmetic3A_422, %and3A_424 : vector<8x128xi32>
    %shift_right_arithmetic3A_426 = arith.constant 7 : i32
    %shift_right_arithmetic3A_427 = vector.broadcast %shift_right_arithmetic3A_426 : i32 to vector<8x128xi32>
    %shift_right_arithmetic3A_428 = arith.shrsi %and3A_413, %shift_right_arithmetic3A_427 : vector<8x128xi32>
    %and3A_429 = arith.constant 1 : i32
    %and3A_430 = vector.broadcast %and3A_429 : i32 to vector<8x128xi32>
    %and3A_431 = arith.andi %shift_right_arithmetic3A_428, %and3A_430 : vector<8x128xi32>
    %eq3A_432 = arith.constant 0 : i32
    %eq3A_433 = vector.broadcast %eq3A_432 : i32 to vector<8x128xi32>
    %eq3A_434 = arith.cmpi eq, %and3A_419, %eq3A_433 : vector<8x128xi32>
    %select_n3A_435 = arith.select %eq3A_434, %add3A_73, %add3A_81 : vector<8x128xi1>, vector<8x128xi32>
    %eq3A_436 = arith.constant 0 : i32
    %eq3A_437 = vector.broadcast %eq3A_436 : i32 to vector<8x128xi32>
    %eq3A_438 = arith.cmpi eq, %and3A_419, %eq3A_437 : vector<8x128xi32>
    %select_n3A_439 = arith.select %eq3A_438, %add3A_89, %add3A_97 : vector<8x128xi1>, vector<8x128xi32>
    %eq3A_440 = arith.constant 0 : i32
    %eq3A_441 = vector.broadcast %eq3A_440 : i32 to vector<8x128xi32>
    %eq3A_442 = arith.cmpi eq, %and3A_419, %eq3A_441 : vector<8x128xi32>
    %select_n3A_443 = arith.select %eq3A_442, %add3A_105, %add3A_113 : vector<8x128xi1>, vector<8x128xi32>
    %eq3A_444 = arith.constant 0 : i32
    %eq3A_445 = vector.broadcast %eq3A_444 : i32 to vector<8x128xi32>
    %eq3A_446 = arith.cmpi eq, %and3A_419, %eq3A_445 : vector<8x128xi32>
    %select_n3A_447 = arith.select %eq3A_446, %add3A_121, %add3A_129 : vector<8x128xi1>, vector<8x128xi32>
    %eq3A_448 = arith.constant 0 : i32
    %eq3A_449 = vector.broadcast %eq3A_448 : i32 to vector<8x128xi32>
    %eq3A_450 = arith.cmpi eq, %and3A_425, %eq3A_449 : vector<8x128xi32>
    %select_n3A_451 = arith.select %eq3A_450, %select_n3A_435, %select_n3A_439 : vector<8x128xi1>, vector<8x128xi32>
    %eq3A_452 = arith.constant 0 : i32
    %eq3A_453 = vector.broadcast %eq3A_452 : i32 to vector<8x128xi32>
    %eq3A_454 = arith.cmpi eq, %and3A_425, %eq3A_453 : vector<8x128xi32>
    %select_n3A_455 = arith.select %eq3A_454, %select_n3A_443, %select_n3A_447 : vector<8x128xi1>, vector<8x128xi32>
    %eq3A_456 = arith.constant 0 : i32
    %eq3A_457 = vector.broadcast %eq3A_456 : i32 to vector<8x128xi32>
    %eq3A_458 = arith.cmpi eq, %and3A_431, %eq3A_457 : vector<8x128xi32>
    %select_n3A_459 = arith.select %eq3A_458, %select_n3A_451, %select_n3A_455 : vector<8x128xi1>, vector<8x128xi32>
    %and3A_460 = arith.constant 31 : i32
    %and3A_461 = vector.broadcast %and3A_460 : i32 to vector<8x128xi32>
    %and3A_462 = arith.andi %and3A_413, %and3A_461 : vector<8x128xi32>
    %shift_right_arithmetic3A_463 = arith.shrsi %select_n3A_459, %and3A_462 : vector<8x128xi32>
    %and3A_464 = arith.constant 1 : i32
    %and3A_465 = vector.broadcast %and3A_464 : i32 to vector<8x128xi32>
    %and3A_466 = arith.andi %shift_right_arithmetic3A_463, %and3A_465 : vector<8x128xi32>
    %shift_right_arithmetic3A_467 = arith.constant 16 : i32
    %shift_right_arithmetic3A_468 = vector.broadcast %shift_right_arithmetic3A_467 : i32 to vector<8x128xi32>
    %shift_right_arithmetic3A_469 = arith.shrsi %and3A_275, %shift_right_arithmetic3A_468 : vector<8x128xi32>
    %and3A_470 = arith.constant 1 : i32
    %and3A_471 = vector.broadcast %and3A_470 : i32 to vector<8x128xi32>
    %and3A_472 = arith.andi %shift_right_arithmetic3A_469, %and3A_471 : vector<8x128xi32>
    %select_n3A_473 = arith.select %eq3A_203, %and3A_472, %and3A_466 : vector<8x128xi1>, vector<8x128xi32>
    %shift_right_arithmetic3A_474 = arith.constant 24 : i32
    %shift_right_arithmetic3A_475 = vector.broadcast %shift_right_arithmetic3A_474 : i32 to vector<8x128xi32>
    %shift_right_arithmetic3A_476 = arith.shrsi %add3A_269, %shift_right_arithmetic3A_475 : vector<8x128xi32>
    %and3A_477 = arith.constant 255 : i32
    %and3A_478 = vector.broadcast %and3A_477 : i32 to vector<8x128xi32>
    %and3A_479 = arith.andi %shift_right_arithmetic3A_476, %and3A_478 : vector<8x128xi32>
    %shift_right_arithmetic3A_480 = arith.constant 5 : i32
    %shift_right_arithmetic3A_481 = vector.broadcast %shift_right_arithmetic3A_480 : i32 to vector<8x128xi32>
    %shift_right_arithmetic3A_482 = arith.shrsi %and3A_479, %shift_right_arithmetic3A_481 : vector<8x128xi32>
    %and3A_483 = arith.constant 1 : i32
    %and3A_484 = vector.broadcast %and3A_483 : i32 to vector<8x128xi32>
    %and3A_485 = arith.andi %shift_right_arithmetic3A_482, %and3A_484 : vector<8x128xi32>
    %shift_right_arithmetic3A_486 = arith.constant 6 : i32
    %shift_right_arithmetic3A_487 = vector.broadcast %shift_right_arithmetic3A_486 : i32 to vector<8x128xi32>
    %shift_right_arithmetic3A_488 = arith.shrsi %and3A_479, %shift_right_arithmetic3A_487 : vector<8x128xi32>
    %and3A_489 = arith.constant 1 : i32
    %and3A_490 = vector.broadcast %and3A_489 : i32 to vector<8x128xi32>
    %and3A_491 = arith.andi %shift_right_arithmetic3A_488, %and3A_490 : vector<8x128xi32>
    %shift_right_arithmetic3A_492 = arith.constant 7 : i32
    %shift_right_arithmetic3A_493 = vector.broadcast %shift_right_arithmetic3A_492 : i32 to vector<8x128xi32>
    %shift_right_arithmetic3A_494 = arith.shrsi %and3A_479, %shift_right_arithmetic3A_493 : vector<8x128xi32>
    %and3A_495 = arith.constant 1 : i32
    %and3A_496 = vector.broadcast %and3A_495 : i32 to vector<8x128xi32>
    %and3A_497 = arith.andi %shift_right_arithmetic3A_494, %and3A_496 : vector<8x128xi32>
    %eq3A_498 = arith.constant 0 : i32
    %eq3A_499 = vector.broadcast %eq3A_498 : i32 to vector<8x128xi32>
    %eq3A_500 = arith.cmpi eq, %and3A_485, %eq3A_499 : vector<8x128xi32>
    %select_n3A_501 = arith.select %eq3A_500, %add3A_73, %add3A_81 : vector<8x128xi1>, vector<8x128xi32>
    %eq3A_502 = arith.constant 0 : i32
    %eq3A_503 = vector.broadcast %eq3A_502 : i32 to vector<8x128xi32>
    %eq3A_504 = arith.cmpi eq, %and3A_485, %eq3A_503 : vector<8x128xi32>
    %select_n3A_505 = arith.select %eq3A_504, %add3A_89, %add3A_97 : vector<8x128xi1>, vector<8x128xi32>
    %eq3A_506 = arith.constant 0 : i32
    %eq3A_507 = vector.broadcast %eq3A_506 : i32 to vector<8x128xi32>
    %eq3A_508 = arith.cmpi eq, %and3A_485, %eq3A_507 : vector<8x128xi32>
    %select_n3A_509 = arith.select %eq3A_508, %add3A_105, %add3A_113 : vector<8x128xi1>, vector<8x128xi32>
    %eq3A_510 = arith.constant 0 : i32
    %eq3A_511 = vector.broadcast %eq3A_510 : i32 to vector<8x128xi32>
    %eq3A_512 = arith.cmpi eq, %and3A_485, %eq3A_511 : vector<8x128xi32>
    %select_n3A_513 = arith.select %eq3A_512, %add3A_121, %add3A_129 : vector<8x128xi1>, vector<8x128xi32>
    %eq3A_514 = arith.constant 0 : i32
    %eq3A_515 = vector.broadcast %eq3A_514 : i32 to vector<8x128xi32>
    %eq3A_516 = arith.cmpi eq, %and3A_491, %eq3A_515 : vector<8x128xi32>
    %select_n3A_517 = arith.select %eq3A_516, %select_n3A_501, %select_n3A_505 : vector<8x128xi1>, vector<8x128xi32>
    %eq3A_518 = arith.constant 0 : i32
    %eq3A_519 = vector.broadcast %eq3A_518 : i32 to vector<8x128xi32>
    %eq3A_520 = arith.cmpi eq, %and3A_491, %eq3A_519 : vector<8x128xi32>
    %select_n3A_521 = arith.select %eq3A_520, %select_n3A_509, %select_n3A_513 : vector<8x128xi1>, vector<8x128xi32>
    %eq3A_522 = arith.constant 0 : i32
    %eq3A_523 = vector.broadcast %eq3A_522 : i32 to vector<8x128xi32>
    %eq3A_524 = arith.cmpi eq, %and3A_497, %eq3A_523 : vector<8x128xi32>
    %select_n3A_525 = arith.select %eq3A_524, %select_n3A_517, %select_n3A_521 : vector<8x128xi1>, vector<8x128xi32>
    %and3A_526 = arith.constant 31 : i32
    %and3A_527 = vector.broadcast %and3A_526 : i32 to vector<8x128xi32>
    %and3A_528 = arith.andi %and3A_479, %and3A_527 : vector<8x128xi32>
    %shift_right_arithmetic3A_529 = arith.shrsi %select_n3A_525, %and3A_528 : vector<8x128xi32>
    %and3A_530 = arith.constant 1 : i32
    %and3A_531 = vector.broadcast %and3A_530 : i32 to vector<8x128xi32>
    %and3A_532 = arith.andi %shift_right_arithmetic3A_529, %and3A_531 : vector<8x128xi32>
    %shift_right_arithmetic3A_533 = arith.constant 24 : i32
    %shift_right_arithmetic3A_534 = vector.broadcast %shift_right_arithmetic3A_533 : i32 to vector<8x128xi32>
    %shift_right_arithmetic3A_535 = arith.shrsi %and3A_275, %shift_right_arithmetic3A_534 : vector<8x128xi32>
    %and3A_536 = arith.constant 1 : i32
    %and3A_537 = vector.broadcast %and3A_536 : i32 to vector<8x128xi32>
    %and3A_538 = arith.andi %shift_right_arithmetic3A_535, %and3A_537 : vector<8x128xi32>
    %select_n3A_539 = arith.select %eq3A_203, %and3A_538, %and3A_532 : vector<8x128xi1>, vector<8x128xi32>
    %shift_right_arithmetic3A_540 = arith.constant 1 : i32
    %shift_right_arithmetic3A_541 = vector.broadcast %shift_right_arithmetic3A_540 : i32 to vector<8x128xi32>
    %shift_right_arithmetic3A_542 = arith.shrsi %mul3A_142, %shift_right_arithmetic3A_541 : vector<8x128xi32>
    %and3A_543 = arith.constant 16843009 : i32
    %and3A_544 = vector.broadcast %and3A_543 : i32 to vector<8x128xi32>
    %and3A_545 = arith.andi %shift_right_arithmetic3A_542, %and3A_544 : vector<8x128xi32>
    %shift_right_arithmetic3A_546 = arith.constant 1 : i32
    %shift_right_arithmetic3A_547 = vector.broadcast %shift_right_arithmetic3A_546 : i32 to vector<8x128xi32>
    %shift_right_arithmetic3A_548 = arith.shrsi %mul3A_147, %shift_right_arithmetic3A_547 : vector<8x128xi32>
    %and3A_549 = arith.constant 16843009 : i32
    %and3A_550 = vector.broadcast %and3A_549 : i32 to vector<8x128xi32>
    %and3A_551 = arith.andi %shift_right_arithmetic3A_548, %and3A_550 : vector<8x128xi32>
    %add3A_552 = arith.addi %and3A_545, %and3A_545 : vector<8x128xi32>
    %add3A_553 = arith.addi %add3A_552, %and3A_551 : vector<8x128xi32>
    %shift_right_arithmetic3A_554 = arith.constant 1 : i32
    %shift_right_arithmetic3A_555 = vector.broadcast %shift_right_arithmetic3A_554 : i32 to vector<8x128xi32>
    %shift_right_arithmetic3A_556 = arith.shrsi %mul3A_152, %shift_right_arithmetic3A_555 : vector<8x128xi32>
    %and3A_557 = arith.constant 16843009 : i32
    %and3A_558 = vector.broadcast %and3A_557 : i32 to vector<8x128xi32>
    %and3A_559 = arith.andi %shift_right_arithmetic3A_556, %and3A_558 : vector<8x128xi32>
    %add3A_560 = arith.addi %add3A_553, %add3A_553 : vector<8x128xi32>
    %add3A_561 = arith.addi %add3A_560, %and3A_559 : vector<8x128xi32>
    %shift_right_arithmetic3A_562 = arith.constant 1 : i32
    %shift_right_arithmetic3A_563 = vector.broadcast %shift_right_arithmetic3A_562 : i32 to vector<8x128xi32>
    %shift_right_arithmetic3A_564 = arith.shrsi %mul3A_157, %shift_right_arithmetic3A_563 : vector<8x128xi32>
    %and3A_565 = arith.constant 16843009 : i32
    %and3A_566 = vector.broadcast %and3A_565 : i32 to vector<8x128xi32>
    %and3A_567 = arith.andi %shift_right_arithmetic3A_564, %and3A_566 : vector<8x128xi32>
    %add3A_568 = arith.addi %add3A_561, %add3A_561 : vector<8x128xi32>
    %add3A_569 = arith.addi %add3A_568, %and3A_567 : vector<8x128xi32>
    %shift_right_arithmetic3A_570 = arith.constant 1 : i32
    %shift_right_arithmetic3A_571 = vector.broadcast %shift_right_arithmetic3A_570 : i32 to vector<8x128xi32>
    %shift_right_arithmetic3A_572 = arith.shrsi %mul3A_162, %shift_right_arithmetic3A_571 : vector<8x128xi32>
    %and3A_573 = arith.constant 16843009 : i32
    %and3A_574 = vector.broadcast %and3A_573 : i32 to vector<8x128xi32>
    %and3A_575 = arith.andi %shift_right_arithmetic3A_572, %and3A_574 : vector<8x128xi32>
    %add3A_576 = arith.addi %add3A_569, %add3A_569 : vector<8x128xi32>
    %add3A_577 = arith.addi %add3A_576, %and3A_575 : vector<8x128xi32>
    %shift_right_arithmetic3A_578 = arith.constant 1 : i32
    %shift_right_arithmetic3A_579 = vector.broadcast %shift_right_arithmetic3A_578 : i32 to vector<8x128xi32>
    %shift_right_arithmetic3A_580 = arith.shrsi %mul3A_167, %shift_right_arithmetic3A_579 : vector<8x128xi32>
    %and3A_581 = arith.constant 16843009 : i32
    %and3A_582 = vector.broadcast %and3A_581 : i32 to vector<8x128xi32>
    %and3A_583 = arith.andi %shift_right_arithmetic3A_580, %and3A_582 : vector<8x128xi32>
    %add3A_584 = arith.addi %add3A_577, %add3A_577 : vector<8x128xi32>
    %add3A_585 = arith.addi %add3A_584, %and3A_583 : vector<8x128xi32>
    %shift_right_arithmetic3A_586 = arith.constant 1 : i32
    %shift_right_arithmetic3A_587 = vector.broadcast %shift_right_arithmetic3A_586 : i32 to vector<8x128xi32>
    %shift_right_arithmetic3A_588 = arith.shrsi %mul3A_172, %shift_right_arithmetic3A_587 : vector<8x128xi32>
    %and3A_589 = arith.constant 16843009 : i32
    %and3A_590 = vector.broadcast %and3A_589 : i32 to vector<8x128xi32>
    %and3A_591 = arith.andi %shift_right_arithmetic3A_588, %and3A_590 : vector<8x128xi32>
    %add3A_592 = arith.addi %add3A_585, %add3A_585 : vector<8x128xi32>
    %add3A_593 = arith.addi %add3A_592, %and3A_591 : vector<8x128xi32>
    %shift_right_arithmetic3A_594 = arith.constant 1 : i32
    %shift_right_arithmetic3A_595 = vector.broadcast %shift_right_arithmetic3A_594 : i32 to vector<8x128xi32>
    %shift_right_arithmetic3A_596 = arith.shrsi %mul3A_177, %shift_right_arithmetic3A_595 : vector<8x128xi32>
    %and3A_597 = arith.constant 16843009 : i32
    %and3A_598 = vector.broadcast %and3A_597 : i32 to vector<8x128xi32>
    %and3A_599 = arith.andi %shift_right_arithmetic3A_596, %and3A_598 : vector<8x128xi32>
    %add3A_600 = arith.addi %add3A_593, %add3A_593 : vector<8x128xi32>
    %add3A_601 = arith.addi %add3A_600, %and3A_599 : vector<8x128xi32>
    %shift_right_arithmetic3A_602 = arith.constant 1 : i32
    %shift_right_arithmetic3A_603 = vector.broadcast %shift_right_arithmetic3A_602 : i32 to vector<8x128xi32>
    %shift_right_arithmetic3A_604 = arith.shrsi %reshape3A_208, %shift_right_arithmetic3A_603 : vector<8x128xi32>
    %and3A_605 = arith.constant 16843009 : i32
    %and3A_606 = vector.broadcast %and3A_605 : i32 to vector<8x128xi32>
    %and3A_607 = arith.andi %shift_right_arithmetic3A_604, %and3A_606 : vector<8x128xi32>
    %shift_right_arithmetic3A_608 = arith.constant 0 : i32
    %shift_right_arithmetic3A_609 = vector.broadcast %shift_right_arithmetic3A_608 : i32 to vector<8x128xi32>
    %shift_right_arithmetic3A_610 = arith.shrsi %add3A_601, %shift_right_arithmetic3A_609 : vector<8x128xi32>
    %and3A_611 = arith.constant 255 : i32
    %and3A_612 = vector.broadcast %and3A_611 : i32 to vector<8x128xi32>
    %and3A_613 = arith.andi %shift_right_arithmetic3A_610, %and3A_612 : vector<8x128xi32>
    %shift_right_arithmetic3A_614 = arith.constant 5 : i32
    %shift_right_arithmetic3A_615 = vector.broadcast %shift_right_arithmetic3A_614 : i32 to vector<8x128xi32>
    %shift_right_arithmetic3A_616 = arith.shrsi %and3A_613, %shift_right_arithmetic3A_615 : vector<8x128xi32>
    %and3A_617 = arith.constant 1 : i32
    %and3A_618 = vector.broadcast %and3A_617 : i32 to vector<8x128xi32>
    %and3A_619 = arith.andi %shift_right_arithmetic3A_616, %and3A_618 : vector<8x128xi32>
    %shift_right_arithmetic3A_620 = arith.constant 6 : i32
    %shift_right_arithmetic3A_621 = vector.broadcast %shift_right_arithmetic3A_620 : i32 to vector<8x128xi32>
    %shift_right_arithmetic3A_622 = arith.shrsi %and3A_613, %shift_right_arithmetic3A_621 : vector<8x128xi32>
    %and3A_623 = arith.constant 1 : i32
    %and3A_624 = vector.broadcast %and3A_623 : i32 to vector<8x128xi32>
    %and3A_625 = arith.andi %shift_right_arithmetic3A_622, %and3A_624 : vector<8x128xi32>
    %shift_right_arithmetic3A_626 = arith.constant 7 : i32
    %shift_right_arithmetic3A_627 = vector.broadcast %shift_right_arithmetic3A_626 : i32 to vector<8x128xi32>
    %shift_right_arithmetic3A_628 = arith.shrsi %and3A_613, %shift_right_arithmetic3A_627 : vector<8x128xi32>
    %and3A_629 = arith.constant 1 : i32
    %and3A_630 = vector.broadcast %and3A_629 : i32 to vector<8x128xi32>
    %and3A_631 = arith.andi %shift_right_arithmetic3A_628, %and3A_630 : vector<8x128xi32>
    %eq3A_632 = arith.constant 0 : i32
    %eq3A_633 = vector.broadcast %eq3A_632 : i32 to vector<8x128xi32>
    %eq3A_634 = arith.cmpi eq, %and3A_619, %eq3A_633 : vector<8x128xi32>
    %select_n3A_635 = arith.select %eq3A_634, %add3A_73, %add3A_81 : vector<8x128xi1>, vector<8x128xi32>
    %eq3A_636 = arith.constant 0 : i32
    %eq3A_637 = vector.broadcast %eq3A_636 : i32 to vector<8x128xi32>
    %eq3A_638 = arith.cmpi eq, %and3A_619, %eq3A_637 : vector<8x128xi32>
    %select_n3A_639 = arith.select %eq3A_638, %add3A_89, %add3A_97 : vector<8x128xi1>, vector<8x128xi32>
    %eq3A_640 = arith.constant 0 : i32
    %eq3A_641 = vector.broadcast %eq3A_640 : i32 to vector<8x128xi32>
    %eq3A_642 = arith.cmpi eq, %and3A_619, %eq3A_641 : vector<8x128xi32>
    %select_n3A_643 = arith.select %eq3A_642, %add3A_105, %add3A_113 : vector<8x128xi1>, vector<8x128xi32>
    %eq3A_644 = arith.constant 0 : i32
    %eq3A_645 = vector.broadcast %eq3A_644 : i32 to vector<8x128xi32>
    %eq3A_646 = arith.cmpi eq, %and3A_619, %eq3A_645 : vector<8x128xi32>
    %select_n3A_647 = arith.select %eq3A_646, %add3A_121, %add3A_129 : vector<8x128xi1>, vector<8x128xi32>
    %eq3A_648 = arith.constant 0 : i32
    %eq3A_649 = vector.broadcast %eq3A_648 : i32 to vector<8x128xi32>
    %eq3A_650 = arith.cmpi eq, %and3A_625, %eq3A_649 : vector<8x128xi32>
    %select_n3A_651 = arith.select %eq3A_650, %select_n3A_635, %select_n3A_639 : vector<8x128xi1>, vector<8x128xi32>
    %eq3A_652 = arith.constant 0 : i32
    %eq3A_653 = vector.broadcast %eq3A_652 : i32 to vector<8x128xi32>
    %eq3A_654 = arith.cmpi eq, %and3A_625, %eq3A_653 : vector<8x128xi32>
    %select_n3A_655 = arith.select %eq3A_654, %select_n3A_643, %select_n3A_647 : vector<8x128xi1>, vector<8x128xi32>
    %eq3A_656 = arith.constant 0 : i32
    %eq3A_657 = vector.broadcast %eq3A_656 : i32 to vector<8x128xi32>
    %eq3A_658 = arith.cmpi eq, %and3A_631, %eq3A_657 : vector<8x128xi32>
    %select_n3A_659 = arith.select %eq3A_658, %select_n3A_651, %select_n3A_655 : vector<8x128xi1>, vector<8x128xi32>
    %and3A_660 = arith.constant 31 : i32
    %and3A_661 = vector.broadcast %and3A_660 : i32 to vector<8x128xi32>
    %and3A_662 = arith.andi %and3A_613, %and3A_661 : vector<8x128xi32>
    %shift_right_arithmetic3A_663 = arith.shrsi %select_n3A_659, %and3A_662 : vector<8x128xi32>
    %and3A_664 = arith.constant 1 : i32
    %and3A_665 = vector.broadcast %and3A_664 : i32 to vector<8x128xi32>
    %and3A_666 = arith.andi %shift_right_arithmetic3A_663, %and3A_665 : vector<8x128xi32>
    %shift_right_arithmetic3A_667 = arith.constant 0 : i32
    %shift_right_arithmetic3A_668 = vector.broadcast %shift_right_arithmetic3A_667 : i32 to vector<8x128xi32>
    %shift_right_arithmetic3A_669 = arith.shrsi %and3A_607, %shift_right_arithmetic3A_668 : vector<8x128xi32>
    %and3A_670 = arith.constant 1 : i32
    %and3A_671 = vector.broadcast %and3A_670 : i32 to vector<8x128xi32>
    %and3A_672 = arith.andi %shift_right_arithmetic3A_669, %and3A_671 : vector<8x128xi32>
    %select_n3A_673 = arith.select %eq3A_203, %and3A_672, %and3A_666 : vector<8x128xi1>, vector<8x128xi32>
    %shift_right_arithmetic3A_674 = arith.constant 8 : i32
    %shift_right_arithmetic3A_675 = vector.broadcast %shift_right_arithmetic3A_674 : i32 to vector<8x128xi32>
    %shift_right_arithmetic3A_676 = arith.shrsi %add3A_601, %shift_right_arithmetic3A_675 : vector<8x128xi32>
    %and3A_677 = arith.constant 255 : i32
    %and3A_678 = vector.broadcast %and3A_677 : i32 to vector<8x128xi32>
    %and3A_679 = arith.andi %shift_right_arithmetic3A_676, %and3A_678 : vector<8x128xi32>
    %shift_right_arithmetic3A_680 = arith.constant 5 : i32
    %shift_right_arithmetic3A_681 = vector.broadcast %shift_right_arithmetic3A_680 : i32 to vector<8x128xi32>
    %shift_right_arithmetic3A_682 = arith.shrsi %and3A_679, %shift_right_arithmetic3A_681 : vector<8x128xi32>
    %and3A_683 = arith.constant 1 : i32
    %and3A_684 = vector.broadcast %and3A_683 : i32 to vector<8x128xi32>
    %and3A_685 = arith.andi %shift_right_arithmetic3A_682, %and3A_684 : vector<8x128xi32>
    %shift_right_arithmetic3A_686 = arith.constant 6 : i32
    %shift_right_arithmetic3A_687 = vector.broadcast %shift_right_arithmetic3A_686 : i32 to vector<8x128xi32>
    %shift_right_arithmetic3A_688 = arith.shrsi %and3A_679, %shift_right_arithmetic3A_687 : vector<8x128xi32>
    %and3A_689 = arith.constant 1 : i32
    %and3A_690 = vector.broadcast %and3A_689 : i32 to vector<8x128xi32>
    %and3A_691 = arith.andi %shift_right_arithmetic3A_688, %and3A_690 : vector<8x128xi32>
    %shift_right_arithmetic3A_692 = arith.constant 7 : i32
    %shift_right_arithmetic3A_693 = vector.broadcast %shift_right_arithmetic3A_692 : i32 to vector<8x128xi32>
    %shift_right_arithmetic3A_694 = arith.shrsi %and3A_679, %shift_right_arithmetic3A_693 : vector<8x128xi32>
    %and3A_695 = arith.constant 1 : i32
    %and3A_696 = vector.broadcast %and3A_695 : i32 to vector<8x128xi32>
    %and3A_697 = arith.andi %shift_right_arithmetic3A_694, %and3A_696 : vector<8x128xi32>
    %eq3A_698 = arith.constant 0 : i32
    %eq3A_699 = vector.broadcast %eq3A_698 : i32 to vector<8x128xi32>
    %eq3A_700 = arith.cmpi eq, %and3A_685, %eq3A_699 : vector<8x128xi32>
    %select_n3A_701 = arith.select %eq3A_700, %add3A_73, %add3A_81 : vector<8x128xi1>, vector<8x128xi32>
    %eq3A_702 = arith.constant 0 : i32
    %eq3A_703 = vector.broadcast %eq3A_702 : i32 to vector<8x128xi32>
    %eq3A_704 = arith.cmpi eq, %and3A_685, %eq3A_703 : vector<8x128xi32>
    %select_n3A_705 = arith.select %eq3A_704, %add3A_89, %add3A_97 : vector<8x128xi1>, vector<8x128xi32>
    %eq3A_706 = arith.constant 0 : i32
    %eq3A_707 = vector.broadcast %eq3A_706 : i32 to vector<8x128xi32>
    %eq3A_708 = arith.cmpi eq, %and3A_685, %eq3A_707 : vector<8x128xi32>
    %select_n3A_709 = arith.select %eq3A_708, %add3A_105, %add3A_113 : vector<8x128xi1>, vector<8x128xi32>
    %eq3A_710 = arith.constant 0 : i32
    %eq3A_711 = vector.broadcast %eq3A_710 : i32 to vector<8x128xi32>
    %eq3A_712 = arith.cmpi eq, %and3A_685, %eq3A_711 : vector<8x128xi32>
    %select_n3A_713 = arith.select %eq3A_712, %add3A_121, %add3A_129 : vector<8x128xi1>, vector<8x128xi32>
    %eq3A_714 = arith.constant 0 : i32
    %eq3A_715 = vector.broadcast %eq3A_714 : i32 to vector<8x128xi32>
    %eq3A_716 = arith.cmpi eq, %and3A_691, %eq3A_715 : vector<8x128xi32>
    %select_n3A_717 = arith.select %eq3A_716, %select_n3A_701, %select_n3A_705 : vector<8x128xi1>, vector<8x128xi32>
    %eq3A_718 = arith.constant 0 : i32
    %eq3A_719 = vector.broadcast %eq3A_718 : i32 to vector<8x128xi32>
    %eq3A_720 = arith.cmpi eq, %and3A_691, %eq3A_719 : vector<8x128xi32>
    %select_n3A_721 = arith.select %eq3A_720, %select_n3A_709, %select_n3A_713 : vector<8x128xi1>, vector<8x128xi32>
    %eq3A_722 = arith.constant 0 : i32
    %eq3A_723 = vector.broadcast %eq3A_722 : i32 to vector<8x128xi32>
    %eq3A_724 = arith.cmpi eq, %and3A_697, %eq3A_723 : vector<8x128xi32>
    %select_n3A_725 = arith.select %eq3A_724, %select_n3A_717, %select_n3A_721 : vector<8x128xi1>, vector<8x128xi32>
    %and3A_726 = arith.constant 31 : i32
    %and3A_727 = vector.broadcast %and3A_726 : i32 to vector<8x128xi32>
    %and3A_728 = arith.andi %and3A_679, %and3A_727 : vector<8x128xi32>
    %shift_right_arithmetic3A_729 = arith.shrsi %select_n3A_725, %and3A_728 : vector<8x128xi32>
    %and3A_730 = arith.constant 1 : i32
    %and3A_731 = vector.broadcast %and3A_730 : i32 to vector<8x128xi32>
    %and3A_732 = arith.andi %shift_right_arithmetic3A_729, %and3A_731 : vector<8x128xi32>
    %shift_right_arithmetic3A_733 = arith.constant 8 : i32
    %shift_right_arithmetic3A_734 = vector.broadcast %shift_right_arithmetic3A_733 : i32 to vector<8x128xi32>
    %shift_right_arithmetic3A_735 = arith.shrsi %and3A_607, %shift_right_arithmetic3A_734 : vector<8x128xi32>
    %and3A_736 = arith.constant 1 : i32
    %and3A_737 = vector.broadcast %and3A_736 : i32 to vector<8x128xi32>
    %and3A_738 = arith.andi %shift_right_arithmetic3A_735, %and3A_737 : vector<8x128xi32>
    %select_n3A_739 = arith.select %eq3A_203, %and3A_738, %and3A_732 : vector<8x128xi1>, vector<8x128xi32>
    %shift_right_arithmetic3A_740 = arith.constant 16 : i32
    %shift_right_arithmetic3A_741 = vector.broadcast %shift_right_arithmetic3A_740 : i32 to vector<8x128xi32>
    %shift_right_arithmetic3A_742 = arith.shrsi %add3A_601, %shift_right_arithmetic3A_741 : vector<8x128xi32>
    %and3A_743 = arith.constant 255 : i32
    %and3A_744 = vector.broadcast %and3A_743 : i32 to vector<8x128xi32>
    %and3A_745 = arith.andi %shift_right_arithmetic3A_742, %and3A_744 : vector<8x128xi32>
    %shift_right_arithmetic3A_746 = arith.constant 5 : i32
    %shift_right_arithmetic3A_747 = vector.broadcast %shift_right_arithmetic3A_746 : i32 to vector<8x128xi32>
    %shift_right_arithmetic3A_748 = arith.shrsi %and3A_745, %shift_right_arithmetic3A_747 : vector<8x128xi32>
    %and3A_749 = arith.constant 1 : i32
    %and3A_750 = vector.broadcast %and3A_749 : i32 to vector<8x128xi32>
    %and3A_751 = arith.andi %shift_right_arithmetic3A_748, %and3A_750 : vector<8x128xi32>
    %shift_right_arithmetic3A_752 = arith.constant 6 : i32
    %shift_right_arithmetic3A_753 = vector.broadcast %shift_right_arithmetic3A_752 : i32 to vector<8x128xi32>
    %shift_right_arithmetic3A_754 = arith.shrsi %and3A_745, %shift_right_arithmetic3A_753 : vector<8x128xi32>
    %and3A_755 = arith.constant 1 : i32
    %and3A_756 = vector.broadcast %and3A_755 : i32 to vector<8x128xi32>
    %and3A_757 = arith.andi %shift_right_arithmetic3A_754, %and3A_756 : vector<8x128xi32>
    %shift_right_arithmetic3A_758 = arith.constant 7 : i32
    %shift_right_arithmetic3A_759 = vector.broadcast %shift_right_arithmetic3A_758 : i32 to vector<8x128xi32>
    %shift_right_arithmetic3A_760 = arith.shrsi %and3A_745, %shift_right_arithmetic3A_759 : vector<8x128xi32>
    %and3A_761 = arith.constant 1 : i32
    %and3A_762 = vector.broadcast %and3A_761 : i32 to vector<8x128xi32>
    %and3A_763 = arith.andi %shift_right_arithmetic3A_760, %and3A_762 : vector<8x128xi32>
    %eq3A_764 = arith.constant 0 : i32
    %eq3A_765 = vector.broadcast %eq3A_764 : i32 to vector<8x128xi32>
    %eq3A_766 = arith.cmpi eq, %and3A_751, %eq3A_765 : vector<8x128xi32>
    %select_n3A_767 = arith.select %eq3A_766, %add3A_73, %add3A_81 : vector<8x128xi1>, vector<8x128xi32>
    %eq3A_768 = arith.constant 0 : i32
    %eq3A_769 = vector.broadcast %eq3A_768 : i32 to vector<8x128xi32>
    %eq3A_770 = arith.cmpi eq, %and3A_751, %eq3A_769 : vector<8x128xi32>
    %select_n3A_771 = arith.select %eq3A_770, %add3A_89, %add3A_97 : vector<8x128xi1>, vector<8x128xi32>
    %eq3A_772 = arith.constant 0 : i32
    %eq3A_773 = vector.broadcast %eq3A_772 : i32 to vector<8x128xi32>
    %eq3A_774 = arith.cmpi eq, %and3A_751, %eq3A_773 : vector<8x128xi32>
    %select_n3A_775 = arith.select %eq3A_774, %add3A_105, %add3A_113 : vector<8x128xi1>, vector<8x128xi32>
    %eq3A_776 = arith.constant 0 : i32
    %eq3A_777 = vector.broadcast %eq3A_776 : i32 to vector<8x128xi32>
    %eq3A_778 = arith.cmpi eq, %and3A_751, %eq3A_777 : vector<8x128xi32>
    %select_n3A_779 = arith.select %eq3A_778, %add3A_121, %add3A_129 : vector<8x128xi1>, vector<8x128xi32>
    %eq3A_780 = arith.constant 0 : i32
    %eq3A_781 = vector.broadcast %eq3A_780 : i32 to vector<8x128xi32>
    %eq3A_782 = arith.cmpi eq, %and3A_757, %eq3A_781 : vector<8x128xi32>
    %select_n3A_783 = arith.select %eq3A_782, %select_n3A_767, %select_n3A_771 : vector<8x128xi1>, vector<8x128xi32>
    %eq3A_784 = arith.constant 0 : i32
    %eq3A_785 = vector.broadcast %eq3A_784 : i32 to vector<8x128xi32>
    %eq3A_786 = arith.cmpi eq, %and3A_757, %eq3A_785 : vector<8x128xi32>
    %select_n3A_787 = arith.select %eq3A_786, %select_n3A_775, %select_n3A_779 : vector<8x128xi1>, vector<8x128xi32>
    %eq3A_788 = arith.constant 0 : i32
    %eq3A_789 = vector.broadcast %eq3A_788 : i32 to vector<8x128xi32>
    %eq3A_790 = arith.cmpi eq, %and3A_763, %eq3A_789 : vector<8x128xi32>
    %select_n3A_791 = arith.select %eq3A_790, %select_n3A_783, %select_n3A_787 : vector<8x128xi1>, vector<8x128xi32>
    %and3A_792 = arith.constant 31 : i32
    %and3A_793 = vector.broadcast %and3A_792 : i32 to vector<8x128xi32>
    %and3A_794 = arith.andi %and3A_745, %and3A_793 : vector<8x128xi32>
    %shift_right_arithmetic3A_795 = arith.shrsi %select_n3A_791, %and3A_794 : vector<8x128xi32>
    %and3A_796 = arith.constant 1 : i32
    %and3A_797 = vector.broadcast %and3A_796 : i32 to vector<8x128xi32>
    %and3A_798 = arith.andi %shift_right_arithmetic3A_795, %and3A_797 : vector<8x128xi32>
    %shift_right_arithmetic3A_799 = arith.constant 16 : i32
    %shift_right_arithmetic3A_800 = vector.broadcast %shift_right_arithmetic3A_799 : i32 to vector<8x128xi32>
    %shift_right_arithmetic3A_801 = arith.shrsi %and3A_607, %shift_right_arithmetic3A_800 : vector<8x128xi32>
    %and3A_802 = arith.constant 1 : i32
    %and3A_803 = vector.broadcast %and3A_802 : i32 to vector<8x128xi32>
    %and3A_804 = arith.andi %shift_right_arithmetic3A_801, %and3A_803 : vector<8x128xi32>
    %select_n3A_805 = arith.select %eq3A_203, %and3A_804, %and3A_798 : vector<8x128xi1>, vector<8x128xi32>
    %shift_right_arithmetic3A_806 = arith.constant 24 : i32
    %shift_right_arithmetic3A_807 = vector.broadcast %shift_right_arithmetic3A_806 : i32 to vector<8x128xi32>
    %shift_right_arithmetic3A_808 = arith.shrsi %add3A_601, %shift_right_arithmetic3A_807 : vector<8x128xi32>
    %and3A_809 = arith.constant 255 : i32
    %and3A_810 = vector.broadcast %and3A_809 : i32 to vector<8x128xi32>
    %and3A_811 = arith.andi %shift_right_arithmetic3A_808, %and3A_810 : vector<8x128xi32>
    %shift_right_arithmetic3A_812 = arith.constant 5 : i32
    %shift_right_arithmetic3A_813 = vector.broadcast %shift_right_arithmetic3A_812 : i32 to vector<8x128xi32>
    %shift_right_arithmetic3A_814 = arith.shrsi %and3A_811, %shift_right_arithmetic3A_813 : vector<8x128xi32>
    %and3A_815 = arith.constant 1 : i32
    %and3A_816 = vector.broadcast %and3A_815 : i32 to vector<8x128xi32>
    %and3A_817 = arith.andi %shift_right_arithmetic3A_814, %and3A_816 : vector<8x128xi32>
    %shift_right_arithmetic3A_818 = arith.constant 6 : i32
    %shift_right_arithmetic3A_819 = vector.broadcast %shift_right_arithmetic3A_818 : i32 to vector<8x128xi32>
    %shift_right_arithmetic3A_820 = arith.shrsi %and3A_811, %shift_right_arithmetic3A_819 : vector<8x128xi32>
    %and3A_821 = arith.constant 1 : i32
    %and3A_822 = vector.broadcast %and3A_821 : i32 to vector<8x128xi32>
    %and3A_823 = arith.andi %shift_right_arithmetic3A_820, %and3A_822 : vector<8x128xi32>
    %shift_right_arithmetic3A_824 = arith.constant 7 : i32
    %shift_right_arithmetic3A_825 = vector.broadcast %shift_right_arithmetic3A_824 : i32 to vector<8x128xi32>
    %shift_right_arithmetic3A_826 = arith.shrsi %and3A_811, %shift_right_arithmetic3A_825 : vector<8x128xi32>
    %and3A_827 = arith.constant 1 : i32
    %and3A_828 = vector.broadcast %and3A_827 : i32 to vector<8x128xi32>
    %and3A_829 = arith.andi %shift_right_arithmetic3A_826, %and3A_828 : vector<8x128xi32>
    %eq3A_830 = arith.constant 0 : i32
    %eq3A_831 = vector.broadcast %eq3A_830 : i32 to vector<8x128xi32>
    %eq3A_832 = arith.cmpi eq, %and3A_817, %eq3A_831 : vector<8x128xi32>
    %select_n3A_833 = arith.select %eq3A_832, %add3A_73, %add3A_81 : vector<8x128xi1>, vector<8x128xi32>
    %eq3A_834 = arith.constant 0 : i32
    %eq3A_835 = vector.broadcast %eq3A_834 : i32 to vector<8x128xi32>
    %eq3A_836 = arith.cmpi eq, %and3A_817, %eq3A_835 : vector<8x128xi32>
    %select_n3A_837 = arith.select %eq3A_836, %add3A_89, %add3A_97 : vector<8x128xi1>, vector<8x128xi32>
    %eq3A_838 = arith.constant 0 : i32
    %eq3A_839 = vector.broadcast %eq3A_838 : i32 to vector<8x128xi32>
    %eq3A_840 = arith.cmpi eq, %and3A_817, %eq3A_839 : vector<8x128xi32>
    %select_n3A_841 = arith.select %eq3A_840, %add3A_105, %add3A_113 : vector<8x128xi1>, vector<8x128xi32>
    %eq3A_842 = arith.constant 0 : i32
    %eq3A_843 = vector.broadcast %eq3A_842 : i32 to vector<8x128xi32>
    %eq3A_844 = arith.cmpi eq, %and3A_817, %eq3A_843 : vector<8x128xi32>
    %select_n3A_845 = arith.select %eq3A_844, %add3A_121, %add3A_129 : vector<8x128xi1>, vector<8x128xi32>
    %eq3A_846 = arith.constant 0 : i32
    %eq3A_847 = vector.broadcast %eq3A_846 : i32 to vector<8x128xi32>
    %eq3A_848 = arith.cmpi eq, %and3A_823, %eq3A_847 : vector<8x128xi32>
    %select_n3A_849 = arith.select %eq3A_848, %select_n3A_833, %select_n3A_837 : vector<8x128xi1>, vector<8x128xi32>
    %eq3A_850 = arith.constant 0 : i32
    %eq3A_851 = vector.broadcast %eq3A_850 : i32 to vector<8x128xi32>
    %eq3A_852 = arith.cmpi eq, %and3A_823, %eq3A_851 : vector<8x128xi32>
    %select_n3A_853 = arith.select %eq3A_852, %select_n3A_841, %select_n3A_845 : vector<8x128xi1>, vector<8x128xi32>
    %eq3A_854 = arith.constant 0 : i32
    %eq3A_855 = vector.broadcast %eq3A_854 : i32 to vector<8x128xi32>
    %eq3A_856 = arith.cmpi eq, %and3A_829, %eq3A_855 : vector<8x128xi32>
    %select_n3A_857 = arith.select %eq3A_856, %select_n3A_849, %select_n3A_853 : vector<8x128xi1>, vector<8x128xi32>
    %and3A_858 = arith.constant 31 : i32
    %and3A_859 = vector.broadcast %and3A_858 : i32 to vector<8x128xi32>
    %and3A_860 = arith.andi %and3A_811, %and3A_859 : vector<8x128xi32>
    %shift_right_arithmetic3A_861 = arith.shrsi %select_n3A_857, %and3A_860 : vector<8x128xi32>
    %and3A_862 = arith.constant 1 : i32
    %and3A_863 = vector.broadcast %and3A_862 : i32 to vector<8x128xi32>
    %and3A_864 = arith.andi %shift_right_arithmetic3A_861, %and3A_863 : vector<8x128xi32>
    %shift_right_arithmetic3A_865 = arith.constant 24 : i32
    %shift_right_arithmetic3A_866 = vector.broadcast %shift_right_arithmetic3A_865 : i32 to vector<8x128xi32>
    %shift_right_arithmetic3A_867 = arith.shrsi %and3A_607, %shift_right_arithmetic3A_866 : vector<8x128xi32>
    %and3A_868 = arith.constant 1 : i32
    %and3A_869 = vector.broadcast %and3A_868 : i32 to vector<8x128xi32>
    %and3A_870 = arith.andi %shift_right_arithmetic3A_867, %and3A_869 : vector<8x128xi32>
    %select_n3A_871 = arith.select %eq3A_203, %and3A_870, %and3A_864 : vector<8x128xi1>, vector<8x128xi32>
    %shift_right_arithmetic3A_872 = arith.constant 2 : i32
    %shift_right_arithmetic3A_873 = vector.broadcast %shift_right_arithmetic3A_872 : i32 to vector<8x128xi32>
    %shift_right_arithmetic3A_874 = arith.shrsi %mul3A_142, %shift_right_arithmetic3A_873 : vector<8x128xi32>
    %and3A_875 = arith.constant 16843009 : i32
    %and3A_876 = vector.broadcast %and3A_875 : i32 to vector<8x128xi32>
    %and3A_877 = arith.andi %shift_right_arithmetic3A_874, %and3A_876 : vector<8x128xi32>
    %shift_right_arithmetic3A_878 = arith.constant 2 : i32
    %shift_right_arithmetic3A_879 = vector.broadcast %shift_right_arithmetic3A_878 : i32 to vector<8x128xi32>
    %shift_right_arithmetic3A_880 = arith.shrsi %mul3A_147, %shift_right_arithmetic3A_879 : vector<8x128xi32>
    %and3A_881 = arith.constant 16843009 : i32
    %and3A_882 = vector.broadcast %and3A_881 : i32 to vector<8x128xi32>
    %and3A_883 = arith.andi %shift_right_arithmetic3A_880, %and3A_882 : vector<8x128xi32>
    %add3A_884 = arith.addi %and3A_877, %and3A_877 : vector<8x128xi32>
    %add3A_885 = arith.addi %add3A_884, %and3A_883 : vector<8x128xi32>
    %shift_right_arithmetic3A_886 = arith.constant 2 : i32
    %shift_right_arithmetic3A_887 = vector.broadcast %shift_right_arithmetic3A_886 : i32 to vector<8x128xi32>
    %shift_right_arithmetic3A_888 = arith.shrsi %mul3A_152, %shift_right_arithmetic3A_887 : vector<8x128xi32>
    %and3A_889 = arith.constant 16843009 : i32
    %and3A_890 = vector.broadcast %and3A_889 : i32 to vector<8x128xi32>
    %and3A_891 = arith.andi %shift_right_arithmetic3A_888, %and3A_890 : vector<8x128xi32>
    %add3A_892 = arith.addi %add3A_885, %add3A_885 : vector<8x128xi32>
    %add3A_893 = arith.addi %add3A_892, %and3A_891 : vector<8x128xi32>
    %shift_right_arithmetic3A_894 = arith.constant 2 : i32
    %shift_right_arithmetic3A_895 = vector.broadcast %shift_right_arithmetic3A_894 : i32 to vector<8x128xi32>
    %shift_right_arithmetic3A_896 = arith.shrsi %mul3A_157, %shift_right_arithmetic3A_895 : vector<8x128xi32>
    %and3A_897 = arith.constant 16843009 : i32
    %and3A_898 = vector.broadcast %and3A_897 : i32 to vector<8x128xi32>
    %and3A_899 = arith.andi %shift_right_arithmetic3A_896, %and3A_898 : vector<8x128xi32>
    %add3A_900 = arith.addi %add3A_893, %add3A_893 : vector<8x128xi32>
    %add3A_901 = arith.addi %add3A_900, %and3A_899 : vector<8x128xi32>
    %shift_right_arithmetic3A_902 = arith.constant 2 : i32
    %shift_right_arithmetic3A_903 = vector.broadcast %shift_right_arithmetic3A_902 : i32 to vector<8x128xi32>
    %shift_right_arithmetic3A_904 = arith.shrsi %mul3A_162, %shift_right_arithmetic3A_903 : vector<8x128xi32>
    %and3A_905 = arith.constant 16843009 : i32
    %and3A_906 = vector.broadcast %and3A_905 : i32 to vector<8x128xi32>
    %and3A_907 = arith.andi %shift_right_arithmetic3A_904, %and3A_906 : vector<8x128xi32>
    %add3A_908 = arith.addi %add3A_901, %add3A_901 : vector<8x128xi32>
    %add3A_909 = arith.addi %add3A_908, %and3A_907 : vector<8x128xi32>
    %shift_right_arithmetic3A_910 = arith.constant 2 : i32
    %shift_right_arithmetic3A_911 = vector.broadcast %shift_right_arithmetic3A_910 : i32 to vector<8x128xi32>
    %shift_right_arithmetic3A_912 = arith.shrsi %mul3A_167, %shift_right_arithmetic3A_911 : vector<8x128xi32>
    %and3A_913 = arith.constant 16843009 : i32
    %and3A_914 = vector.broadcast %and3A_913 : i32 to vector<8x128xi32>
    %and3A_915 = arith.andi %shift_right_arithmetic3A_912, %and3A_914 : vector<8x128xi32>
    %add3A_916 = arith.addi %add3A_909, %add3A_909 : vector<8x128xi32>
    %add3A_917 = arith.addi %add3A_916, %and3A_915 : vector<8x128xi32>
    %shift_right_arithmetic3A_918 = arith.constant 2 : i32
    %shift_right_arithmetic3A_919 = vector.broadcast %shift_right_arithmetic3A_918 : i32 to vector<8x128xi32>
    %shift_right_arithmetic3A_920 = arith.shrsi %mul3A_172, %shift_right_arithmetic3A_919 : vector<8x128xi32>
    %and3A_921 = arith.constant 16843009 : i32
    %and3A_922 = vector.broadcast %and3A_921 : i32 to vector<8x128xi32>
    %and3A_923 = arith.andi %shift_right_arithmetic3A_920, %and3A_922 : vector<8x128xi32>
    %add3A_924 = arith.addi %add3A_917, %add3A_917 : vector<8x128xi32>
    %add3A_925 = arith.addi %add3A_924, %and3A_923 : vector<8x128xi32>
    %shift_right_arithmetic3A_926 = arith.constant 2 : i32
    %shift_right_arithmetic3A_927 = vector.broadcast %shift_right_arithmetic3A_926 : i32 to vector<8x128xi32>
    %shift_right_arithmetic3A_928 = arith.shrsi %mul3A_177, %shift_right_arithmetic3A_927 : vector<8x128xi32>
    %and3A_929 = arith.constant 16843009 : i32
    %and3A_930 = vector.broadcast %and3A_929 : i32 to vector<8x128xi32>
    %and3A_931 = arith.andi %shift_right_arithmetic3A_928, %and3A_930 : vector<8x128xi32>
    %add3A_932 = arith.addi %add3A_925, %add3A_925 : vector<8x128xi32>
    %add3A_933 = arith.addi %add3A_932, %and3A_931 : vector<8x128xi32>
    %shift_right_arithmetic3A_934 = arith.constant 2 : i32
    %shift_right_arithmetic3A_935 = vector.broadcast %shift_right_arithmetic3A_934 : i32 to vector<8x128xi32>
    %shift_right_arithmetic3A_936 = arith.shrsi %reshape3A_208, %shift_right_arithmetic3A_935 : vector<8x128xi32>
    %and3A_937 = arith.constant 16843009 : i32
    %and3A_938 = vector.broadcast %and3A_937 : i32 to vector<8x128xi32>
    %and3A_939 = arith.andi %shift_right_arithmetic3A_936, %and3A_938 : vector<8x128xi32>
    %shift_right_arithmetic3A_940 = arith.constant 0 : i32
    %shift_right_arithmetic3A_941 = vector.broadcast %shift_right_arithmetic3A_940 : i32 to vector<8x128xi32>
    %shift_right_arithmetic3A_942 = arith.shrsi %add3A_933, %shift_right_arithmetic3A_941 : vector<8x128xi32>
    %and3A_943 = arith.constant 255 : i32
    %and3A_944 = vector.broadcast %and3A_943 : i32 to vector<8x128xi32>
    %and3A_945 = arith.andi %shift_right_arithmetic3A_942, %and3A_944 : vector<8x128xi32>
    %shift_right_arithmetic3A_946 = arith.constant 5 : i32
    %shift_right_arithmetic3A_947 = vector.broadcast %shift_right_arithmetic3A_946 : i32 to vector<8x128xi32>
    %shift_right_arithmetic3A_948 = arith.shrsi %and3A_945, %shift_right_arithmetic3A_947 : vector<8x128xi32>
    %and3A_949 = arith.constant 1 : i32
    %and3A_950 = vector.broadcast %and3A_949 : i32 to vector<8x128xi32>
    %and3A_951 = arith.andi %shift_right_arithmetic3A_948, %and3A_950 : vector<8x128xi32>
    %shift_right_arithmetic3A_952 = arith.constant 6 : i32
    %shift_right_arithmetic3A_953 = vector.broadcast %shift_right_arithmetic3A_952 : i32 to vector<8x128xi32>
    %shift_right_arithmetic3A_954 = arith.shrsi %and3A_945, %shift_right_arithmetic3A_953 : vector<8x128xi32>
    %and3A_955 = arith.constant 1 : i32
    %and3A_956 = vector.broadcast %and3A_955 : i32 to vector<8x128xi32>
    %and3A_957 = arith.andi %shift_right_arithmetic3A_954, %and3A_956 : vector<8x128xi32>
    %shift_right_arithmetic3A_958 = arith.constant 7 : i32
    %shift_right_arithmetic3A_959 = vector.broadcast %shift_right_arithmetic3A_958 : i32 to vector<8x128xi32>
    %shift_right_arithmetic3A_960 = arith.shrsi %and3A_945, %shift_right_arithmetic3A_959 : vector<8x128xi32>
    %and3A_961 = arith.constant 1 : i32
    %and3A_962 = vector.broadcast %and3A_961 : i32 to vector<8x128xi32>
    %and3A_963 = arith.andi %shift_right_arithmetic3A_960, %and3A_962 : vector<8x128xi32>
    %eq3A_964 = arith.constant 0 : i32
    %eq3A_965 = vector.broadcast %eq3A_964 : i32 to vector<8x128xi32>
    %eq3A_966 = arith.cmpi eq, %and3A_951, %eq3A_965 : vector<8x128xi32>
    %select_n3A_967 = arith.select %eq3A_966, %add3A_73, %add3A_81 : vector<8x128xi1>, vector<8x128xi32>
    %eq3A_968 = arith.constant 0 : i32
    %eq3A_969 = vector.broadcast %eq3A_968 : i32 to vector<8x128xi32>
    %eq3A_970 = arith.cmpi eq, %and3A_951, %eq3A_969 : vector<8x128xi32>
    %select_n3A_971 = arith.select %eq3A_970, %add3A_89, %add3A_97 : vector<8x128xi1>, vector<8x128xi32>
    %eq3A_972 = arith.constant 0 : i32
    %eq3A_973 = vector.broadcast %eq3A_972 : i32 to vector<8x128xi32>
    %eq3A_974 = arith.cmpi eq, %and3A_951, %eq3A_973 : vector<8x128xi32>
    %select_n3A_975 = arith.select %eq3A_974, %add3A_105, %add3A_113 : vector<8x128xi1>, vector<8x128xi32>
    %eq3A_976 = arith.constant 0 : i32
    %eq3A_977 = vector.broadcast %eq3A_976 : i32 to vector<8x128xi32>
    %eq3A_978 = arith.cmpi eq, %and3A_951, %eq3A_977 : vector<8x128xi32>
    %select_n3A_979 = arith.select %eq3A_978, %add3A_121, %add3A_129 : vector<8x128xi1>, vector<8x128xi32>
    %eq3A_980 = arith.constant 0 : i32
    %eq3A_981 = vector.broadcast %eq3A_980 : i32 to vector<8x128xi32>
    %eq3A_982 = arith.cmpi eq, %and3A_957, %eq3A_981 : vector<8x128xi32>
    %select_n3A_983 = arith.select %eq3A_982, %select_n3A_967, %select_n3A_971 : vector<8x128xi1>, vector<8x128xi32>
    %eq3A_984 = arith.constant 0 : i32
    %eq3A_985 = vector.broadcast %eq3A_984 : i32 to vector<8x128xi32>
    %eq3A_986 = arith.cmpi eq, %and3A_957, %eq3A_985 : vector<8x128xi32>
    %select_n3A_987 = arith.select %eq3A_986, %select_n3A_975, %select_n3A_979 : vector<8x128xi1>, vector<8x128xi32>
    %eq3A_988 = arith.constant 0 : i32
    %eq3A_989 = vector.broadcast %eq3A_988 : i32 to vector<8x128xi32>
    %eq3A_990 = arith.cmpi eq, %and3A_963, %eq3A_989 : vector<8x128xi32>
    %select_n3A_991 = arith.select %eq3A_990, %select_n3A_983, %select_n3A_987 : vector<8x128xi1>, vector<8x128xi32>
    %and3A_992 = arith.constant 31 : i32
    %and3A_993 = vector.broadcast %and3A_992 : i32 to vector<8x128xi32>
    %and3A_994 = arith.andi %and3A_945, %and3A_993 : vector<8x128xi32>
    %shift_right_arithmetic3A_995 = arith.shrsi %select_n3A_991, %and3A_994 : vector<8x128xi32>
    %and3A_996 = arith.constant 1 : i32
    %and3A_997 = vector.broadcast %and3A_996 : i32 to vector<8x128xi32>
    %and3A_998 = arith.andi %shift_right_arithmetic3A_995, %and3A_997 : vector<8x128xi32>
    %shift_right_arithmetic3A_999 = arith.constant 0 : i32
    %shift_right_arithmetic3A_1000 = vector.broadcast %shift_right_arithmetic3A_999 : i32 to vector<8x128xi32>
    %shift_right_arithmetic3A_1001 = arith.shrsi %and3A_939, %shift_right_arithmetic3A_1000 : vector<8x128xi32>
    %and3A_1002 = arith.constant 1 : i32
    %and3A_1003 = vector.broadcast %and3A_1002 : i32 to vector<8x128xi32>
    %and3A_1004 = arith.andi %shift_right_arithmetic3A_1001, %and3A_1003 : vector<8x128xi32>
    %select_n3A_1005 = arith.select %eq3A_203, %and3A_1004, %and3A_998 : vector<8x128xi1>, vector<8x128xi32>
    %shift_right_arithmetic3A_1006 = arith.constant 8 : i32
    %shift_right_arithmetic3A_1007 = vector.broadcast %shift_right_arithmetic3A_1006 : i32 to vector<8x128xi32>
    %shift_right_arithmetic3A_1008 = arith.shrsi %add3A_933, %shift_right_arithmetic3A_1007 : vector<8x128xi32>
    %and3A_1009 = arith.constant 255 : i32
    %and3A_1010 = vector.broadcast %and3A_1009 : i32 to vector<8x128xi32>
    %and3A_1011 = arith.andi %shift_right_arithmetic3A_1008, %and3A_1010 : vector<8x128xi32>
    %shift_right_arithmetic3A_1012 = arith.constant 5 : i32
    %shift_right_arithmetic3A_1013 = vector.broadcast %shift_right_arithmetic3A_1012 : i32 to vector<8x128xi32>
    %shift_right_arithmetic3A_1014 = arith.shrsi %and3A_1011, %shift_right_arithmetic3A_1013 : vector<8x128xi32>
    %and3A_1015 = arith.constant 1 : i32
    %and3A_1016 = vector.broadcast %and3A_1015 : i32 to vector<8x128xi32>
    %and3A_1017 = arith.andi %shift_right_arithmetic3A_1014, %and3A_1016 : vector<8x128xi32>
    %shift_right_arithmetic3A_1018 = arith.constant 6 : i32
    %shift_right_arithmetic3A_1019 = vector.broadcast %shift_right_arithmetic3A_1018 : i32 to vector<8x128xi32>
    %shift_right_arithmetic3A_1020 = arith.shrsi %and3A_1011, %shift_right_arithmetic3A_1019 : vector<8x128xi32>
    %and3A_1021 = arith.constant 1 : i32
    %and3A_1022 = vector.broadcast %and3A_1021 : i32 to vector<8x128xi32>
    %and3A_1023 = arith.andi %shift_right_arithmetic3A_1020, %and3A_1022 : vector<8x128xi32>
    %shift_right_arithmetic3A_1024 = arith.constant 7 : i32
    %shift_right_arithmetic3A_1025 = vector.broadcast %shift_right_arithmetic3A_1024 : i32 to vector<8x128xi32>
    %shift_right_arithmetic3A_1026 = arith.shrsi %and3A_1011, %shift_right_arithmetic3A_1025 : vector<8x128xi32>
    %and3A_1027 = arith.constant 1 : i32
    %and3A_1028 = vector.broadcast %and3A_1027 : i32 to vector<8x128xi32>
    %and3A_1029 = arith.andi %shift_right_arithmetic3A_1026, %and3A_1028 : vector<8x128xi32>
    %eq3A_1030 = arith.constant 0 : i32
    %eq3A_1031 = vector.broadcast %eq3A_1030 : i32 to vector<8x128xi32>
    %eq3A_1032 = arith.cmpi eq, %and3A_1017, %eq3A_1031 : vector<8x128xi32>
    %select_n3A_1033 = arith.select %eq3A_1032, %add3A_73, %add3A_81 : vector<8x128xi1>, vector<8x128xi32>
    %eq3A_1034 = arith.constant 0 : i32
    %eq3A_1035 = vector.broadcast %eq3A_1034 : i32 to vector<8x128xi32>
    %eq3A_1036 = arith.cmpi eq, %and3A_1017, %eq3A_1035 : vector<8x128xi32>
    %select_n3A_1037 = arith.select %eq3A_1036, %add3A_89, %add3A_97 : vector<8x128xi1>, vector<8x128xi32>
    %eq3A_1038 = arith.constant 0 : i32
    %eq3A_1039 = vector.broadcast %eq3A_1038 : i32 to vector<8x128xi32>
    %eq3A_1040 = arith.cmpi eq, %and3A_1017, %eq3A_1039 : vector<8x128xi32>
    %select_n3A_1041 = arith.select %eq3A_1040, %add3A_105, %add3A_113 : vector<8x128xi1>, vector<8x128xi32>
    %eq3A_1042 = arith.constant 0 : i32
    %eq3A_1043 = vector.broadcast %eq3A_1042 : i32 to vector<8x128xi32>
    %eq3A_1044 = arith.cmpi eq, %and3A_1017, %eq3A_1043 : vector<8x128xi32>
    %select_n3A_1045 = arith.select %eq3A_1044, %add3A_121, %add3A_129 : vector<8x128xi1>, vector<8x128xi32>
    %eq3A_1046 = arith.constant 0 : i32
    %eq3A_1047 = vector.broadcast %eq3A_1046 : i32 to vector<8x128xi32>
    %eq3A_1048 = arith.cmpi eq, %and3A_1023, %eq3A_1047 : vector<8x128xi32>
    %select_n3A_1049 = arith.select %eq3A_1048, %select_n3A_1033, %select_n3A_1037 : vector<8x128xi1>, vector<8x128xi32>
    %eq3A_1050 = arith.constant 0 : i32
    %eq3A_1051 = vector.broadcast %eq3A_1050 : i32 to vector<8x128xi32>
    %eq3A_1052 = arith.cmpi eq, %and3A_1023, %eq3A_1051 : vector<8x128xi32>
    %select_n3A_1053 = arith.select %eq3A_1052, %select_n3A_1041, %select_n3A_1045 : vector<8x128xi1>, vector<8x128xi32>
    %eq3A_1054 = arith.constant 0 : i32
    %eq3A_1055 = vector.broadcast %eq3A_1054 : i32 to vector<8x128xi32>
    %eq3A_1056 = arith.cmpi eq, %and3A_1029, %eq3A_1055 : vector<8x128xi32>
    %select_n3A_1057 = arith.select %eq3A_1056, %select_n3A_1049, %select_n3A_1053 : vector<8x128xi1>, vector<8x128xi32>
    %and3A_1058 = arith.constant 31 : i32
    %and3A_1059 = vector.broadcast %and3A_1058 : i32 to vector<8x128xi32>
    %and3A_1060 = arith.andi %and3A_1011, %and3A_1059 : vector<8x128xi32>
    %shift_right_arithmetic3A_1061 = arith.shrsi %select_n3A_1057, %and3A_1060 : vector<8x128xi32>
    %and3A_1062 = arith.constant 1 : i32
    %and3A_1063 = vector.broadcast %and3A_1062 : i32 to vector<8x128xi32>
    %and3A_1064 = arith.andi %shift_right_arithmetic3A_1061, %and3A_1063 : vector<8x128xi32>
    %shift_right_arithmetic3A_1065 = arith.constant 8 : i32
    %shift_right_arithmetic3A_1066 = vector.broadcast %shift_right_arithmetic3A_1065 : i32 to vector<8x128xi32>
    %shift_right_arithmetic3A_1067 = arith.shrsi %and3A_939, %shift_right_arithmetic3A_1066 : vector<8x128xi32>
    %and3A_1068 = arith.constant 1 : i32
    %and3A_1069 = vector.broadcast %and3A_1068 : i32 to vector<8x128xi32>
    %and3A_1070 = arith.andi %shift_right_arithmetic3A_1067, %and3A_1069 : vector<8x128xi32>
    %select_n3A_1071 = arith.select %eq3A_203, %and3A_1070, %and3A_1064 : vector<8x128xi1>, vector<8x128xi32>
    %shift_right_arithmetic3A_1072 = arith.constant 16 : i32
    %shift_right_arithmetic3A_1073 = vector.broadcast %shift_right_arithmetic3A_1072 : i32 to vector<8x128xi32>
    %shift_right_arithmetic3A_1074 = arith.shrsi %add3A_933, %shift_right_arithmetic3A_1073 : vector<8x128xi32>
    %and3A_1075 = arith.constant 255 : i32
    %and3A_1076 = vector.broadcast %and3A_1075 : i32 to vector<8x128xi32>
    %and3A_1077 = arith.andi %shift_right_arithmetic3A_1074, %and3A_1076 : vector<8x128xi32>
    %shift_right_arithmetic3A_1078 = arith.constant 5 : i32
    %shift_right_arithmetic3A_1079 = vector.broadcast %shift_right_arithmetic3A_1078 : i32 to vector<8x128xi32>
    %shift_right_arithmetic3A_1080 = arith.shrsi %and3A_1077, %shift_right_arithmetic3A_1079 : vector<8x128xi32>
    %and3A_1081 = arith.constant 1 : i32
    %and3A_1082 = vector.broadcast %and3A_1081 : i32 to vector<8x128xi32>
    %and3A_1083 = arith.andi %shift_right_arithmetic3A_1080, %and3A_1082 : vector<8x128xi32>
    %shift_right_arithmetic3A_1084 = arith.constant 6 : i32
    %shift_right_arithmetic3A_1085 = vector.broadcast %shift_right_arithmetic3A_1084 : i32 to vector<8x128xi32>
    %shift_right_arithmetic3A_1086 = arith.shrsi %and3A_1077, %shift_right_arithmetic3A_1085 : vector<8x128xi32>
    %and3A_1087 = arith.constant 1 : i32
    %and3A_1088 = vector.broadcast %and3A_1087 : i32 to vector<8x128xi32>
    %and3A_1089 = arith.andi %shift_right_arithmetic3A_1086, %and3A_1088 : vector<8x128xi32>
    %shift_right_arithmetic3A_1090 = arith.constant 7 : i32
    %shift_right_arithmetic3A_1091 = vector.broadcast %shift_right_arithmetic3A_1090 : i32 to vector<8x128xi32>
    %shift_right_arithmetic3A_1092 = arith.shrsi %and3A_1077, %shift_right_arithmetic3A_1091 : vector<8x128xi32>
    %and3A_1093 = arith.constant 1 : i32
    %and3A_1094 = vector.broadcast %and3A_1093 : i32 to vector<8x128xi32>
    %and3A_1095 = arith.andi %shift_right_arithmetic3A_1092, %and3A_1094 : vector<8x128xi32>
    %eq3A_1096 = arith.constant 0 : i32
    %eq3A_1097 = vector.broadcast %eq3A_1096 : i32 to vector<8x128xi32>
    %eq3A_1098 = arith.cmpi eq, %and3A_1083, %eq3A_1097 : vector<8x128xi32>
    %select_n3A_1099 = arith.select %eq3A_1098, %add3A_73, %add3A_81 : vector<8x128xi1>, vector<8x128xi32>
    %eq3A_1100 = arith.constant 0 : i32
    %eq3A_1101 = vector.broadcast %eq3A_1100 : i32 to vector<8x128xi32>
    %eq3A_1102 = arith.cmpi eq, %and3A_1083, %eq3A_1101 : vector<8x128xi32>
    %select_n3A_1103 = arith.select %eq3A_1102, %add3A_89, %add3A_97 : vector<8x128xi1>, vector<8x128xi32>
    %eq3A_1104 = arith.constant 0 : i32
    %eq3A_1105 = vector.broadcast %eq3A_1104 : i32 to vector<8x128xi32>
    %eq3A_1106 = arith.cmpi eq, %and3A_1083, %eq3A_1105 : vector<8x128xi32>
    %select_n3A_1107 = arith.select %eq3A_1106, %add3A_105, %add3A_113 : vector<8x128xi1>, vector<8x128xi32>
    %eq3A_1108 = arith.constant 0 : i32
    %eq3A_1109 = vector.broadcast %eq3A_1108 : i32 to vector<8x128xi32>
    %eq3A_1110 = arith.cmpi eq, %and3A_1083, %eq3A_1109 : vector<8x128xi32>
    %select_n3A_1111 = arith.select %eq3A_1110, %add3A_121, %add3A_129 : vector<8x128xi1>, vector<8x128xi32>
    %eq3A_1112 = arith.constant 0 : i32
    %eq3A_1113 = vector.broadcast %eq3A_1112 : i32 to vector<8x128xi32>
    %eq3A_1114 = arith.cmpi eq, %and3A_1089, %eq3A_1113 : vector<8x128xi32>
    %select_n3A_1115 = arith.select %eq3A_1114, %select_n3A_1099, %select_n3A_1103 : vector<8x128xi1>, vector<8x128xi32>
    %eq3A_1116 = arith.constant 0 : i32
    %eq3A_1117 = vector.broadcast %eq3A_1116 : i32 to vector<8x128xi32>
    %eq3A_1118 = arith.cmpi eq, %and3A_1089, %eq3A_1117 : vector<8x128xi32>
    %select_n3A_1119 = arith.select %eq3A_1118, %select_n3A_1107, %select_n3A_1111 : vector<8x128xi1>, vector<8x128xi32>
    %eq3A_1120 = arith.constant 0 : i32
    %eq3A_1121 = vector.broadcast %eq3A_1120 : i32 to vector<8x128xi32>
    %eq3A_1122 = arith.cmpi eq, %and3A_1095, %eq3A_1121 : vector<8x128xi32>
    %select_n3A_1123 = arith.select %eq3A_1122, %select_n3A_1115, %select_n3A_1119 : vector<8x128xi1>, vector<8x128xi32>
    %and3A_1124 = arith.constant 31 : i32
    %and3A_1125 = vector.broadcast %and3A_1124 : i32 to vector<8x128xi32>
    %and3A_1126 = arith.andi %and3A_1077, %and3A_1125 : vector<8x128xi32>
    %shift_right_arithmetic3A_1127 = arith.shrsi %select_n3A_1123, %and3A_1126 : vector<8x128xi32>
    %and3A_1128 = arith.constant 1 : i32
    %and3A_1129 = vector.broadcast %and3A_1128 : i32 to vector<8x128xi32>
    %and3A_1130 = arith.andi %shift_right_arithmetic3A_1127, %and3A_1129 : vector<8x128xi32>
    %shift_right_arithmetic3A_1131 = arith.constant 16 : i32
    %shift_right_arithmetic3A_1132 = vector.broadcast %shift_right_arithmetic3A_1131 : i32 to vector<8x128xi32>
    %shift_right_arithmetic3A_1133 = arith.shrsi %and3A_939, %shift_right_arithmetic3A_1132 : vector<8x128xi32>
    %and3A_1134 = arith.constant 1 : i32
    %and3A_1135 = vector.broadcast %and3A_1134 : i32 to vector<8x128xi32>
    %and3A_1136 = arith.andi %shift_right_arithmetic3A_1133, %and3A_1135 : vector<8x128xi32>
    %select_n3A_1137 = arith.select %eq3A_203, %and3A_1136, %and3A_1130 : vector<8x128xi1>, vector<8x128xi32>
    %shift_right_arithmetic3A_1138 = arith.constant 24 : i32
    %shift_right_arithmetic3A_1139 = vector.broadcast %shift_right_arithmetic3A_1138 : i32 to vector<8x128xi32>
    %shift_right_arithmetic3A_1140 = arith.shrsi %add3A_933, %shift_right_arithmetic3A_1139 : vector<8x128xi32>
    %and3A_1141 = arith.constant 255 : i32
    %and3A_1142 = vector.broadcast %and3A_1141 : i32 to vector<8x128xi32>
    %and3A_1143 = arith.andi %shift_right_arithmetic3A_1140, %and3A_1142 : vector<8x128xi32>
    %shift_right_arithmetic3A_1144 = arith.constant 5 : i32
    %shift_right_arithmetic3A_1145 = vector.broadcast %shift_right_arithmetic3A_1144 : i32 to vector<8x128xi32>
    %shift_right_arithmetic3A_1146 = arith.shrsi %and3A_1143, %shift_right_arithmetic3A_1145 : vector<8x128xi32>
    %and3A_1147 = arith.constant 1 : i32
    %and3A_1148 = vector.broadcast %and3A_1147 : i32 to vector<8x128xi32>
    %and3A_1149 = arith.andi %shift_right_arithmetic3A_1146, %and3A_1148 : vector<8x128xi32>
    %shift_right_arithmetic3A_1150 = arith.constant 6 : i32
    %shift_right_arithmetic3A_1151 = vector.broadcast %shift_right_arithmetic3A_1150 : i32 to vector<8x128xi32>
    %shift_right_arithmetic3A_1152 = arith.shrsi %and3A_1143, %shift_right_arithmetic3A_1151 : vector<8x128xi32>
    %and3A_1153 = arith.constant 1 : i32
    %and3A_1154 = vector.broadcast %and3A_1153 : i32 to vector<8x128xi32>
    %and3A_1155 = arith.andi %shift_right_arithmetic3A_1152, %and3A_1154 : vector<8x128xi32>
    %shift_right_arithmetic3A_1156 = arith.constant 7 : i32
    %shift_right_arithmetic3A_1157 = vector.broadcast %shift_right_arithmetic3A_1156 : i32 to vector<8x128xi32>
    %shift_right_arithmetic3A_1158 = arith.shrsi %and3A_1143, %shift_right_arithmetic3A_1157 : vector<8x128xi32>
    %and3A_1159 = arith.constant 1 : i32
    %and3A_1160 = vector.broadcast %and3A_1159 : i32 to vector<8x128xi32>
    %and3A_1161 = arith.andi %shift_right_arithmetic3A_1158, %and3A_1160 : vector<8x128xi32>
    %eq3A_1162 = arith.constant 0 : i32
    %eq3A_1163 = vector.broadcast %eq3A_1162 : i32 to vector<8x128xi32>
    %eq3A_1164 = arith.cmpi eq, %and3A_1149, %eq3A_1163 : vector<8x128xi32>
    %select_n3A_1165 = arith.select %eq3A_1164, %add3A_73, %add3A_81 : vector<8x128xi1>, vector<8x128xi32>
    %eq3A_1166 = arith.constant 0 : i32
    %eq3A_1167 = vector.broadcast %eq3A_1166 : i32 to vector<8x128xi32>
    %eq3A_1168 = arith.cmpi eq, %and3A_1149, %eq3A_1167 : vector<8x128xi32>
    %select_n3A_1169 = arith.select %eq3A_1168, %add3A_89, %add3A_97 : vector<8x128xi1>, vector<8x128xi32>
    %eq3A_1170 = arith.constant 0 : i32
    %eq3A_1171 = vector.broadcast %eq3A_1170 : i32 to vector<8x128xi32>
    %eq3A_1172 = arith.cmpi eq, %and3A_1149, %eq3A_1171 : vector<8x128xi32>
    %select_n3A_1173 = arith.select %eq3A_1172, %add3A_105, %add3A_113 : vector<8x128xi1>, vector<8x128xi32>
    %eq3A_1174 = arith.constant 0 : i32
    %eq3A_1175 = vector.broadcast %eq3A_1174 : i32 to vector<8x128xi32>
    %eq3A_1176 = arith.cmpi eq, %and3A_1149, %eq3A_1175 : vector<8x128xi32>
    %select_n3A_1177 = arith.select %eq3A_1176, %add3A_121, %add3A_129 : vector<8x128xi1>, vector<8x128xi32>
    %eq3A_1178 = arith.constant 0 : i32
    %eq3A_1179 = vector.broadcast %eq3A_1178 : i32 to vector<8x128xi32>
    %eq3A_1180 = arith.cmpi eq, %and3A_1155, %eq3A_1179 : vector<8x128xi32>
    %select_n3A_1181 = arith.select %eq3A_1180, %select_n3A_1165, %select_n3A_1169 : vector<8x128xi1>, vector<8x128xi32>
    %eq3A_1182 = arith.constant 0 : i32
    %eq3A_1183 = vector.broadcast %eq3A_1182 : i32 to vector<8x128xi32>
    %eq3A_1184 = arith.cmpi eq, %and3A_1155, %eq3A_1183 : vector<8x128xi32>
    %select_n3A_1185 = arith.select %eq3A_1184, %select_n3A_1173, %select_n3A_1177 : vector<8x128xi1>, vector<8x128xi32>
    %eq3A_1186 = arith.constant 0 : i32
    %eq3A_1187 = vector.broadcast %eq3A_1186 : i32 to vector<8x128xi32>
    %eq3A_1188 = arith.cmpi eq, %and3A_1161, %eq3A_1187 : vector<8x128xi32>
    %select_n3A_1189 = arith.select %eq3A_1188, %select_n3A_1181, %select_n3A_1185 : vector<8x128xi1>, vector<8x128xi32>
    %and3A_1190 = arith.constant 31 : i32
    %and3A_1191 = vector.broadcast %and3A_1190 : i32 to vector<8x128xi32>
    %and3A_1192 = arith.andi %and3A_1143, %and3A_1191 : vector<8x128xi32>
    %shift_right_arithmetic3A_1193 = arith.shrsi %select_n3A_1189, %and3A_1192 : vector<8x128xi32>
    %and3A_1194 = arith.constant 1 : i32
    %and3A_1195 = vector.broadcast %and3A_1194 : i32 to vector<8x128xi32>
    %and3A_1196 = arith.andi %shift_right_arithmetic3A_1193, %and3A_1195 : vector<8x128xi32>
    %shift_right_arithmetic3A_1197 = arith.constant 24 : i32
    %shift_right_arithmetic3A_1198 = vector.broadcast %shift_right_arithmetic3A_1197 : i32 to vector<8x128xi32>
    %shift_right_arithmetic3A_1199 = arith.shrsi %and3A_939, %shift_right_arithmetic3A_1198 : vector<8x128xi32>
    %and3A_1200 = arith.constant 1 : i32
    %and3A_1201 = vector.broadcast %and3A_1200 : i32 to vector<8x128xi32>
    %and3A_1202 = arith.andi %shift_right_arithmetic3A_1199, %and3A_1201 : vector<8x128xi32>
    %select_n3A_1203 = arith.select %eq3A_203, %and3A_1202, %and3A_1196 : vector<8x128xi1>, vector<8x128xi32>
    %shift_right_arithmetic3A_1204 = arith.constant 3 : i32
    %shift_right_arithmetic3A_1205 = vector.broadcast %shift_right_arithmetic3A_1204 : i32 to vector<8x128xi32>
    %shift_right_arithmetic3A_1206 = arith.shrsi %mul3A_142, %shift_right_arithmetic3A_1205 : vector<8x128xi32>
    %and3A_1207 = arith.constant 16843009 : i32
    %and3A_1208 = vector.broadcast %and3A_1207 : i32 to vector<8x128xi32>
    %and3A_1209 = arith.andi %shift_right_arithmetic3A_1206, %and3A_1208 : vector<8x128xi32>
    %shift_right_arithmetic3A_1210 = arith.constant 3 : i32
    %shift_right_arithmetic3A_1211 = vector.broadcast %shift_right_arithmetic3A_1210 : i32 to vector<8x128xi32>
    %shift_right_arithmetic3A_1212 = arith.shrsi %mul3A_147, %shift_right_arithmetic3A_1211 : vector<8x128xi32>
    %and3A_1213 = arith.constant 16843009 : i32
    %and3A_1214 = vector.broadcast %and3A_1213 : i32 to vector<8x128xi32>
    %and3A_1215 = arith.andi %shift_right_arithmetic3A_1212, %and3A_1214 : vector<8x128xi32>
    %add3A_1216 = arith.addi %and3A_1209, %and3A_1209 : vector<8x128xi32>
    %add3A_1217 = arith.addi %add3A_1216, %and3A_1215 : vector<8x128xi32>
    %shift_right_arithmetic3A_1218 = arith.constant 3 : i32
    %shift_right_arithmetic3A_1219 = vector.broadcast %shift_right_arithmetic3A_1218 : i32 to vector<8x128xi32>
    %shift_right_arithmetic3A_1220 = arith.shrsi %mul3A_152, %shift_right_arithmetic3A_1219 : vector<8x128xi32>
    %and3A_1221 = arith.constant 16843009 : i32
    %and3A_1222 = vector.broadcast %and3A_1221 : i32 to vector<8x128xi32>
    %and3A_1223 = arith.andi %shift_right_arithmetic3A_1220, %and3A_1222 : vector<8x128xi32>
    %add3A_1224 = arith.addi %add3A_1217, %add3A_1217 : vector<8x128xi32>
    %add3A_1225 = arith.addi %add3A_1224, %and3A_1223 : vector<8x128xi32>
    %shift_right_arithmetic3A_1226 = arith.constant 3 : i32
    %shift_right_arithmetic3A_1227 = vector.broadcast %shift_right_arithmetic3A_1226 : i32 to vector<8x128xi32>
    %shift_right_arithmetic3A_1228 = arith.shrsi %mul3A_157, %shift_right_arithmetic3A_1227 : vector<8x128xi32>
    %and3A_1229 = arith.constant 16843009 : i32
    %and3A_1230 = vector.broadcast %and3A_1229 : i32 to vector<8x128xi32>
    %and3A_1231 = arith.andi %shift_right_arithmetic3A_1228, %and3A_1230 : vector<8x128xi32>
    %add3A_1232 = arith.addi %add3A_1225, %add3A_1225 : vector<8x128xi32>
    %add3A_1233 = arith.addi %add3A_1232, %and3A_1231 : vector<8x128xi32>
    %shift_right_arithmetic3A_1234 = arith.constant 3 : i32
    %shift_right_arithmetic3A_1235 = vector.broadcast %shift_right_arithmetic3A_1234 : i32 to vector<8x128xi32>
    %shift_right_arithmetic3A_1236 = arith.shrsi %mul3A_162, %shift_right_arithmetic3A_1235 : vector<8x128xi32>
    %and3A_1237 = arith.constant 16843009 : i32
    %and3A_1238 = vector.broadcast %and3A_1237 : i32 to vector<8x128xi32>
    %and3A_1239 = arith.andi %shift_right_arithmetic3A_1236, %and3A_1238 : vector<8x128xi32>
    %add3A_1240 = arith.addi %add3A_1233, %add3A_1233 : vector<8x128xi32>
    %add3A_1241 = arith.addi %add3A_1240, %and3A_1239 : vector<8x128xi32>
    %shift_right_arithmetic3A_1242 = arith.constant 3 : i32
    %shift_right_arithmetic3A_1243 = vector.broadcast %shift_right_arithmetic3A_1242 : i32 to vector<8x128xi32>
    %shift_right_arithmetic3A_1244 = arith.shrsi %mul3A_167, %shift_right_arithmetic3A_1243 : vector<8x128xi32>
    %and3A_1245 = arith.constant 16843009 : i32
    %and3A_1246 = vector.broadcast %and3A_1245 : i32 to vector<8x128xi32>
    %and3A_1247 = arith.andi %shift_right_arithmetic3A_1244, %and3A_1246 : vector<8x128xi32>
    %add3A_1248 = arith.addi %add3A_1241, %add3A_1241 : vector<8x128xi32>
    %add3A_1249 = arith.addi %add3A_1248, %and3A_1247 : vector<8x128xi32>
    %shift_right_arithmetic3A_1250 = arith.constant 3 : i32
    %shift_right_arithmetic3A_1251 = vector.broadcast %shift_right_arithmetic3A_1250 : i32 to vector<8x128xi32>
    %shift_right_arithmetic3A_1252 = arith.shrsi %mul3A_172, %shift_right_arithmetic3A_1251 : vector<8x128xi32>
    %and3A_1253 = arith.constant 16843009 : i32
    %and3A_1254 = vector.broadcast %and3A_1253 : i32 to vector<8x128xi32>
    %and3A_1255 = arith.andi %shift_right_arithmetic3A_1252, %and3A_1254 : vector<8x128xi32>
    %add3A_1256 = arith.addi %add3A_1249, %add3A_1249 : vector<8x128xi32>
    %add3A_1257 = arith.addi %add3A_1256, %and3A_1255 : vector<8x128xi32>
    %shift_right_arithmetic3A_1258 = arith.constant 3 : i32
    %shift_right_arithmetic3A_1259 = vector.broadcast %shift_right_arithmetic3A_1258 : i32 to vector<8x128xi32>
    %shift_right_arithmetic3A_1260 = arith.shrsi %mul3A_177, %shift_right_arithmetic3A_1259 : vector<8x128xi32>
    %and3A_1261 = arith.constant 16843009 : i32
    %and3A_1262 = vector.broadcast %and3A_1261 : i32 to vector<8x128xi32>
    %and3A_1263 = arith.andi %shift_right_arithmetic3A_1260, %and3A_1262 : vector<8x128xi32>
    %add3A_1264 = arith.addi %add3A_1257, %add3A_1257 : vector<8x128xi32>
    %add3A_1265 = arith.addi %add3A_1264, %and3A_1263 : vector<8x128xi32>
    %shift_right_arithmetic3A_1266 = arith.constant 3 : i32
    %shift_right_arithmetic3A_1267 = vector.broadcast %shift_right_arithmetic3A_1266 : i32 to vector<8x128xi32>
    %shift_right_arithmetic3A_1268 = arith.shrsi %reshape3A_208, %shift_right_arithmetic3A_1267 : vector<8x128xi32>
    %and3A_1269 = arith.constant 16843009 : i32
    %and3A_1270 = vector.broadcast %and3A_1269 : i32 to vector<8x128xi32>
    %and3A_1271 = arith.andi %shift_right_arithmetic3A_1268, %and3A_1270 : vector<8x128xi32>
    %shift_right_arithmetic3A_1272 = arith.constant 0 : i32
    %shift_right_arithmetic3A_1273 = vector.broadcast %shift_right_arithmetic3A_1272 : i32 to vector<8x128xi32>
    %shift_right_arithmetic3A_1274 = arith.shrsi %add3A_1265, %shift_right_arithmetic3A_1273 : vector<8x128xi32>
    %and3A_1275 = arith.constant 255 : i32
    %and3A_1276 = vector.broadcast %and3A_1275 : i32 to vector<8x128xi32>
    %and3A_1277 = arith.andi %shift_right_arithmetic3A_1274, %and3A_1276 : vector<8x128xi32>
    %shift_right_arithmetic3A_1278 = arith.constant 5 : i32
    %shift_right_arithmetic3A_1279 = vector.broadcast %shift_right_arithmetic3A_1278 : i32 to vector<8x128xi32>
    %shift_right_arithmetic3A_1280 = arith.shrsi %and3A_1277, %shift_right_arithmetic3A_1279 : vector<8x128xi32>
    %and3A_1281 = arith.constant 1 : i32
    %and3A_1282 = vector.broadcast %and3A_1281 : i32 to vector<8x128xi32>
    %and3A_1283 = arith.andi %shift_right_arithmetic3A_1280, %and3A_1282 : vector<8x128xi32>
    %shift_right_arithmetic3A_1284 = arith.constant 6 : i32
    %shift_right_arithmetic3A_1285 = vector.broadcast %shift_right_arithmetic3A_1284 : i32 to vector<8x128xi32>
    %shift_right_arithmetic3A_1286 = arith.shrsi %and3A_1277, %shift_right_arithmetic3A_1285 : vector<8x128xi32>
    %and3A_1287 = arith.constant 1 : i32
    %and3A_1288 = vector.broadcast %and3A_1287 : i32 to vector<8x128xi32>
    %and3A_1289 = arith.andi %shift_right_arithmetic3A_1286, %and3A_1288 : vector<8x128xi32>
    %shift_right_arithmetic3A_1290 = arith.constant 7 : i32
    %shift_right_arithmetic3A_1291 = vector.broadcast %shift_right_arithmetic3A_1290 : i32 to vector<8x128xi32>
    %shift_right_arithmetic3A_1292 = arith.shrsi %and3A_1277, %shift_right_arithmetic3A_1291 : vector<8x128xi32>
    %and3A_1293 = arith.constant 1 : i32
    %and3A_1294 = vector.broadcast %and3A_1293 : i32 to vector<8x128xi32>
    %and3A_1295 = arith.andi %shift_right_arithmetic3A_1292, %and3A_1294 : vector<8x128xi32>
    %eq3A_1296 = arith.constant 0 : i32
    %eq3A_1297 = vector.broadcast %eq3A_1296 : i32 to vector<8x128xi32>
    %eq3A_1298 = arith.cmpi eq, %and3A_1283, %eq3A_1297 : vector<8x128xi32>
    %select_n3A_1299 = arith.select %eq3A_1298, %add3A_73, %add3A_81 : vector<8x128xi1>, vector<8x128xi32>
    %eq3A_1300 = arith.constant 0 : i32
    %eq3A_1301 = vector.broadcast %eq3A_1300 : i32 to vector<8x128xi32>
    %eq3A_1302 = arith.cmpi eq, %and3A_1283, %eq3A_1301 : vector<8x128xi32>
    %select_n3A_1303 = arith.select %eq3A_1302, %add3A_89, %add3A_97 : vector<8x128xi1>, vector<8x128xi32>
    %eq3A_1304 = arith.constant 0 : i32
    %eq3A_1305 = vector.broadcast %eq3A_1304 : i32 to vector<8x128xi32>
    %eq3A_1306 = arith.cmpi eq, %and3A_1283, %eq3A_1305 : vector<8x128xi32>
    %select_n3A_1307 = arith.select %eq3A_1306, %add3A_105, %add3A_113 : vector<8x128xi1>, vector<8x128xi32>
    %eq3A_1308 = arith.constant 0 : i32
    %eq3A_1309 = vector.broadcast %eq3A_1308 : i32 to vector<8x128xi32>
    %eq3A_1310 = arith.cmpi eq, %and3A_1283, %eq3A_1309 : vector<8x128xi32>
    %select_n3A_1311 = arith.select %eq3A_1310, %add3A_121, %add3A_129 : vector<8x128xi1>, vector<8x128xi32>
    %eq3A_1312 = arith.constant 0 : i32
    %eq3A_1313 = vector.broadcast %eq3A_1312 : i32 to vector<8x128xi32>
    %eq3A_1314 = arith.cmpi eq, %and3A_1289, %eq3A_1313 : vector<8x128xi32>
    %select_n3A_1315 = arith.select %eq3A_1314, %select_n3A_1299, %select_n3A_1303 : vector<8x128xi1>, vector<8x128xi32>
    %eq3A_1316 = arith.constant 0 : i32
    %eq3A_1317 = vector.broadcast %eq3A_1316 : i32 to vector<8x128xi32>
    %eq3A_1318 = arith.cmpi eq, %and3A_1289, %eq3A_1317 : vector<8x128xi32>
    %select_n3A_1319 = arith.select %eq3A_1318, %select_n3A_1307, %select_n3A_1311 : vector<8x128xi1>, vector<8x128xi32>
    %eq3A_1320 = arith.constant 0 : i32
    %eq3A_1321 = vector.broadcast %eq3A_1320 : i32 to vector<8x128xi32>
    %eq3A_1322 = arith.cmpi eq, %and3A_1295, %eq3A_1321 : vector<8x128xi32>
    %select_n3A_1323 = arith.select %eq3A_1322, %select_n3A_1315, %select_n3A_1319 : vector<8x128xi1>, vector<8x128xi32>
    %and3A_1324 = arith.constant 31 : i32
    %and3A_1325 = vector.broadcast %and3A_1324 : i32 to vector<8x128xi32>
    %and3A_1326 = arith.andi %and3A_1277, %and3A_1325 : vector<8x128xi32>
    %shift_right_arithmetic3A_1327 = arith.shrsi %select_n3A_1323, %and3A_1326 : vector<8x128xi32>
    %and3A_1328 = arith.constant 1 : i32
    %and3A_1329 = vector.broadcast %and3A_1328 : i32 to vector<8x128xi32>
    %and3A_1330 = arith.andi %shift_right_arithmetic3A_1327, %and3A_1329 : vector<8x128xi32>
    %shift_right_arithmetic3A_1331 = arith.constant 0 : i32
    %shift_right_arithmetic3A_1332 = vector.broadcast %shift_right_arithmetic3A_1331 : i32 to vector<8x128xi32>
    %shift_right_arithmetic3A_1333 = arith.shrsi %and3A_1271, %shift_right_arithmetic3A_1332 : vector<8x128xi32>
    %and3A_1334 = arith.constant 1 : i32
    %and3A_1335 = vector.broadcast %and3A_1334 : i32 to vector<8x128xi32>
    %and3A_1336 = arith.andi %shift_right_arithmetic3A_1333, %and3A_1335 : vector<8x128xi32>
    %select_n3A_1337 = arith.select %eq3A_203, %and3A_1336, %and3A_1330 : vector<8x128xi1>, vector<8x128xi32>
    %shift_right_arithmetic3A_1338 = arith.constant 8 : i32
    %shift_right_arithmetic3A_1339 = vector.broadcast %shift_right_arithmetic3A_1338 : i32 to vector<8x128xi32>
    %shift_right_arithmetic3A_1340 = arith.shrsi %add3A_1265, %shift_right_arithmetic3A_1339 : vector<8x128xi32>
    %and3A_1341 = arith.constant 255 : i32
    %and3A_1342 = vector.broadcast %and3A_1341 : i32 to vector<8x128xi32>
    %and3A_1343 = arith.andi %shift_right_arithmetic3A_1340, %and3A_1342 : vector<8x128xi32>
    %shift_right_arithmetic3A_1344 = arith.constant 5 : i32
    %shift_right_arithmetic3A_1345 = vector.broadcast %shift_right_arithmetic3A_1344 : i32 to vector<8x128xi32>
    %shift_right_arithmetic3A_1346 = arith.shrsi %and3A_1343, %shift_right_arithmetic3A_1345 : vector<8x128xi32>
    %and3A_1347 = arith.constant 1 : i32
    %and3A_1348 = vector.broadcast %and3A_1347 : i32 to vector<8x128xi32>
    %and3A_1349 = arith.andi %shift_right_arithmetic3A_1346, %and3A_1348 : vector<8x128xi32>
    %shift_right_arithmetic3A_1350 = arith.constant 6 : i32
    %shift_right_arithmetic3A_1351 = vector.broadcast %shift_right_arithmetic3A_1350 : i32 to vector<8x128xi32>
    %shift_right_arithmetic3A_1352 = arith.shrsi %and3A_1343, %shift_right_arithmetic3A_1351 : vector<8x128xi32>
    %and3A_1353 = arith.constant 1 : i32
    %and3A_1354 = vector.broadcast %and3A_1353 : i32 to vector<8x128xi32>
    %and3A_1355 = arith.andi %shift_right_arithmetic3A_1352, %and3A_1354 : vector<8x128xi32>
    %shift_right_arithmetic3A_1356 = arith.constant 7 : i32
    %shift_right_arithmetic3A_1357 = vector.broadcast %shift_right_arithmetic3A_1356 : i32 to vector<8x128xi32>
    %shift_right_arithmetic3A_1358 = arith.shrsi %and3A_1343, %shift_right_arithmetic3A_1357 : vector<8x128xi32>
    %and3A_1359 = arith.constant 1 : i32
    %and3A_1360 = vector.broadcast %and3A_1359 : i32 to vector<8x128xi32>
    %and3A_1361 = arith.andi %shift_right_arithmetic3A_1358, %and3A_1360 : vector<8x128xi32>
    %eq3A_1362 = arith.constant 0 : i32
    %eq3A_1363 = vector.broadcast %eq3A_1362 : i32 to vector<8x128xi32>
    %eq3A_1364 = arith.cmpi eq, %and3A_1349, %eq3A_1363 : vector<8x128xi32>
    %select_n3A_1365 = arith.select %eq3A_1364, %add3A_73, %add3A_81 : vector<8x128xi1>, vector<8x128xi32>
    %eq3A_1366 = arith.constant 0 : i32
    %eq3A_1367 = vector.broadcast %eq3A_1366 : i32 to vector<8x128xi32>
    %eq3A_1368 = arith.cmpi eq, %and3A_1349, %eq3A_1367 : vector<8x128xi32>
    %select_n3A_1369 = arith.select %eq3A_1368, %add3A_89, %add3A_97 : vector<8x128xi1>, vector<8x128xi32>
    %eq3A_1370 = arith.constant 0 : i32
    %eq3A_1371 = vector.broadcast %eq3A_1370 : i32 to vector<8x128xi32>
    %eq3A_1372 = arith.cmpi eq, %and3A_1349, %eq3A_1371 : vector<8x128xi32>
    %select_n3A_1373 = arith.select %eq3A_1372, %add3A_105, %add3A_113 : vector<8x128xi1>, vector<8x128xi32>
    %eq3A_1374 = arith.constant 0 : i32
    %eq3A_1375 = vector.broadcast %eq3A_1374 : i32 to vector<8x128xi32>
    %eq3A_1376 = arith.cmpi eq, %and3A_1349, %eq3A_1375 : vector<8x128xi32>
    %select_n3A_1377 = arith.select %eq3A_1376, %add3A_121, %add3A_129 : vector<8x128xi1>, vector<8x128xi32>
    %eq3A_1378 = arith.constant 0 : i32
    %eq3A_1379 = vector.broadcast %eq3A_1378 : i32 to vector<8x128xi32>
    %eq3A_1380 = arith.cmpi eq, %and3A_1355, %eq3A_1379 : vector<8x128xi32>
    %select_n3A_1381 = arith.select %eq3A_1380, %select_n3A_1365, %select_n3A_1369 : vector<8x128xi1>, vector<8x128xi32>
    %eq3A_1382 = arith.constant 0 : i32
    %eq3A_1383 = vector.broadcast %eq3A_1382 : i32 to vector<8x128xi32>
    %eq3A_1384 = arith.cmpi eq, %and3A_1355, %eq3A_1383 : vector<8x128xi32>
    %select_n3A_1385 = arith.select %eq3A_1384, %select_n3A_1373, %select_n3A_1377 : vector<8x128xi1>, vector<8x128xi32>
    %eq3A_1386 = arith.constant 0 : i32
    %eq3A_1387 = vector.broadcast %eq3A_1386 : i32 to vector<8x128xi32>
    %eq3A_1388 = arith.cmpi eq, %and3A_1361, %eq3A_1387 : vector<8x128xi32>
    %select_n3A_1389 = arith.select %eq3A_1388, %select_n3A_1381, %select_n3A_1385 : vector<8x128xi1>, vector<8x128xi32>
    %and3A_1390 = arith.constant 31 : i32
    %and3A_1391 = vector.broadcast %and3A_1390 : i32 to vector<8x128xi32>
    %and3A_1392 = arith.andi %and3A_1343, %and3A_1391 : vector<8x128xi32>
    %shift_right_arithmetic3A_1393 = arith.shrsi %select_n3A_1389, %and3A_1392 : vector<8x128xi32>
    %and3A_1394 = arith.constant 1 : i32
    %and3A_1395 = vector.broadcast %and3A_1394 : i32 to vector<8x128xi32>
    %and3A_1396 = arith.andi %shift_right_arithmetic3A_1393, %and3A_1395 : vector<8x128xi32>
    %shift_right_arithmetic3A_1397 = arith.constant 8 : i32
    %shift_right_arithmetic3A_1398 = vector.broadcast %shift_right_arithmetic3A_1397 : i32 to vector<8x128xi32>
    %shift_right_arithmetic3A_1399 = arith.shrsi %and3A_1271, %shift_right_arithmetic3A_1398 : vector<8x128xi32>
    %and3A_1400 = arith.constant 1 : i32
    %and3A_1401 = vector.broadcast %and3A_1400 : i32 to vector<8x128xi32>
    %and3A_1402 = arith.andi %shift_right_arithmetic3A_1399, %and3A_1401 : vector<8x128xi32>
    %select_n3A_1403 = arith.select %eq3A_203, %and3A_1402, %and3A_1396 : vector<8x128xi1>, vector<8x128xi32>
    %shift_right_arithmetic3A_1404 = arith.constant 16 : i32
    %shift_right_arithmetic3A_1405 = vector.broadcast %shift_right_arithmetic3A_1404 : i32 to vector<8x128xi32>
    %shift_right_arithmetic3A_1406 = arith.shrsi %add3A_1265, %shift_right_arithmetic3A_1405 : vector<8x128xi32>
    %and3A_1407 = arith.constant 255 : i32
    %and3A_1408 = vector.broadcast %and3A_1407 : i32 to vector<8x128xi32>
    %and3A_1409 = arith.andi %shift_right_arithmetic3A_1406, %and3A_1408 : vector<8x128xi32>
    %shift_right_arithmetic3A_1410 = arith.constant 5 : i32
    %shift_right_arithmetic3A_1411 = vector.broadcast %shift_right_arithmetic3A_1410 : i32 to vector<8x128xi32>
    %shift_right_arithmetic3A_1412 = arith.shrsi %and3A_1409, %shift_right_arithmetic3A_1411 : vector<8x128xi32>
    %and3A_1413 = arith.constant 1 : i32
    %and3A_1414 = vector.broadcast %and3A_1413 : i32 to vector<8x128xi32>
    %and3A_1415 = arith.andi %shift_right_arithmetic3A_1412, %and3A_1414 : vector<8x128xi32>
    %shift_right_arithmetic3A_1416 = arith.constant 6 : i32
    %shift_right_arithmetic3A_1417 = vector.broadcast %shift_right_arithmetic3A_1416 : i32 to vector<8x128xi32>
    %shift_right_arithmetic3A_1418 = arith.shrsi %and3A_1409, %shift_right_arithmetic3A_1417 : vector<8x128xi32>
    %and3A_1419 = arith.constant 1 : i32
    %and3A_1420 = vector.broadcast %and3A_1419 : i32 to vector<8x128xi32>
    %and3A_1421 = arith.andi %shift_right_arithmetic3A_1418, %and3A_1420 : vector<8x128xi32>
    %shift_right_arithmetic3A_1422 = arith.constant 7 : i32
    %shift_right_arithmetic3A_1423 = vector.broadcast %shift_right_arithmetic3A_1422 : i32 to vector<8x128xi32>
    %shift_right_arithmetic3A_1424 = arith.shrsi %and3A_1409, %shift_right_arithmetic3A_1423 : vector<8x128xi32>
    %and3A_1425 = arith.constant 1 : i32
    %and3A_1426 = vector.broadcast %and3A_1425 : i32 to vector<8x128xi32>
    %and3A_1427 = arith.andi %shift_right_arithmetic3A_1424, %and3A_1426 : vector<8x128xi32>
    %eq3A_1428 = arith.constant 0 : i32
    %eq3A_1429 = vector.broadcast %eq3A_1428 : i32 to vector<8x128xi32>
    %eq3A_1430 = arith.cmpi eq, %and3A_1415, %eq3A_1429 : vector<8x128xi32>
    %select_n3A_1431 = arith.select %eq3A_1430, %add3A_73, %add3A_81 : vector<8x128xi1>, vector<8x128xi32>
    %eq3A_1432 = arith.constant 0 : i32
    %eq3A_1433 = vector.broadcast %eq3A_1432 : i32 to vector<8x128xi32>
    %eq3A_1434 = arith.cmpi eq, %and3A_1415, %eq3A_1433 : vector<8x128xi32>
    %select_n3A_1435 = arith.select %eq3A_1434, %add3A_89, %add3A_97 : vector<8x128xi1>, vector<8x128xi32>
    %eq3A_1436 = arith.constant 0 : i32
    %eq3A_1437 = vector.broadcast %eq3A_1436 : i32 to vector<8x128xi32>
    %eq3A_1438 = arith.cmpi eq, %and3A_1415, %eq3A_1437 : vector<8x128xi32>
    %select_n3A_1439 = arith.select %eq3A_1438, %add3A_105, %add3A_113 : vector<8x128xi1>, vector<8x128xi32>
    %eq3A_1440 = arith.constant 0 : i32
    %eq3A_1441 = vector.broadcast %eq3A_1440 : i32 to vector<8x128xi32>
    %eq3A_1442 = arith.cmpi eq, %and3A_1415, %eq3A_1441 : vector<8x128xi32>
    %select_n3A_1443 = arith.select %eq3A_1442, %add3A_121, %add3A_129 : vector<8x128xi1>, vector<8x128xi32>
    %eq3A_1444 = arith.constant 0 : i32
    %eq3A_1445 = vector.broadcast %eq3A_1444 : i32 to vector<8x128xi32>
    %eq3A_1446 = arith.cmpi eq, %and3A_1421, %eq3A_1445 : vector<8x128xi32>
    %select_n3A_1447 = arith.select %eq3A_1446, %select_n3A_1431, %select_n3A_1435 : vector<8x128xi1>, vector<8x128xi32>
    %eq3A_1448 = arith.constant 0 : i32
    %eq3A_1449 = vector.broadcast %eq3A_1448 : i32 to vector<8x128xi32>
    %eq3A_1450 = arith.cmpi eq, %and3A_1421, %eq3A_1449 : vector<8x128xi32>
    %select_n3A_1451 = arith.select %eq3A_1450, %select_n3A_1439, %select_n3A_1443 : vector<8x128xi1>, vector<8x128xi32>
    %eq3A_1452 = arith.constant 0 : i32
    %eq3A_1453 = vector.broadcast %eq3A_1452 : i32 to vector<8x128xi32>
    %eq3A_1454 = arith.cmpi eq, %and3A_1427, %eq3A_1453 : vector<8x128xi32>
    %select_n3A_1455 = arith.select %eq3A_1454, %select_n3A_1447, %select_n3A_1451 : vector<8x128xi1>, vector<8x128xi32>
    %and3A_1456 = arith.constant 31 : i32
    %and3A_1457 = vector.broadcast %and3A_1456 : i32 to vector<8x128xi32>
    %and3A_1458 = arith.andi %and3A_1409, %and3A_1457 : vector<8x128xi32>
    %shift_right_arithmetic3A_1459 = arith.shrsi %select_n3A_1455, %and3A_1458 : vector<8x128xi32>
    %and3A_1460 = arith.constant 1 : i32
    %and3A_1461 = vector.broadcast %and3A_1460 : i32 to vector<8x128xi32>
    %and3A_1462 = arith.andi %shift_right_arithmetic3A_1459, %and3A_1461 : vector<8x128xi32>
    %shift_right_arithmetic3A_1463 = arith.constant 16 : i32
    %shift_right_arithmetic3A_1464 = vector.broadcast %shift_right_arithmetic3A_1463 : i32 to vector<8x128xi32>
    %shift_right_arithmetic3A_1465 = arith.shrsi %and3A_1271, %shift_right_arithmetic3A_1464 : vector<8x128xi32>
    %and3A_1466 = arith.constant 1 : i32
    %and3A_1467 = vector.broadcast %and3A_1466 : i32 to vector<8x128xi32>
    %and3A_1468 = arith.andi %shift_right_arithmetic3A_1465, %and3A_1467 : vector<8x128xi32>
    %select_n3A_1469 = arith.select %eq3A_203, %and3A_1468, %and3A_1462 : vector<8x128xi1>, vector<8x128xi32>
    %shift_right_arithmetic3A_1470 = arith.constant 24 : i32
    %shift_right_arithmetic3A_1471 = vector.broadcast %shift_right_arithmetic3A_1470 : i32 to vector<8x128xi32>
    %shift_right_arithmetic3A_1472 = arith.shrsi %add3A_1265, %shift_right_arithmetic3A_1471 : vector<8x128xi32>
    %and3A_1473 = arith.constant 255 : i32
    %and3A_1474 = vector.broadcast %and3A_1473 : i32 to vector<8x128xi32>
    %and3A_1475 = arith.andi %shift_right_arithmetic3A_1472, %and3A_1474 : vector<8x128xi32>
    %shift_right_arithmetic3A_1476 = arith.constant 5 : i32
    %shift_right_arithmetic3A_1477 = vector.broadcast %shift_right_arithmetic3A_1476 : i32 to vector<8x128xi32>
    %shift_right_arithmetic3A_1478 = arith.shrsi %and3A_1475, %shift_right_arithmetic3A_1477 : vector<8x128xi32>
    %and3A_1479 = arith.constant 1 : i32
    %and3A_1480 = vector.broadcast %and3A_1479 : i32 to vector<8x128xi32>
    %and3A_1481 = arith.andi %shift_right_arithmetic3A_1478, %and3A_1480 : vector<8x128xi32>
    %shift_right_arithmetic3A_1482 = arith.constant 6 : i32
    %shift_right_arithmetic3A_1483 = vector.broadcast %shift_right_arithmetic3A_1482 : i32 to vector<8x128xi32>
    %shift_right_arithmetic3A_1484 = arith.shrsi %and3A_1475, %shift_right_arithmetic3A_1483 : vector<8x128xi32>
    %and3A_1485 = arith.constant 1 : i32
    %and3A_1486 = vector.broadcast %and3A_1485 : i32 to vector<8x128xi32>
    %and3A_1487 = arith.andi %shift_right_arithmetic3A_1484, %and3A_1486 : vector<8x128xi32>
    %shift_right_arithmetic3A_1488 = arith.constant 7 : i32
    %shift_right_arithmetic3A_1489 = vector.broadcast %shift_right_arithmetic3A_1488 : i32 to vector<8x128xi32>
    %shift_right_arithmetic3A_1490 = arith.shrsi %and3A_1475, %shift_right_arithmetic3A_1489 : vector<8x128xi32>
    %and3A_1491 = arith.constant 1 : i32
    %and3A_1492 = vector.broadcast %and3A_1491 : i32 to vector<8x128xi32>
    %and3A_1493 = arith.andi %shift_right_arithmetic3A_1490, %and3A_1492 : vector<8x128xi32>
    %eq3A_1494 = arith.constant 0 : i32
    %eq3A_1495 = vector.broadcast %eq3A_1494 : i32 to vector<8x128xi32>
    %eq3A_1496 = arith.cmpi eq, %and3A_1481, %eq3A_1495 : vector<8x128xi32>
    %select_n3A_1497 = arith.select %eq3A_1496, %add3A_73, %add3A_81 : vector<8x128xi1>, vector<8x128xi32>
    %eq3A_1498 = arith.constant 0 : i32
    %eq3A_1499 = vector.broadcast %eq3A_1498 : i32 to vector<8x128xi32>
    %eq3A_1500 = arith.cmpi eq, %and3A_1481, %eq3A_1499 : vector<8x128xi32>
    %select_n3A_1501 = arith.select %eq3A_1500, %add3A_89, %add3A_97 : vector<8x128xi1>, vector<8x128xi32>
    %eq3A_1502 = arith.constant 0 : i32
    %eq3A_1503 = vector.broadcast %eq3A_1502 : i32 to vector<8x128xi32>
    %eq3A_1504 = arith.cmpi eq, %and3A_1481, %eq3A_1503 : vector<8x128xi32>
    %select_n3A_1505 = arith.select %eq3A_1504, %add3A_105, %add3A_113 : vector<8x128xi1>, vector<8x128xi32>
    %eq3A_1506 = arith.constant 0 : i32
    %eq3A_1507 = vector.broadcast %eq3A_1506 : i32 to vector<8x128xi32>
    %eq3A_1508 = arith.cmpi eq, %and3A_1481, %eq3A_1507 : vector<8x128xi32>
    %select_n3A_1509 = arith.select %eq3A_1508, %add3A_121, %add3A_129 : vector<8x128xi1>, vector<8x128xi32>
    %eq3A_1510 = arith.constant 0 : i32
    %eq3A_1511 = vector.broadcast %eq3A_1510 : i32 to vector<8x128xi32>
    %eq3A_1512 = arith.cmpi eq, %and3A_1487, %eq3A_1511 : vector<8x128xi32>
    %select_n3A_1513 = arith.select %eq3A_1512, %select_n3A_1497, %select_n3A_1501 : vector<8x128xi1>, vector<8x128xi32>
    %eq3A_1514 = arith.constant 0 : i32
    %eq3A_1515 = vector.broadcast %eq3A_1514 : i32 to vector<8x128xi32>
    %eq3A_1516 = arith.cmpi eq, %and3A_1487, %eq3A_1515 : vector<8x128xi32>
    %select_n3A_1517 = arith.select %eq3A_1516, %select_n3A_1505, %select_n3A_1509 : vector<8x128xi1>, vector<8x128xi32>
    %eq3A_1518 = arith.constant 0 : i32
    %eq3A_1519 = vector.broadcast %eq3A_1518 : i32 to vector<8x128xi32>
    %eq3A_1520 = arith.cmpi eq, %and3A_1493, %eq3A_1519 : vector<8x128xi32>
    %select_n3A_1521 = arith.select %eq3A_1520, %select_n3A_1513, %select_n3A_1517 : vector<8x128xi1>, vector<8x128xi32>
    %and3A_1522 = arith.constant 31 : i32
    %and3A_1523 = vector.broadcast %and3A_1522 : i32 to vector<8x128xi32>
    %and3A_1524 = arith.andi %and3A_1475, %and3A_1523 : vector<8x128xi32>
    %shift_right_arithmetic3A_1525 = arith.shrsi %select_n3A_1521, %and3A_1524 : vector<8x128xi32>
    %and3A_1526 = arith.constant 1 : i32
    %and3A_1527 = vector.broadcast %and3A_1526 : i32 to vector<8x128xi32>
    %and3A_1528 = arith.andi %shift_right_arithmetic3A_1525, %and3A_1527 : vector<8x128xi32>
    %shift_right_arithmetic3A_1529 = arith.constant 24 : i32
    %shift_right_arithmetic3A_1530 = vector.broadcast %shift_right_arithmetic3A_1529 : i32 to vector<8x128xi32>
    %shift_right_arithmetic3A_1531 = arith.shrsi %and3A_1271, %shift_right_arithmetic3A_1530 : vector<8x128xi32>
    %and3A_1532 = arith.constant 1 : i32
    %and3A_1533 = vector.broadcast %and3A_1532 : i32 to vector<8x128xi32>
    %and3A_1534 = arith.andi %shift_right_arithmetic3A_1531, %and3A_1533 : vector<8x128xi32>
    %select_n3A_1535 = arith.select %eq3A_203, %and3A_1534, %and3A_1528 : vector<8x128xi1>, vector<8x128xi32>
    %shift_right_arithmetic3A_1536 = arith.constant 4 : i32
    %shift_right_arithmetic3A_1537 = vector.broadcast %shift_right_arithmetic3A_1536 : i32 to vector<8x128xi32>
    %shift_right_arithmetic3A_1538 = arith.shrsi %mul3A_142, %shift_right_arithmetic3A_1537 : vector<8x128xi32>
    %and3A_1539 = arith.constant 16843009 : i32
    %and3A_1540 = vector.broadcast %and3A_1539 : i32 to vector<8x128xi32>
    %and3A_1541 = arith.andi %shift_right_arithmetic3A_1538, %and3A_1540 : vector<8x128xi32>
    %shift_right_arithmetic3A_1542 = arith.constant 4 : i32
    %shift_right_arithmetic3A_1543 = vector.broadcast %shift_right_arithmetic3A_1542 : i32 to vector<8x128xi32>
    %shift_right_arithmetic3A_1544 = arith.shrsi %mul3A_147, %shift_right_arithmetic3A_1543 : vector<8x128xi32>
    %and3A_1545 = arith.constant 16843009 : i32
    %and3A_1546 = vector.broadcast %and3A_1545 : i32 to vector<8x128xi32>
    %and3A_1547 = arith.andi %shift_right_arithmetic3A_1544, %and3A_1546 : vector<8x128xi32>
    %add3A_1548 = arith.addi %and3A_1541, %and3A_1541 : vector<8x128xi32>
    %add3A_1549 = arith.addi %add3A_1548, %and3A_1547 : vector<8x128xi32>
    %shift_right_arithmetic3A_1550 = arith.constant 4 : i32
    %shift_right_arithmetic3A_1551 = vector.broadcast %shift_right_arithmetic3A_1550 : i32 to vector<8x128xi32>
    %shift_right_arithmetic3A_1552 = arith.shrsi %mul3A_152, %shift_right_arithmetic3A_1551 : vector<8x128xi32>
    %and3A_1553 = arith.constant 16843009 : i32
    %and3A_1554 = vector.broadcast %and3A_1553 : i32 to vector<8x128xi32>
    %and3A_1555 = arith.andi %shift_right_arithmetic3A_1552, %and3A_1554 : vector<8x128xi32>
    %add3A_1556 = arith.addi %add3A_1549, %add3A_1549 : vector<8x128xi32>
    %add3A_1557 = arith.addi %add3A_1556, %and3A_1555 : vector<8x128xi32>
    %shift_right_arithmetic3A_1558 = arith.constant 4 : i32
    %shift_right_arithmetic3A_1559 = vector.broadcast %shift_right_arithmetic3A_1558 : i32 to vector<8x128xi32>
    %shift_right_arithmetic3A_1560 = arith.shrsi %mul3A_157, %shift_right_arithmetic3A_1559 : vector<8x128xi32>
    %and3A_1561 = arith.constant 16843009 : i32
    %and3A_1562 = vector.broadcast %and3A_1561 : i32 to vector<8x128xi32>
    %and3A_1563 = arith.andi %shift_right_arithmetic3A_1560, %and3A_1562 : vector<8x128xi32>
    %add3A_1564 = arith.addi %add3A_1557, %add3A_1557 : vector<8x128xi32>
    %add3A_1565 = arith.addi %add3A_1564, %and3A_1563 : vector<8x128xi32>
    %shift_right_arithmetic3A_1566 = arith.constant 4 : i32
    %shift_right_arithmetic3A_1567 = vector.broadcast %shift_right_arithmetic3A_1566 : i32 to vector<8x128xi32>
    %shift_right_arithmetic3A_1568 = arith.shrsi %mul3A_162, %shift_right_arithmetic3A_1567 : vector<8x128xi32>
    %and3A_1569 = arith.constant 16843009 : i32
    %and3A_1570 = vector.broadcast %and3A_1569 : i32 to vector<8x128xi32>
    %and3A_1571 = arith.andi %shift_right_arithmetic3A_1568, %and3A_1570 : vector<8x128xi32>
    %add3A_1572 = arith.addi %add3A_1565, %add3A_1565 : vector<8x128xi32>
    %add3A_1573 = arith.addi %add3A_1572, %and3A_1571 : vector<8x128xi32>
    %shift_right_arithmetic3A_1574 = arith.constant 4 : i32
    %shift_right_arithmetic3A_1575 = vector.broadcast %shift_right_arithmetic3A_1574 : i32 to vector<8x128xi32>
    %shift_right_arithmetic3A_1576 = arith.shrsi %mul3A_167, %shift_right_arithmetic3A_1575 : vector<8x128xi32>
    %and3A_1577 = arith.constant 16843009 : i32
    %and3A_1578 = vector.broadcast %and3A_1577 : i32 to vector<8x128xi32>
    %and3A_1579 = arith.andi %shift_right_arithmetic3A_1576, %and3A_1578 : vector<8x128xi32>
    %add3A_1580 = arith.addi %add3A_1573, %add3A_1573 : vector<8x128xi32>
    %add3A_1581 = arith.addi %add3A_1580, %and3A_1579 : vector<8x128xi32>
    %shift_right_arithmetic3A_1582 = arith.constant 4 : i32
    %shift_right_arithmetic3A_1583 = vector.broadcast %shift_right_arithmetic3A_1582 : i32 to vector<8x128xi32>
    %shift_right_arithmetic3A_1584 = arith.shrsi %mul3A_172, %shift_right_arithmetic3A_1583 : vector<8x128xi32>
    %and3A_1585 = arith.constant 16843009 : i32
    %and3A_1586 = vector.broadcast %and3A_1585 : i32 to vector<8x128xi32>
    %and3A_1587 = arith.andi %shift_right_arithmetic3A_1584, %and3A_1586 : vector<8x128xi32>
    %add3A_1588 = arith.addi %add3A_1581, %add3A_1581 : vector<8x128xi32>
    %add3A_1589 = arith.addi %add3A_1588, %and3A_1587 : vector<8x128xi32>
    %shift_right_arithmetic3A_1590 = arith.constant 4 : i32
    %shift_right_arithmetic3A_1591 = vector.broadcast %shift_right_arithmetic3A_1590 : i32 to vector<8x128xi32>
    %shift_right_arithmetic3A_1592 = arith.shrsi %mul3A_177, %shift_right_arithmetic3A_1591 : vector<8x128xi32>
    %and3A_1593 = arith.constant 16843009 : i32
    %and3A_1594 = vector.broadcast %and3A_1593 : i32 to vector<8x128xi32>
    %and3A_1595 = arith.andi %shift_right_arithmetic3A_1592, %and3A_1594 : vector<8x128xi32>
    %add3A_1596 = arith.addi %add3A_1589, %add3A_1589 : vector<8x128xi32>
    %add3A_1597 = arith.addi %add3A_1596, %and3A_1595 : vector<8x128xi32>
    %shift_right_arithmetic3A_1598 = arith.constant 4 : i32
    %shift_right_arithmetic3A_1599 = vector.broadcast %shift_right_arithmetic3A_1598 : i32 to vector<8x128xi32>
    %shift_right_arithmetic3A_1600 = arith.shrsi %reshape3A_208, %shift_right_arithmetic3A_1599 : vector<8x128xi32>
    %and3A_1601 = arith.constant 16843009 : i32
    %and3A_1602 = vector.broadcast %and3A_1601 : i32 to vector<8x128xi32>
    %and3A_1603 = arith.andi %shift_right_arithmetic3A_1600, %and3A_1602 : vector<8x128xi32>
    %shift_right_arithmetic3A_1604 = arith.constant 0 : i32
    %shift_right_arithmetic3A_1605 = vector.broadcast %shift_right_arithmetic3A_1604 : i32 to vector<8x128xi32>
    %shift_right_arithmetic3A_1606 = arith.shrsi %add3A_1597, %shift_right_arithmetic3A_1605 : vector<8x128xi32>
    %and3A_1607 = arith.constant 255 : i32
    %and3A_1608 = vector.broadcast %and3A_1607 : i32 to vector<8x128xi32>
    %and3A_1609 = arith.andi %shift_right_arithmetic3A_1606, %and3A_1608 : vector<8x128xi32>
    %shift_right_arithmetic3A_1610 = arith.constant 5 : i32
    %shift_right_arithmetic3A_1611 = vector.broadcast %shift_right_arithmetic3A_1610 : i32 to vector<8x128xi32>
    %shift_right_arithmetic3A_1612 = arith.shrsi %and3A_1609, %shift_right_arithmetic3A_1611 : vector<8x128xi32>
    %and3A_1613 = arith.constant 1 : i32
    %and3A_1614 = vector.broadcast %and3A_1613 : i32 to vector<8x128xi32>
    %and3A_1615 = arith.andi %shift_right_arithmetic3A_1612, %and3A_1614 : vector<8x128xi32>
    %shift_right_arithmetic3A_1616 = arith.constant 6 : i32
    %shift_right_arithmetic3A_1617 = vector.broadcast %shift_right_arithmetic3A_1616 : i32 to vector<8x128xi32>
    %shift_right_arithmetic3A_1618 = arith.shrsi %and3A_1609, %shift_right_arithmetic3A_1617 : vector<8x128xi32>
    %and3A_1619 = arith.constant 1 : i32
    %and3A_1620 = vector.broadcast %and3A_1619 : i32 to vector<8x128xi32>
    %and3A_1621 = arith.andi %shift_right_arithmetic3A_1618, %and3A_1620 : vector<8x128xi32>
    %shift_right_arithmetic3A_1622 = arith.constant 7 : i32
    %shift_right_arithmetic3A_1623 = vector.broadcast %shift_right_arithmetic3A_1622 : i32 to vector<8x128xi32>
    %shift_right_arithmetic3A_1624 = arith.shrsi %and3A_1609, %shift_right_arithmetic3A_1623 : vector<8x128xi32>
    %and3A_1625 = arith.constant 1 : i32
    %and3A_1626 = vector.broadcast %and3A_1625 : i32 to vector<8x128xi32>
    %and3A_1627 = arith.andi %shift_right_arithmetic3A_1624, %and3A_1626 : vector<8x128xi32>
    %eq3A_1628 = arith.constant 0 : i32
    %eq3A_1629 = vector.broadcast %eq3A_1628 : i32 to vector<8x128xi32>
    %eq3A_1630 = arith.cmpi eq, %and3A_1615, %eq3A_1629 : vector<8x128xi32>
    %select_n3A_1631 = arith.select %eq3A_1630, %add3A_73, %add3A_81 : vector<8x128xi1>, vector<8x128xi32>
    %eq3A_1632 = arith.constant 0 : i32
    %eq3A_1633 = vector.broadcast %eq3A_1632 : i32 to vector<8x128xi32>
    %eq3A_1634 = arith.cmpi eq, %and3A_1615, %eq3A_1633 : vector<8x128xi32>
    %select_n3A_1635 = arith.select %eq3A_1634, %add3A_89, %add3A_97 : vector<8x128xi1>, vector<8x128xi32>
    %eq3A_1636 = arith.constant 0 : i32
    %eq3A_1637 = vector.broadcast %eq3A_1636 : i32 to vector<8x128xi32>
    %eq3A_1638 = arith.cmpi eq, %and3A_1615, %eq3A_1637 : vector<8x128xi32>
    %select_n3A_1639 = arith.select %eq3A_1638, %add3A_105, %add3A_113 : vector<8x128xi1>, vector<8x128xi32>
    %eq3A_1640 = arith.constant 0 : i32
    %eq3A_1641 = vector.broadcast %eq3A_1640 : i32 to vector<8x128xi32>
    %eq3A_1642 = arith.cmpi eq, %and3A_1615, %eq3A_1641 : vector<8x128xi32>
    %select_n3A_1643 = arith.select %eq3A_1642, %add3A_121, %add3A_129 : vector<8x128xi1>, vector<8x128xi32>
    %eq3A_1644 = arith.constant 0 : i32
    %eq3A_1645 = vector.broadcast %eq3A_1644 : i32 to vector<8x128xi32>
    %eq3A_1646 = arith.cmpi eq, %and3A_1621, %eq3A_1645 : vector<8x128xi32>
    %select_n3A_1647 = arith.select %eq3A_1646, %select_n3A_1631, %select_n3A_1635 : vector<8x128xi1>, vector<8x128xi32>
    %eq3A_1648 = arith.constant 0 : i32
    %eq3A_1649 = vector.broadcast %eq3A_1648 : i32 to vector<8x128xi32>
    %eq3A_1650 = arith.cmpi eq, %and3A_1621, %eq3A_1649 : vector<8x128xi32>
    %select_n3A_1651 = arith.select %eq3A_1650, %select_n3A_1639, %select_n3A_1643 : vector<8x128xi1>, vector<8x128xi32>
    %eq3A_1652 = arith.constant 0 : i32
    %eq3A_1653 = vector.broadcast %eq3A_1652 : i32 to vector<8x128xi32>
    %eq3A_1654 = arith.cmpi eq, %and3A_1627, %eq3A_1653 : vector<8x128xi32>
    %select_n3A_1655 = arith.select %eq3A_1654, %select_n3A_1647, %select_n3A_1651 : vector<8x128xi1>, vector<8x128xi32>
    %and3A_1656 = arith.constant 31 : i32
    %and3A_1657 = vector.broadcast %and3A_1656 : i32 to vector<8x128xi32>
    %and3A_1658 = arith.andi %and3A_1609, %and3A_1657 : vector<8x128xi32>
    %shift_right_arithmetic3A_1659 = arith.shrsi %select_n3A_1655, %and3A_1658 : vector<8x128xi32>
    %and3A_1660 = arith.constant 1 : i32
    %and3A_1661 = vector.broadcast %and3A_1660 : i32 to vector<8x128xi32>
    %and3A_1662 = arith.andi %shift_right_arithmetic3A_1659, %and3A_1661 : vector<8x128xi32>
    %shift_right_arithmetic3A_1663 = arith.constant 0 : i32
    %shift_right_arithmetic3A_1664 = vector.broadcast %shift_right_arithmetic3A_1663 : i32 to vector<8x128xi32>
    %shift_right_arithmetic3A_1665 = arith.shrsi %and3A_1603, %shift_right_arithmetic3A_1664 : vector<8x128xi32>
    %and3A_1666 = arith.constant 1 : i32
    %and3A_1667 = vector.broadcast %and3A_1666 : i32 to vector<8x128xi32>
    %and3A_1668 = arith.andi %shift_right_arithmetic3A_1665, %and3A_1667 : vector<8x128xi32>
    %select_n3A_1669 = arith.select %eq3A_203, %and3A_1668, %and3A_1662 : vector<8x128xi1>, vector<8x128xi32>
    %shift_right_arithmetic3A_1670 = arith.constant 8 : i32
    %shift_right_arithmetic3A_1671 = vector.broadcast %shift_right_arithmetic3A_1670 : i32 to vector<8x128xi32>
    %shift_right_arithmetic3A_1672 = arith.shrsi %add3A_1597, %shift_right_arithmetic3A_1671 : vector<8x128xi32>
    %and3A_1673 = arith.constant 255 : i32
    %and3A_1674 = vector.broadcast %and3A_1673 : i32 to vector<8x128xi32>
    %and3A_1675 = arith.andi %shift_right_arithmetic3A_1672, %and3A_1674 : vector<8x128xi32>
    %shift_right_arithmetic3A_1676 = arith.constant 5 : i32
    %shift_right_arithmetic3A_1677 = vector.broadcast %shift_right_arithmetic3A_1676 : i32 to vector<8x128xi32>
    %shift_right_arithmetic3A_1678 = arith.shrsi %and3A_1675, %shift_right_arithmetic3A_1677 : vector<8x128xi32>
    %and3A_1679 = arith.constant 1 : i32
    %and3A_1680 = vector.broadcast %and3A_1679 : i32 to vector<8x128xi32>
    %and3A_1681 = arith.andi %shift_right_arithmetic3A_1678, %and3A_1680 : vector<8x128xi32>
    %shift_right_arithmetic3A_1682 = arith.constant 6 : i32
    %shift_right_arithmetic3A_1683 = vector.broadcast %shift_right_arithmetic3A_1682 : i32 to vector<8x128xi32>
    %shift_right_arithmetic3A_1684 = arith.shrsi %and3A_1675, %shift_right_arithmetic3A_1683 : vector<8x128xi32>
    %and3A_1685 = arith.constant 1 : i32
    %and3A_1686 = vector.broadcast %and3A_1685 : i32 to vector<8x128xi32>
    %and3A_1687 = arith.andi %shift_right_arithmetic3A_1684, %and3A_1686 : vector<8x128xi32>
    %shift_right_arithmetic3A_1688 = arith.constant 7 : i32
    %shift_right_arithmetic3A_1689 = vector.broadcast %shift_right_arithmetic3A_1688 : i32 to vector<8x128xi32>
    %shift_right_arithmetic3A_1690 = arith.shrsi %and3A_1675, %shift_right_arithmetic3A_1689 : vector<8x128xi32>
    %and3A_1691 = arith.constant 1 : i32
    %and3A_1692 = vector.broadcast %and3A_1691 : i32 to vector<8x128xi32>
    %and3A_1693 = arith.andi %shift_right_arithmetic3A_1690, %and3A_1692 : vector<8x128xi32>
    %eq3A_1694 = arith.constant 0 : i32
    %eq3A_1695 = vector.broadcast %eq3A_1694 : i32 to vector<8x128xi32>
    %eq3A_1696 = arith.cmpi eq, %and3A_1681, %eq3A_1695 : vector<8x128xi32>
    %select_n3A_1697 = arith.select %eq3A_1696, %add3A_73, %add3A_81 : vector<8x128xi1>, vector<8x128xi32>
    %eq3A_1698 = arith.constant 0 : i32
    %eq3A_1699 = vector.broadcast %eq3A_1698 : i32 to vector<8x128xi32>
    %eq3A_1700 = arith.cmpi eq, %and3A_1681, %eq3A_1699 : vector<8x128xi32>
    %select_n3A_1701 = arith.select %eq3A_1700, %add3A_89, %add3A_97 : vector<8x128xi1>, vector<8x128xi32>
    %eq3A_1702 = arith.constant 0 : i32
    %eq3A_1703 = vector.broadcast %eq3A_1702 : i32 to vector<8x128xi32>
    %eq3A_1704 = arith.cmpi eq, %and3A_1681, %eq3A_1703 : vector<8x128xi32>
    %select_n3A_1705 = arith.select %eq3A_1704, %add3A_105, %add3A_113 : vector<8x128xi1>, vector<8x128xi32>
    %eq3A_1706 = arith.constant 0 : i32
    %eq3A_1707 = vector.broadcast %eq3A_1706 : i32 to vector<8x128xi32>
    %eq3A_1708 = arith.cmpi eq, %and3A_1681, %eq3A_1707 : vector<8x128xi32>
    %select_n3A_1709 = arith.select %eq3A_1708, %add3A_121, %add3A_129 : vector<8x128xi1>, vector<8x128xi32>
    %eq3A_1710 = arith.constant 0 : i32
    %eq3A_1711 = vector.broadcast %eq3A_1710 : i32 to vector<8x128xi32>
    %eq3A_1712 = arith.cmpi eq, %and3A_1687, %eq3A_1711 : vector<8x128xi32>
    %select_n3A_1713 = arith.select %eq3A_1712, %select_n3A_1697, %select_n3A_1701 : vector<8x128xi1>, vector<8x128xi32>
    %eq3A_1714 = arith.constant 0 : i32
    %eq3A_1715 = vector.broadcast %eq3A_1714 : i32 to vector<8x128xi32>
    %eq3A_1716 = arith.cmpi eq, %and3A_1687, %eq3A_1715 : vector<8x128xi32>
    %select_n3A_1717 = arith.select %eq3A_1716, %select_n3A_1705, %select_n3A_1709 : vector<8x128xi1>, vector<8x128xi32>
    %eq3A_1718 = arith.constant 0 : i32
    %eq3A_1719 = vector.broadcast %eq3A_1718 : i32 to vector<8x128xi32>
    %eq3A_1720 = arith.cmpi eq, %and3A_1693, %eq3A_1719 : vector<8x128xi32>
    %select_n3A_1721 = arith.select %eq3A_1720, %select_n3A_1713, %select_n3A_1717 : vector<8x128xi1>, vector<8x128xi32>
    %and3A_1722 = arith.constant 31 : i32
    %and3A_1723 = vector.broadcast %and3A_1722 : i32 to vector<8x128xi32>
    %and3A_1724 = arith.andi %and3A_1675, %and3A_1723 : vector<8x128xi32>
    %shift_right_arithmetic3A_1725 = arith.shrsi %select_n3A_1721, %and3A_1724 : vector<8x128xi32>
    %and3A_1726 = arith.constant 1 : i32
    %and3A_1727 = vector.broadcast %and3A_1726 : i32 to vector<8x128xi32>
    %and3A_1728 = arith.andi %shift_right_arithmetic3A_1725, %and3A_1727 : vector<8x128xi32>
    %shift_right_arithmetic3A_1729 = arith.constant 8 : i32
    %shift_right_arithmetic3A_1730 = vector.broadcast %shift_right_arithmetic3A_1729 : i32 to vector<8x128xi32>
    %shift_right_arithmetic3A_1731 = arith.shrsi %and3A_1603, %shift_right_arithmetic3A_1730 : vector<8x128xi32>
    %and3A_1732 = arith.constant 1 : i32
    %and3A_1733 = vector.broadcast %and3A_1732 : i32 to vector<8x128xi32>
    %and3A_1734 = arith.andi %shift_right_arithmetic3A_1731, %and3A_1733 : vector<8x128xi32>
    %select_n3A_1735 = arith.select %eq3A_203, %and3A_1734, %and3A_1728 : vector<8x128xi1>, vector<8x128xi32>
    %shift_right_arithmetic3A_1736 = arith.constant 16 : i32
    %shift_right_arithmetic3A_1737 = vector.broadcast %shift_right_arithmetic3A_1736 : i32 to vector<8x128xi32>
    %shift_right_arithmetic3A_1738 = arith.shrsi %add3A_1597, %shift_right_arithmetic3A_1737 : vector<8x128xi32>
    %and3A_1739 = arith.constant 255 : i32
    %and3A_1740 = vector.broadcast %and3A_1739 : i32 to vector<8x128xi32>
    %and3A_1741 = arith.andi %shift_right_arithmetic3A_1738, %and3A_1740 : vector<8x128xi32>
    %shift_right_arithmetic3A_1742 = arith.constant 5 : i32
    %shift_right_arithmetic3A_1743 = vector.broadcast %shift_right_arithmetic3A_1742 : i32 to vector<8x128xi32>
    %shift_right_arithmetic3A_1744 = arith.shrsi %and3A_1741, %shift_right_arithmetic3A_1743 : vector<8x128xi32>
    %and3A_1745 = arith.constant 1 : i32
    %and3A_1746 = vector.broadcast %and3A_1745 : i32 to vector<8x128xi32>
    %and3A_1747 = arith.andi %shift_right_arithmetic3A_1744, %and3A_1746 : vector<8x128xi32>
    %shift_right_arithmetic3A_1748 = arith.constant 6 : i32
    %shift_right_arithmetic3A_1749 = vector.broadcast %shift_right_arithmetic3A_1748 : i32 to vector<8x128xi32>
    %shift_right_arithmetic3A_1750 = arith.shrsi %and3A_1741, %shift_right_arithmetic3A_1749 : vector<8x128xi32>
    %and3A_1751 = arith.constant 1 : i32
    %and3A_1752 = vector.broadcast %and3A_1751 : i32 to vector<8x128xi32>
    %and3A_1753 = arith.andi %shift_right_arithmetic3A_1750, %and3A_1752 : vector<8x128xi32>
    %shift_right_arithmetic3A_1754 = arith.constant 7 : i32
    %shift_right_arithmetic3A_1755 = vector.broadcast %shift_right_arithmetic3A_1754 : i32 to vector<8x128xi32>
    %shift_right_arithmetic3A_1756 = arith.shrsi %and3A_1741, %shift_right_arithmetic3A_1755 : vector<8x128xi32>
    %and3A_1757 = arith.constant 1 : i32
    %and3A_1758 = vector.broadcast %and3A_1757 : i32 to vector<8x128xi32>
    %and3A_1759 = arith.andi %shift_right_arithmetic3A_1756, %and3A_1758 : vector<8x128xi32>
    %eq3A_1760 = arith.constant 0 : i32
    %eq3A_1761 = vector.broadcast %eq3A_1760 : i32 to vector<8x128xi32>
    %eq3A_1762 = arith.cmpi eq, %and3A_1747, %eq3A_1761 : vector<8x128xi32>
    %select_n3A_1763 = arith.select %eq3A_1762, %add3A_73, %add3A_81 : vector<8x128xi1>, vector<8x128xi32>
    %eq3A_1764 = arith.constant 0 : i32
    %eq3A_1765 = vector.broadcast %eq3A_1764 : i32 to vector<8x128xi32>
    %eq3A_1766 = arith.cmpi eq, %and3A_1747, %eq3A_1765 : vector<8x128xi32>
    %select_n3A_1767 = arith.select %eq3A_1766, %add3A_89, %add3A_97 : vector<8x128xi1>, vector<8x128xi32>
    %eq3A_1768 = arith.constant 0 : i32
    %eq3A_1769 = vector.broadcast %eq3A_1768 : i32 to vector<8x128xi32>
    %eq3A_1770 = arith.cmpi eq, %and3A_1747, %eq3A_1769 : vector<8x128xi32>
    %select_n3A_1771 = arith.select %eq3A_1770, %add3A_105, %add3A_113 : vector<8x128xi1>, vector<8x128xi32>
    %eq3A_1772 = arith.constant 0 : i32
    %eq3A_1773 = vector.broadcast %eq3A_1772 : i32 to vector<8x128xi32>
    %eq3A_1774 = arith.cmpi eq, %and3A_1747, %eq3A_1773 : vector<8x128xi32>
    %select_n3A_1775 = arith.select %eq3A_1774, %add3A_121, %add3A_129 : vector<8x128xi1>, vector<8x128xi32>
    %eq3A_1776 = arith.constant 0 : i32
    %eq3A_1777 = vector.broadcast %eq3A_1776 : i32 to vector<8x128xi32>
    %eq3A_1778 = arith.cmpi eq, %and3A_1753, %eq3A_1777 : vector<8x128xi32>
    %select_n3A_1779 = arith.select %eq3A_1778, %select_n3A_1763, %select_n3A_1767 : vector<8x128xi1>, vector<8x128xi32>
    %eq3A_1780 = arith.constant 0 : i32
    %eq3A_1781 = vector.broadcast %eq3A_1780 : i32 to vector<8x128xi32>
    %eq3A_1782 = arith.cmpi eq, %and3A_1753, %eq3A_1781 : vector<8x128xi32>
    %select_n3A_1783 = arith.select %eq3A_1782, %select_n3A_1771, %select_n3A_1775 : vector<8x128xi1>, vector<8x128xi32>
    %eq3A_1784 = arith.constant 0 : i32
    %eq3A_1785 = vector.broadcast %eq3A_1784 : i32 to vector<8x128xi32>
    %eq3A_1786 = arith.cmpi eq, %and3A_1759, %eq3A_1785 : vector<8x128xi32>
    %select_n3A_1787 = arith.select %eq3A_1786, %select_n3A_1779, %select_n3A_1783 : vector<8x128xi1>, vector<8x128xi32>
    %and3A_1788 = arith.constant 31 : i32
    %and3A_1789 = vector.broadcast %and3A_1788 : i32 to vector<8x128xi32>
    %and3A_1790 = arith.andi %and3A_1741, %and3A_1789 : vector<8x128xi32>
    %shift_right_arithmetic3A_1791 = arith.shrsi %select_n3A_1787, %and3A_1790 : vector<8x128xi32>
    %and3A_1792 = arith.constant 1 : i32
    %and3A_1793 = vector.broadcast %and3A_1792 : i32 to vector<8x128xi32>
    %and3A_1794 = arith.andi %shift_right_arithmetic3A_1791, %and3A_1793 : vector<8x128xi32>
    %shift_right_arithmetic3A_1795 = arith.constant 16 : i32
    %shift_right_arithmetic3A_1796 = vector.broadcast %shift_right_arithmetic3A_1795 : i32 to vector<8x128xi32>
    %shift_right_arithmetic3A_1797 = arith.shrsi %and3A_1603, %shift_right_arithmetic3A_1796 : vector<8x128xi32>
    %and3A_1798 = arith.constant 1 : i32
    %and3A_1799 = vector.broadcast %and3A_1798 : i32 to vector<8x128xi32>
    %and3A_1800 = arith.andi %shift_right_arithmetic3A_1797, %and3A_1799 : vector<8x128xi32>
    %select_n3A_1801 = arith.select %eq3A_203, %and3A_1800, %and3A_1794 : vector<8x128xi1>, vector<8x128xi32>
    %shift_right_arithmetic3A_1802 = arith.constant 24 : i32
    %shift_right_arithmetic3A_1803 = vector.broadcast %shift_right_arithmetic3A_1802 : i32 to vector<8x128xi32>
    %shift_right_arithmetic3A_1804 = arith.shrsi %add3A_1597, %shift_right_arithmetic3A_1803 : vector<8x128xi32>
    %and3A_1805 = arith.constant 255 : i32
    %and3A_1806 = vector.broadcast %and3A_1805 : i32 to vector<8x128xi32>
    %and3A_1807 = arith.andi %shift_right_arithmetic3A_1804, %and3A_1806 : vector<8x128xi32>
    %shift_right_arithmetic3A_1808 = arith.constant 5 : i32
    %shift_right_arithmetic3A_1809 = vector.broadcast %shift_right_arithmetic3A_1808 : i32 to vector<8x128xi32>
    %shift_right_arithmetic3A_1810 = arith.shrsi %and3A_1807, %shift_right_arithmetic3A_1809 : vector<8x128xi32>
    %and3A_1811 = arith.constant 1 : i32
    %and3A_1812 = vector.broadcast %and3A_1811 : i32 to vector<8x128xi32>
    %and3A_1813 = arith.andi %shift_right_arithmetic3A_1810, %and3A_1812 : vector<8x128xi32>
    %shift_right_arithmetic3A_1814 = arith.constant 6 : i32
    %shift_right_arithmetic3A_1815 = vector.broadcast %shift_right_arithmetic3A_1814 : i32 to vector<8x128xi32>
    %shift_right_arithmetic3A_1816 = arith.shrsi %and3A_1807, %shift_right_arithmetic3A_1815 : vector<8x128xi32>
    %and3A_1817 = arith.constant 1 : i32
    %and3A_1818 = vector.broadcast %and3A_1817 : i32 to vector<8x128xi32>
    %and3A_1819 = arith.andi %shift_right_arithmetic3A_1816, %and3A_1818 : vector<8x128xi32>
    %shift_right_arithmetic3A_1820 = arith.constant 7 : i32
    %shift_right_arithmetic3A_1821 = vector.broadcast %shift_right_arithmetic3A_1820 : i32 to vector<8x128xi32>
    %shift_right_arithmetic3A_1822 = arith.shrsi %and3A_1807, %shift_right_arithmetic3A_1821 : vector<8x128xi32>
    %and3A_1823 = arith.constant 1 : i32
    %and3A_1824 = vector.broadcast %and3A_1823 : i32 to vector<8x128xi32>
    %and3A_1825 = arith.andi %shift_right_arithmetic3A_1822, %and3A_1824 : vector<8x128xi32>
    %eq3A_1826 = arith.constant 0 : i32
    %eq3A_1827 = vector.broadcast %eq3A_1826 : i32 to vector<8x128xi32>
    %eq3A_1828 = arith.cmpi eq, %and3A_1813, %eq3A_1827 : vector<8x128xi32>
    %select_n3A_1829 = arith.select %eq3A_1828, %add3A_73, %add3A_81 : vector<8x128xi1>, vector<8x128xi32>
    %eq3A_1830 = arith.constant 0 : i32
    %eq3A_1831 = vector.broadcast %eq3A_1830 : i32 to vector<8x128xi32>
    %eq3A_1832 = arith.cmpi eq, %and3A_1813, %eq3A_1831 : vector<8x128xi32>
    %select_n3A_1833 = arith.select %eq3A_1832, %add3A_89, %add3A_97 : vector<8x128xi1>, vector<8x128xi32>
    %eq3A_1834 = arith.constant 0 : i32
    %eq3A_1835 = vector.broadcast %eq3A_1834 : i32 to vector<8x128xi32>
    %eq3A_1836 = arith.cmpi eq, %and3A_1813, %eq3A_1835 : vector<8x128xi32>
    %select_n3A_1837 = arith.select %eq3A_1836, %add3A_105, %add3A_113 : vector<8x128xi1>, vector<8x128xi32>
    %eq3A_1838 = arith.constant 0 : i32
    %eq3A_1839 = vector.broadcast %eq3A_1838 : i32 to vector<8x128xi32>
    %eq3A_1840 = arith.cmpi eq, %and3A_1813, %eq3A_1839 : vector<8x128xi32>
    %select_n3A_1841 = arith.select %eq3A_1840, %add3A_121, %add3A_129 : vector<8x128xi1>, vector<8x128xi32>
    %eq3A_1842 = arith.constant 0 : i32
    %eq3A_1843 = vector.broadcast %eq3A_1842 : i32 to vector<8x128xi32>
    %eq3A_1844 = arith.cmpi eq, %and3A_1819, %eq3A_1843 : vector<8x128xi32>
    %select_n3A_1845 = arith.select %eq3A_1844, %select_n3A_1829, %select_n3A_1833 : vector<8x128xi1>, vector<8x128xi32>
    %eq3A_1846 = arith.constant 0 : i32
    %eq3A_1847 = vector.broadcast %eq3A_1846 : i32 to vector<8x128xi32>
    %eq3A_1848 = arith.cmpi eq, %and3A_1819, %eq3A_1847 : vector<8x128xi32>
    %select_n3A_1849 = arith.select %eq3A_1848, %select_n3A_1837, %select_n3A_1841 : vector<8x128xi1>, vector<8x128xi32>
    %eq3A_1850 = arith.constant 0 : i32
    %eq3A_1851 = vector.broadcast %eq3A_1850 : i32 to vector<8x128xi32>
    %eq3A_1852 = arith.cmpi eq, %and3A_1825, %eq3A_1851 : vector<8x128xi32>
    %select_n3A_1853 = arith.select %eq3A_1852, %select_n3A_1845, %select_n3A_1849 : vector<8x128xi1>, vector<8x128xi32>
    %and3A_1854 = arith.constant 31 : i32
    %and3A_1855 = vector.broadcast %and3A_1854 : i32 to vector<8x128xi32>
    %and3A_1856 = arith.andi %and3A_1807, %and3A_1855 : vector<8x128xi32>
    %shift_right_arithmetic3A_1857 = arith.shrsi %select_n3A_1853, %and3A_1856 : vector<8x128xi32>
    %and3A_1858 = arith.constant 1 : i32
    %and3A_1859 = vector.broadcast %and3A_1858 : i32 to vector<8x128xi32>
    %and3A_1860 = arith.andi %shift_right_arithmetic3A_1857, %and3A_1859 : vector<8x128xi32>
    %shift_right_arithmetic3A_1861 = arith.constant 24 : i32
    %shift_right_arithmetic3A_1862 = vector.broadcast %shift_right_arithmetic3A_1861 : i32 to vector<8x128xi32>
    %shift_right_arithmetic3A_1863 = arith.shrsi %and3A_1603, %shift_right_arithmetic3A_1862 : vector<8x128xi32>
    %and3A_1864 = arith.constant 1 : i32
    %and3A_1865 = vector.broadcast %and3A_1864 : i32 to vector<8x128xi32>
    %and3A_1866 = arith.andi %shift_right_arithmetic3A_1863, %and3A_1865 : vector<8x128xi32>
    %select_n3A_1867 = arith.select %eq3A_203, %and3A_1866, %and3A_1860 : vector<8x128xi1>, vector<8x128xi32>
    %shift_right_arithmetic3A_1868 = arith.constant 5 : i32
    %shift_right_arithmetic3A_1869 = vector.broadcast %shift_right_arithmetic3A_1868 : i32 to vector<8x128xi32>
    %shift_right_arithmetic3A_1870 = arith.shrsi %mul3A_142, %shift_right_arithmetic3A_1869 : vector<8x128xi32>
    %and3A_1871 = arith.constant 16843009 : i32
    %and3A_1872 = vector.broadcast %and3A_1871 : i32 to vector<8x128xi32>
    %and3A_1873 = arith.andi %shift_right_arithmetic3A_1870, %and3A_1872 : vector<8x128xi32>
    %shift_right_arithmetic3A_1874 = arith.constant 5 : i32
    %shift_right_arithmetic3A_1875 = vector.broadcast %shift_right_arithmetic3A_1874 : i32 to vector<8x128xi32>
    %shift_right_arithmetic3A_1876 = arith.shrsi %mul3A_147, %shift_right_arithmetic3A_1875 : vector<8x128xi32>
    %and3A_1877 = arith.constant 16843009 : i32
    %and3A_1878 = vector.broadcast %and3A_1877 : i32 to vector<8x128xi32>
    %and3A_1879 = arith.andi %shift_right_arithmetic3A_1876, %and3A_1878 : vector<8x128xi32>
    %add3A_1880 = arith.addi %and3A_1873, %and3A_1873 : vector<8x128xi32>
    %add3A_1881 = arith.addi %add3A_1880, %and3A_1879 : vector<8x128xi32>
    %shift_right_arithmetic3A_1882 = arith.constant 5 : i32
    %shift_right_arithmetic3A_1883 = vector.broadcast %shift_right_arithmetic3A_1882 : i32 to vector<8x128xi32>
    %shift_right_arithmetic3A_1884 = arith.shrsi %mul3A_152, %shift_right_arithmetic3A_1883 : vector<8x128xi32>
    %and3A_1885 = arith.constant 16843009 : i32
    %and3A_1886 = vector.broadcast %and3A_1885 : i32 to vector<8x128xi32>
    %and3A_1887 = arith.andi %shift_right_arithmetic3A_1884, %and3A_1886 : vector<8x128xi32>
    %add3A_1888 = arith.addi %add3A_1881, %add3A_1881 : vector<8x128xi32>
    %add3A_1889 = arith.addi %add3A_1888, %and3A_1887 : vector<8x128xi32>
    %shift_right_arithmetic3A_1890 = arith.constant 5 : i32
    %shift_right_arithmetic3A_1891 = vector.broadcast %shift_right_arithmetic3A_1890 : i32 to vector<8x128xi32>
    %shift_right_arithmetic3A_1892 = arith.shrsi %mul3A_157, %shift_right_arithmetic3A_1891 : vector<8x128xi32>
    %and3A_1893 = arith.constant 16843009 : i32
    %and3A_1894 = vector.broadcast %and3A_1893 : i32 to vector<8x128xi32>
    %and3A_1895 = arith.andi %shift_right_arithmetic3A_1892, %and3A_1894 : vector<8x128xi32>
    %add3A_1896 = arith.addi %add3A_1889, %add3A_1889 : vector<8x128xi32>
    %add3A_1897 = arith.addi %add3A_1896, %and3A_1895 : vector<8x128xi32>
    %shift_right_arithmetic3A_1898 = arith.constant 5 : i32
    %shift_right_arithmetic3A_1899 = vector.broadcast %shift_right_arithmetic3A_1898 : i32 to vector<8x128xi32>
    %shift_right_arithmetic3A_1900 = arith.shrsi %mul3A_162, %shift_right_arithmetic3A_1899 : vector<8x128xi32>
    %and3A_1901 = arith.constant 16843009 : i32
    %and3A_1902 = vector.broadcast %and3A_1901 : i32 to vector<8x128xi32>
    %and3A_1903 = arith.andi %shift_right_arithmetic3A_1900, %and3A_1902 : vector<8x128xi32>
    %add3A_1904 = arith.addi %add3A_1897, %add3A_1897 : vector<8x128xi32>
    %add3A_1905 = arith.addi %add3A_1904, %and3A_1903 : vector<8x128xi32>
    %shift_right_arithmetic3A_1906 = arith.constant 5 : i32
    %shift_right_arithmetic3A_1907 = vector.broadcast %shift_right_arithmetic3A_1906 : i32 to vector<8x128xi32>
    %shift_right_arithmetic3A_1908 = arith.shrsi %mul3A_167, %shift_right_arithmetic3A_1907 : vector<8x128xi32>
    %and3A_1909 = arith.constant 16843009 : i32
    %and3A_1910 = vector.broadcast %and3A_1909 : i32 to vector<8x128xi32>
    %and3A_1911 = arith.andi %shift_right_arithmetic3A_1908, %and3A_1910 : vector<8x128xi32>
    %add3A_1912 = arith.addi %add3A_1905, %add3A_1905 : vector<8x128xi32>
    %add3A_1913 = arith.addi %add3A_1912, %and3A_1911 : vector<8x128xi32>
    %shift_right_arithmetic3A_1914 = arith.constant 5 : i32
    %shift_right_arithmetic3A_1915 = vector.broadcast %shift_right_arithmetic3A_1914 : i32 to vector<8x128xi32>
    %shift_right_arithmetic3A_1916 = arith.shrsi %mul3A_172, %shift_right_arithmetic3A_1915 : vector<8x128xi32>
    %and3A_1917 = arith.constant 16843009 : i32
    %and3A_1918 = vector.broadcast %and3A_1917 : i32 to vector<8x128xi32>
    %and3A_1919 = arith.andi %shift_right_arithmetic3A_1916, %and3A_1918 : vector<8x128xi32>
    %add3A_1920 = arith.addi %add3A_1913, %add3A_1913 : vector<8x128xi32>
    %add3A_1921 = arith.addi %add3A_1920, %and3A_1919 : vector<8x128xi32>
    %shift_right_arithmetic3A_1922 = arith.constant 5 : i32
    %shift_right_arithmetic3A_1923 = vector.broadcast %shift_right_arithmetic3A_1922 : i32 to vector<8x128xi32>
    %shift_right_arithmetic3A_1924 = arith.shrsi %mul3A_177, %shift_right_arithmetic3A_1923 : vector<8x128xi32>
    %and3A_1925 = arith.constant 16843009 : i32
    %and3A_1926 = vector.broadcast %and3A_1925 : i32 to vector<8x128xi32>
    %and3A_1927 = arith.andi %shift_right_arithmetic3A_1924, %and3A_1926 : vector<8x128xi32>
    %add3A_1928 = arith.addi %add3A_1921, %add3A_1921 : vector<8x128xi32>
    %add3A_1929 = arith.addi %add3A_1928, %and3A_1927 : vector<8x128xi32>
    %shift_right_arithmetic3A_1930 = arith.constant 5 : i32
    %shift_right_arithmetic3A_1931 = vector.broadcast %shift_right_arithmetic3A_1930 : i32 to vector<8x128xi32>
    %shift_right_arithmetic3A_1932 = arith.shrsi %reshape3A_208, %shift_right_arithmetic3A_1931 : vector<8x128xi32>
    %and3A_1933 = arith.constant 16843009 : i32
    %and3A_1934 = vector.broadcast %and3A_1933 : i32 to vector<8x128xi32>
    %and3A_1935 = arith.andi %shift_right_arithmetic3A_1932, %and3A_1934 : vector<8x128xi32>
    %shift_right_arithmetic3A_1936 = arith.constant 0 : i32
    %shift_right_arithmetic3A_1937 = vector.broadcast %shift_right_arithmetic3A_1936 : i32 to vector<8x128xi32>
    %shift_right_arithmetic3A_1938 = arith.shrsi %add3A_1929, %shift_right_arithmetic3A_1937 : vector<8x128xi32>
    %and3A_1939 = arith.constant 255 : i32
    %and3A_1940 = vector.broadcast %and3A_1939 : i32 to vector<8x128xi32>
    %and3A_1941 = arith.andi %shift_right_arithmetic3A_1938, %and3A_1940 : vector<8x128xi32>
    %shift_right_arithmetic3A_1942 = arith.constant 5 : i32
    %shift_right_arithmetic3A_1943 = vector.broadcast %shift_right_arithmetic3A_1942 : i32 to vector<8x128xi32>
    %shift_right_arithmetic3A_1944 = arith.shrsi %and3A_1941, %shift_right_arithmetic3A_1943 : vector<8x128xi32>
    %and3A_1945 = arith.constant 1 : i32
    %and3A_1946 = vector.broadcast %and3A_1945 : i32 to vector<8x128xi32>
    %and3A_1947 = arith.andi %shift_right_arithmetic3A_1944, %and3A_1946 : vector<8x128xi32>
    %shift_right_arithmetic3A_1948 = arith.constant 6 : i32
    %shift_right_arithmetic3A_1949 = vector.broadcast %shift_right_arithmetic3A_1948 : i32 to vector<8x128xi32>
    %shift_right_arithmetic3A_1950 = arith.shrsi %and3A_1941, %shift_right_arithmetic3A_1949 : vector<8x128xi32>
    %and3A_1951 = arith.constant 1 : i32
    %and3A_1952 = vector.broadcast %and3A_1951 : i32 to vector<8x128xi32>
    %and3A_1953 = arith.andi %shift_right_arithmetic3A_1950, %and3A_1952 : vector<8x128xi32>
    %shift_right_arithmetic3A_1954 = arith.constant 7 : i32
    %shift_right_arithmetic3A_1955 = vector.broadcast %shift_right_arithmetic3A_1954 : i32 to vector<8x128xi32>
    %shift_right_arithmetic3A_1956 = arith.shrsi %and3A_1941, %shift_right_arithmetic3A_1955 : vector<8x128xi32>
    %and3A_1957 = arith.constant 1 : i32
    %and3A_1958 = vector.broadcast %and3A_1957 : i32 to vector<8x128xi32>
    %and3A_1959 = arith.andi %shift_right_arithmetic3A_1956, %and3A_1958 : vector<8x128xi32>
    %eq3A_1960 = arith.constant 0 : i32
    %eq3A_1961 = vector.broadcast %eq3A_1960 : i32 to vector<8x128xi32>
    %eq3A_1962 = arith.cmpi eq, %and3A_1947, %eq3A_1961 : vector<8x128xi32>
    %select_n3A_1963 = arith.select %eq3A_1962, %add3A_73, %add3A_81 : vector<8x128xi1>, vector<8x128xi32>
    %eq3A_1964 = arith.constant 0 : i32
    %eq3A_1965 = vector.broadcast %eq3A_1964 : i32 to vector<8x128xi32>
    %eq3A_1966 = arith.cmpi eq, %and3A_1947, %eq3A_1965 : vector<8x128xi32>
    %select_n3A_1967 = arith.select %eq3A_1966, %add3A_89, %add3A_97 : vector<8x128xi1>, vector<8x128xi32>
    %eq3A_1968 = arith.constant 0 : i32
    %eq3A_1969 = vector.broadcast %eq3A_1968 : i32 to vector<8x128xi32>
    %eq3A_1970 = arith.cmpi eq, %and3A_1947, %eq3A_1969 : vector<8x128xi32>
    %select_n3A_1971 = arith.select %eq3A_1970, %add3A_105, %add3A_113 : vector<8x128xi1>, vector<8x128xi32>
    %eq3A_1972 = arith.constant 0 : i32
    %eq3A_1973 = vector.broadcast %eq3A_1972 : i32 to vector<8x128xi32>
    %eq3A_1974 = arith.cmpi eq, %and3A_1947, %eq3A_1973 : vector<8x128xi32>
    %select_n3A_1975 = arith.select %eq3A_1974, %add3A_121, %add3A_129 : vector<8x128xi1>, vector<8x128xi32>
    %eq3A_1976 = arith.constant 0 : i32
    %eq3A_1977 = vector.broadcast %eq3A_1976 : i32 to vector<8x128xi32>
    %eq3A_1978 = arith.cmpi eq, %and3A_1953, %eq3A_1977 : vector<8x128xi32>
    %select_n3A_1979 = arith.select %eq3A_1978, %select_n3A_1963, %select_n3A_1967 : vector<8x128xi1>, vector<8x128xi32>
    %eq3A_1980 = arith.constant 0 : i32
    %eq3A_1981 = vector.broadcast %eq3A_1980 : i32 to vector<8x128xi32>
    %eq3A_1982 = arith.cmpi eq, %and3A_1953, %eq3A_1981 : vector<8x128xi32>
    %select_n3A_1983 = arith.select %eq3A_1982, %select_n3A_1971, %select_n3A_1975 : vector<8x128xi1>, vector<8x128xi32>
    %eq3A_1984 = arith.constant 0 : i32
    %eq3A_1985 = vector.broadcast %eq3A_1984 : i32 to vector<8x128xi32>
    %eq3A_1986 = arith.cmpi eq, %and3A_1959, %eq3A_1985 : vector<8x128xi32>
    %select_n3A_1987 = arith.select %eq3A_1986, %select_n3A_1979, %select_n3A_1983 : vector<8x128xi1>, vector<8x128xi32>
    %and3A_1988 = arith.constant 31 : i32
    %and3A_1989 = vector.broadcast %and3A_1988 : i32 to vector<8x128xi32>
    %and3A_1990 = arith.andi %and3A_1941, %and3A_1989 : vector<8x128xi32>
    %shift_right_arithmetic3A_1991 = arith.shrsi %select_n3A_1987, %and3A_1990 : vector<8x128xi32>
    %and3A_1992 = arith.constant 1 : i32
    %and3A_1993 = vector.broadcast %and3A_1992 : i32 to vector<8x128xi32>
    %and3A_1994 = arith.andi %shift_right_arithmetic3A_1991, %and3A_1993 : vector<8x128xi32>
    %shift_right_arithmetic3A_1995 = arith.constant 0 : i32
    %shift_right_arithmetic3A_1996 = vector.broadcast %shift_right_arithmetic3A_1995 : i32 to vector<8x128xi32>
    %shift_right_arithmetic3A_1997 = arith.shrsi %and3A_1935, %shift_right_arithmetic3A_1996 : vector<8x128xi32>
    %and3A_1998 = arith.constant 1 : i32
    %and3A_1999 = vector.broadcast %and3A_1998 : i32 to vector<8x128xi32>
    %and3A_2000 = arith.andi %shift_right_arithmetic3A_1997, %and3A_1999 : vector<8x128xi32>
    %select_n3A_2001 = arith.select %eq3A_203, %and3A_2000, %and3A_1994 : vector<8x128xi1>, vector<8x128xi32>
    %shift_right_arithmetic3A_2002 = arith.constant 8 : i32
    %shift_right_arithmetic3A_2003 = vector.broadcast %shift_right_arithmetic3A_2002 : i32 to vector<8x128xi32>
    %shift_right_arithmetic3A_2004 = arith.shrsi %add3A_1929, %shift_right_arithmetic3A_2003 : vector<8x128xi32>
    %and3A_2005 = arith.constant 255 : i32
    %and3A_2006 = vector.broadcast %and3A_2005 : i32 to vector<8x128xi32>
    %and3A_2007 = arith.andi %shift_right_arithmetic3A_2004, %and3A_2006 : vector<8x128xi32>
    %shift_right_arithmetic3A_2008 = arith.constant 5 : i32
    %shift_right_arithmetic3A_2009 = vector.broadcast %shift_right_arithmetic3A_2008 : i32 to vector<8x128xi32>
    %shift_right_arithmetic3A_2010 = arith.shrsi %and3A_2007, %shift_right_arithmetic3A_2009 : vector<8x128xi32>
    %and3A_2011 = arith.constant 1 : i32
    %and3A_2012 = vector.broadcast %and3A_2011 : i32 to vector<8x128xi32>
    %and3A_2013 = arith.andi %shift_right_arithmetic3A_2010, %and3A_2012 : vector<8x128xi32>
    %shift_right_arithmetic3A_2014 = arith.constant 6 : i32
    %shift_right_arithmetic3A_2015 = vector.broadcast %shift_right_arithmetic3A_2014 : i32 to vector<8x128xi32>
    %shift_right_arithmetic3A_2016 = arith.shrsi %and3A_2007, %shift_right_arithmetic3A_2015 : vector<8x128xi32>
    %and3A_2017 = arith.constant 1 : i32
    %and3A_2018 = vector.broadcast %and3A_2017 : i32 to vector<8x128xi32>
    %and3A_2019 = arith.andi %shift_right_arithmetic3A_2016, %and3A_2018 : vector<8x128xi32>
    %shift_right_arithmetic3A_2020 = arith.constant 7 : i32
    %shift_right_arithmetic3A_2021 = vector.broadcast %shift_right_arithmetic3A_2020 : i32 to vector<8x128xi32>
    %shift_right_arithmetic3A_2022 = arith.shrsi %and3A_2007, %shift_right_arithmetic3A_2021 : vector<8x128xi32>
    %and3A_2023 = arith.constant 1 : i32
    %and3A_2024 = vector.broadcast %and3A_2023 : i32 to vector<8x128xi32>
    %and3A_2025 = arith.andi %shift_right_arithmetic3A_2022, %and3A_2024 : vector<8x128xi32>
    %eq3A_2026 = arith.constant 0 : i32
    %eq3A_2027 = vector.broadcast %eq3A_2026 : i32 to vector<8x128xi32>
    %eq3A_2028 = arith.cmpi eq, %and3A_2013, %eq3A_2027 : vector<8x128xi32>
    %select_n3A_2029 = arith.select %eq3A_2028, %add3A_73, %add3A_81 : vector<8x128xi1>, vector<8x128xi32>
    %eq3A_2030 = arith.constant 0 : i32
    %eq3A_2031 = vector.broadcast %eq3A_2030 : i32 to vector<8x128xi32>
    %eq3A_2032 = arith.cmpi eq, %and3A_2013, %eq3A_2031 : vector<8x128xi32>
    %select_n3A_2033 = arith.select %eq3A_2032, %add3A_89, %add3A_97 : vector<8x128xi1>, vector<8x128xi32>
    %eq3A_2034 = arith.constant 0 : i32
    %eq3A_2035 = vector.broadcast %eq3A_2034 : i32 to vector<8x128xi32>
    %eq3A_2036 = arith.cmpi eq, %and3A_2013, %eq3A_2035 : vector<8x128xi32>
    %select_n3A_2037 = arith.select %eq3A_2036, %add3A_105, %add3A_113 : vector<8x128xi1>, vector<8x128xi32>
    %eq3A_2038 = arith.constant 0 : i32
    %eq3A_2039 = vector.broadcast %eq3A_2038 : i32 to vector<8x128xi32>
    %eq3A_2040 = arith.cmpi eq, %and3A_2013, %eq3A_2039 : vector<8x128xi32>
    %select_n3A_2041 = arith.select %eq3A_2040, %add3A_121, %add3A_129 : vector<8x128xi1>, vector<8x128xi32>
    %eq3A_2042 = arith.constant 0 : i32
    %eq3A_2043 = vector.broadcast %eq3A_2042 : i32 to vector<8x128xi32>
    %eq3A_2044 = arith.cmpi eq, %and3A_2019, %eq3A_2043 : vector<8x128xi32>
    %select_n3A_2045 = arith.select %eq3A_2044, %select_n3A_2029, %select_n3A_2033 : vector<8x128xi1>, vector<8x128xi32>
    %eq3A_2046 = arith.constant 0 : i32
    %eq3A_2047 = vector.broadcast %eq3A_2046 : i32 to vector<8x128xi32>
    %eq3A_2048 = arith.cmpi eq, %and3A_2019, %eq3A_2047 : vector<8x128xi32>
    %select_n3A_2049 = arith.select %eq3A_2048, %select_n3A_2037, %select_n3A_2041 : vector<8x128xi1>, vector<8x128xi32>
    %eq3A_2050 = arith.constant 0 : i32
    %eq3A_2051 = vector.broadcast %eq3A_2050 : i32 to vector<8x128xi32>
    %eq3A_2052 = arith.cmpi eq, %and3A_2025, %eq3A_2051 : vector<8x128xi32>
    %select_n3A_2053 = arith.select %eq3A_2052, %select_n3A_2045, %select_n3A_2049 : vector<8x128xi1>, vector<8x128xi32>
    %and3A_2054 = arith.constant 31 : i32
    %and3A_2055 = vector.broadcast %and3A_2054 : i32 to vector<8x128xi32>
    %and3A_2056 = arith.andi %and3A_2007, %and3A_2055 : vector<8x128xi32>
    %shift_right_arithmetic3A_2057 = arith.shrsi %select_n3A_2053, %and3A_2056 : vector<8x128xi32>
    %and3A_2058 = arith.constant 1 : i32
    %and3A_2059 = vector.broadcast %and3A_2058 : i32 to vector<8x128xi32>
    %and3A_2060 = arith.andi %shift_right_arithmetic3A_2057, %and3A_2059 : vector<8x128xi32>
    %shift_right_arithmetic3A_2061 = arith.constant 8 : i32
    %shift_right_arithmetic3A_2062 = vector.broadcast %shift_right_arithmetic3A_2061 : i32 to vector<8x128xi32>
    %shift_right_arithmetic3A_2063 = arith.shrsi %and3A_1935, %shift_right_arithmetic3A_2062 : vector<8x128xi32>
    %and3A_2064 = arith.constant 1 : i32
    %and3A_2065 = vector.broadcast %and3A_2064 : i32 to vector<8x128xi32>
    %and3A_2066 = arith.andi %shift_right_arithmetic3A_2063, %and3A_2065 : vector<8x128xi32>
    %select_n3A_2067 = arith.select %eq3A_203, %and3A_2066, %and3A_2060 : vector<8x128xi1>, vector<8x128xi32>
    %shift_right_arithmetic3A_2068 = arith.constant 16 : i32
    %shift_right_arithmetic3A_2069 = vector.broadcast %shift_right_arithmetic3A_2068 : i32 to vector<8x128xi32>
    %shift_right_arithmetic3A_2070 = arith.shrsi %add3A_1929, %shift_right_arithmetic3A_2069 : vector<8x128xi32>
    %and3A_2071 = arith.constant 255 : i32
    %and3A_2072 = vector.broadcast %and3A_2071 : i32 to vector<8x128xi32>
    %and3A_2073 = arith.andi %shift_right_arithmetic3A_2070, %and3A_2072 : vector<8x128xi32>
    %shift_right_arithmetic3A_2074 = arith.constant 5 : i32
    %shift_right_arithmetic3A_2075 = vector.broadcast %shift_right_arithmetic3A_2074 : i32 to vector<8x128xi32>
    %shift_right_arithmetic3A_2076 = arith.shrsi %and3A_2073, %shift_right_arithmetic3A_2075 : vector<8x128xi32>
    %and3A_2077 = arith.constant 1 : i32
    %and3A_2078 = vector.broadcast %and3A_2077 : i32 to vector<8x128xi32>
    %and3A_2079 = arith.andi %shift_right_arithmetic3A_2076, %and3A_2078 : vector<8x128xi32>
    %shift_right_arithmetic3A_2080 = arith.constant 6 : i32
    %shift_right_arithmetic3A_2081 = vector.broadcast %shift_right_arithmetic3A_2080 : i32 to vector<8x128xi32>
    %shift_right_arithmetic3A_2082 = arith.shrsi %and3A_2073, %shift_right_arithmetic3A_2081 : vector<8x128xi32>
    %and3A_2083 = arith.constant 1 : i32
    %and3A_2084 = vector.broadcast %and3A_2083 : i32 to vector<8x128xi32>
    %and3A_2085 = arith.andi %shift_right_arithmetic3A_2082, %and3A_2084 : vector<8x128xi32>
    %shift_right_arithmetic3A_2086 = arith.constant 7 : i32
    %shift_right_arithmetic3A_2087 = vector.broadcast %shift_right_arithmetic3A_2086 : i32 to vector<8x128xi32>
    %shift_right_arithmetic3A_2088 = arith.shrsi %and3A_2073, %shift_right_arithmetic3A_2087 : vector<8x128xi32>
    %and3A_2089 = arith.constant 1 : i32
    %and3A_2090 = vector.broadcast %and3A_2089 : i32 to vector<8x128xi32>
    %and3A_2091 = arith.andi %shift_right_arithmetic3A_2088, %and3A_2090 : vector<8x128xi32>
    %eq3A_2092 = arith.constant 0 : i32
    %eq3A_2093 = vector.broadcast %eq3A_2092 : i32 to vector<8x128xi32>
    %eq3A_2094 = arith.cmpi eq, %and3A_2079, %eq3A_2093 : vector<8x128xi32>
    %select_n3A_2095 = arith.select %eq3A_2094, %add3A_73, %add3A_81 : vector<8x128xi1>, vector<8x128xi32>
    %eq3A_2096 = arith.constant 0 : i32
    %eq3A_2097 = vector.broadcast %eq3A_2096 : i32 to vector<8x128xi32>
    %eq3A_2098 = arith.cmpi eq, %and3A_2079, %eq3A_2097 : vector<8x128xi32>
    %select_n3A_2099 = arith.select %eq3A_2098, %add3A_89, %add3A_97 : vector<8x128xi1>, vector<8x128xi32>
    %eq3A_2100 = arith.constant 0 : i32
    %eq3A_2101 = vector.broadcast %eq3A_2100 : i32 to vector<8x128xi32>
    %eq3A_2102 = arith.cmpi eq, %and3A_2079, %eq3A_2101 : vector<8x128xi32>
    %select_n3A_2103 = arith.select %eq3A_2102, %add3A_105, %add3A_113 : vector<8x128xi1>, vector<8x128xi32>
    %eq3A_2104 = arith.constant 0 : i32
    %eq3A_2105 = vector.broadcast %eq3A_2104 : i32 to vector<8x128xi32>
    %eq3A_2106 = arith.cmpi eq, %and3A_2079, %eq3A_2105 : vector<8x128xi32>
    %select_n3A_2107 = arith.select %eq3A_2106, %add3A_121, %add3A_129 : vector<8x128xi1>, vector<8x128xi32>
    %eq3A_2108 = arith.constant 0 : i32
    %eq3A_2109 = vector.broadcast %eq3A_2108 : i32 to vector<8x128xi32>
    %eq3A_2110 = arith.cmpi eq, %and3A_2085, %eq3A_2109 : vector<8x128xi32>
    %select_n3A_2111 = arith.select %eq3A_2110, %select_n3A_2095, %select_n3A_2099 : vector<8x128xi1>, vector<8x128xi32>
    %eq3A_2112 = arith.constant 0 : i32
    %eq3A_2113 = vector.broadcast %eq3A_2112 : i32 to vector<8x128xi32>
    %eq3A_2114 = arith.cmpi eq, %and3A_2085, %eq3A_2113 : vector<8x128xi32>
    %select_n3A_2115 = arith.select %eq3A_2114, %select_n3A_2103, %select_n3A_2107 : vector<8x128xi1>, vector<8x128xi32>
    %eq3A_2116 = arith.constant 0 : i32
    %eq3A_2117 = vector.broadcast %eq3A_2116 : i32 to vector<8x128xi32>
    %eq3A_2118 = arith.cmpi eq, %and3A_2091, %eq3A_2117 : vector<8x128xi32>
    %select_n3A_2119 = arith.select %eq3A_2118, %select_n3A_2111, %select_n3A_2115 : vector<8x128xi1>, vector<8x128xi32>
    %and3A_2120 = arith.constant 31 : i32
    %and3A_2121 = vector.broadcast %and3A_2120 : i32 to vector<8x128xi32>
    %and3A_2122 = arith.andi %and3A_2073, %and3A_2121 : vector<8x128xi32>
    %shift_right_arithmetic3A_2123 = arith.shrsi %select_n3A_2119, %and3A_2122 : vector<8x128xi32>
    %and3A_2124 = arith.constant 1 : i32
    %and3A_2125 = vector.broadcast %and3A_2124 : i32 to vector<8x128xi32>
    %and3A_2126 = arith.andi %shift_right_arithmetic3A_2123, %and3A_2125 : vector<8x128xi32>
    %shift_right_arithmetic3A_2127 = arith.constant 16 : i32
    %shift_right_arithmetic3A_2128 = vector.broadcast %shift_right_arithmetic3A_2127 : i32 to vector<8x128xi32>
    %shift_right_arithmetic3A_2129 = arith.shrsi %and3A_1935, %shift_right_arithmetic3A_2128 : vector<8x128xi32>
    %and3A_2130 = arith.constant 1 : i32
    %and3A_2131 = vector.broadcast %and3A_2130 : i32 to vector<8x128xi32>
    %and3A_2132 = arith.andi %shift_right_arithmetic3A_2129, %and3A_2131 : vector<8x128xi32>
    %select_n3A_2133 = arith.select %eq3A_203, %and3A_2132, %and3A_2126 : vector<8x128xi1>, vector<8x128xi32>
    %shift_right_arithmetic3A_2134 = arith.constant 24 : i32
    %shift_right_arithmetic3A_2135 = vector.broadcast %shift_right_arithmetic3A_2134 : i32 to vector<8x128xi32>
    %shift_right_arithmetic3A_2136 = arith.shrsi %add3A_1929, %shift_right_arithmetic3A_2135 : vector<8x128xi32>
    %and3A_2137 = arith.constant 255 : i32
    %and3A_2138 = vector.broadcast %and3A_2137 : i32 to vector<8x128xi32>
    %and3A_2139 = arith.andi %shift_right_arithmetic3A_2136, %and3A_2138 : vector<8x128xi32>
    %shift_right_arithmetic3A_2140 = arith.constant 5 : i32
    %shift_right_arithmetic3A_2141 = vector.broadcast %shift_right_arithmetic3A_2140 : i32 to vector<8x128xi32>
    %shift_right_arithmetic3A_2142 = arith.shrsi %and3A_2139, %shift_right_arithmetic3A_2141 : vector<8x128xi32>
    %and3A_2143 = arith.constant 1 : i32
    %and3A_2144 = vector.broadcast %and3A_2143 : i32 to vector<8x128xi32>
    %and3A_2145 = arith.andi %shift_right_arithmetic3A_2142, %and3A_2144 : vector<8x128xi32>
    %shift_right_arithmetic3A_2146 = arith.constant 6 : i32
    %shift_right_arithmetic3A_2147 = vector.broadcast %shift_right_arithmetic3A_2146 : i32 to vector<8x128xi32>
    %shift_right_arithmetic3A_2148 = arith.shrsi %and3A_2139, %shift_right_arithmetic3A_2147 : vector<8x128xi32>
    %and3A_2149 = arith.constant 1 : i32
    %and3A_2150 = vector.broadcast %and3A_2149 : i32 to vector<8x128xi32>
    %and3A_2151 = arith.andi %shift_right_arithmetic3A_2148, %and3A_2150 : vector<8x128xi32>
    %shift_right_arithmetic3A_2152 = arith.constant 7 : i32
    %shift_right_arithmetic3A_2153 = vector.broadcast %shift_right_arithmetic3A_2152 : i32 to vector<8x128xi32>
    %shift_right_arithmetic3A_2154 = arith.shrsi %and3A_2139, %shift_right_arithmetic3A_2153 : vector<8x128xi32>
    %and3A_2155 = arith.constant 1 : i32
    %and3A_2156 = vector.broadcast %and3A_2155 : i32 to vector<8x128xi32>
    %and3A_2157 = arith.andi %shift_right_arithmetic3A_2154, %and3A_2156 : vector<8x128xi32>
    %eq3A_2158 = arith.constant 0 : i32
    %eq3A_2159 = vector.broadcast %eq3A_2158 : i32 to vector<8x128xi32>
    %eq3A_2160 = arith.cmpi eq, %and3A_2145, %eq3A_2159 : vector<8x128xi32>
    %select_n3A_2161 = arith.select %eq3A_2160, %add3A_73, %add3A_81 : vector<8x128xi1>, vector<8x128xi32>
    %eq3A_2162 = arith.constant 0 : i32
    %eq3A_2163 = vector.broadcast %eq3A_2162 : i32 to vector<8x128xi32>
    %eq3A_2164 = arith.cmpi eq, %and3A_2145, %eq3A_2163 : vector<8x128xi32>
    %select_n3A_2165 = arith.select %eq3A_2164, %add3A_89, %add3A_97 : vector<8x128xi1>, vector<8x128xi32>
    %eq3A_2166 = arith.constant 0 : i32
    %eq3A_2167 = vector.broadcast %eq3A_2166 : i32 to vector<8x128xi32>
    %eq3A_2168 = arith.cmpi eq, %and3A_2145, %eq3A_2167 : vector<8x128xi32>
    %select_n3A_2169 = arith.select %eq3A_2168, %add3A_105, %add3A_113 : vector<8x128xi1>, vector<8x128xi32>
    %eq3A_2170 = arith.constant 0 : i32
    %eq3A_2171 = vector.broadcast %eq3A_2170 : i32 to vector<8x128xi32>
    %eq3A_2172 = arith.cmpi eq, %and3A_2145, %eq3A_2171 : vector<8x128xi32>
    %select_n3A_2173 = arith.select %eq3A_2172, %add3A_121, %add3A_129 : vector<8x128xi1>, vector<8x128xi32>
    %eq3A_2174 = arith.constant 0 : i32
    %eq3A_2175 = vector.broadcast %eq3A_2174 : i32 to vector<8x128xi32>
    %eq3A_2176 = arith.cmpi eq, %and3A_2151, %eq3A_2175 : vector<8x128xi32>
    %select_n3A_2177 = arith.select %eq3A_2176, %select_n3A_2161, %select_n3A_2165 : vector<8x128xi1>, vector<8x128xi32>
    %eq3A_2178 = arith.constant 0 : i32
    %eq3A_2179 = vector.broadcast %eq3A_2178 : i32 to vector<8x128xi32>
    %eq3A_2180 = arith.cmpi eq, %and3A_2151, %eq3A_2179 : vector<8x128xi32>
    %select_n3A_2181 = arith.select %eq3A_2180, %select_n3A_2169, %select_n3A_2173 : vector<8x128xi1>, vector<8x128xi32>
    %eq3A_2182 = arith.constant 0 : i32
    %eq3A_2183 = vector.broadcast %eq3A_2182 : i32 to vector<8x128xi32>
    %eq3A_2184 = arith.cmpi eq, %and3A_2157, %eq3A_2183 : vector<8x128xi32>
    %select_n3A_2185 = arith.select %eq3A_2184, %select_n3A_2177, %select_n3A_2181 : vector<8x128xi1>, vector<8x128xi32>
    %and3A_2186 = arith.constant 31 : i32
    %and3A_2187 = vector.broadcast %and3A_2186 : i32 to vector<8x128xi32>
    %and3A_2188 = arith.andi %and3A_2139, %and3A_2187 : vector<8x128xi32>
    %shift_right_arithmetic3A_2189 = arith.shrsi %select_n3A_2185, %and3A_2188 : vector<8x128xi32>
    %and3A_2190 = arith.constant 1 : i32
    %and3A_2191 = vector.broadcast %and3A_2190 : i32 to vector<8x128xi32>
    %and3A_2192 = arith.andi %shift_right_arithmetic3A_2189, %and3A_2191 : vector<8x128xi32>
    %shift_right_arithmetic3A_2193 = arith.constant 24 : i32
    %shift_right_arithmetic3A_2194 = vector.broadcast %shift_right_arithmetic3A_2193 : i32 to vector<8x128xi32>
    %shift_right_arithmetic3A_2195 = arith.shrsi %and3A_1935, %shift_right_arithmetic3A_2194 : vector<8x128xi32>
    %and3A_2196 = arith.constant 1 : i32
    %and3A_2197 = vector.broadcast %and3A_2196 : i32 to vector<8x128xi32>
    %and3A_2198 = arith.andi %shift_right_arithmetic3A_2195, %and3A_2197 : vector<8x128xi32>
    %select_n3A_2199 = arith.select %eq3A_203, %and3A_2198, %and3A_2192 : vector<8x128xi1>, vector<8x128xi32>
    %shift_right_arithmetic3A_2200 = arith.constant 6 : i32
    %shift_right_arithmetic3A_2201 = vector.broadcast %shift_right_arithmetic3A_2200 : i32 to vector<8x128xi32>
    %shift_right_arithmetic3A_2202 = arith.shrsi %mul3A_142, %shift_right_arithmetic3A_2201 : vector<8x128xi32>
    %and3A_2203 = arith.constant 16843009 : i32
    %and3A_2204 = vector.broadcast %and3A_2203 : i32 to vector<8x128xi32>
    %and3A_2205 = arith.andi %shift_right_arithmetic3A_2202, %and3A_2204 : vector<8x128xi32>
    %shift_right_arithmetic3A_2206 = arith.constant 6 : i32
    %shift_right_arithmetic3A_2207 = vector.broadcast %shift_right_arithmetic3A_2206 : i32 to vector<8x128xi32>
    %shift_right_arithmetic3A_2208 = arith.shrsi %mul3A_147, %shift_right_arithmetic3A_2207 : vector<8x128xi32>
    %and3A_2209 = arith.constant 16843009 : i32
    %and3A_2210 = vector.broadcast %and3A_2209 : i32 to vector<8x128xi32>
    %and3A_2211 = arith.andi %shift_right_arithmetic3A_2208, %and3A_2210 : vector<8x128xi32>
    %add3A_2212 = arith.addi %and3A_2205, %and3A_2205 : vector<8x128xi32>
    %add3A_2213 = arith.addi %add3A_2212, %and3A_2211 : vector<8x128xi32>
    %shift_right_arithmetic3A_2214 = arith.constant 6 : i32
    %shift_right_arithmetic3A_2215 = vector.broadcast %shift_right_arithmetic3A_2214 : i32 to vector<8x128xi32>
    %shift_right_arithmetic3A_2216 = arith.shrsi %mul3A_152, %shift_right_arithmetic3A_2215 : vector<8x128xi32>
    %and3A_2217 = arith.constant 16843009 : i32
    %and3A_2218 = vector.broadcast %and3A_2217 : i32 to vector<8x128xi32>
    %and3A_2219 = arith.andi %shift_right_arithmetic3A_2216, %and3A_2218 : vector<8x128xi32>
    %add3A_2220 = arith.addi %add3A_2213, %add3A_2213 : vector<8x128xi32>
    %add3A_2221 = arith.addi %add3A_2220, %and3A_2219 : vector<8x128xi32>
    %shift_right_arithmetic3A_2222 = arith.constant 6 : i32
    %shift_right_arithmetic3A_2223 = vector.broadcast %shift_right_arithmetic3A_2222 : i32 to vector<8x128xi32>
    %shift_right_arithmetic3A_2224 = arith.shrsi %mul3A_157, %shift_right_arithmetic3A_2223 : vector<8x128xi32>
    %and3A_2225 = arith.constant 16843009 : i32
    %and3A_2226 = vector.broadcast %and3A_2225 : i32 to vector<8x128xi32>
    %and3A_2227 = arith.andi %shift_right_arithmetic3A_2224, %and3A_2226 : vector<8x128xi32>
    %add3A_2228 = arith.addi %add3A_2221, %add3A_2221 : vector<8x128xi32>
    %add3A_2229 = arith.addi %add3A_2228, %and3A_2227 : vector<8x128xi32>
    %shift_right_arithmetic3A_2230 = arith.constant 6 : i32
    %shift_right_arithmetic3A_2231 = vector.broadcast %shift_right_arithmetic3A_2230 : i32 to vector<8x128xi32>
    %shift_right_arithmetic3A_2232 = arith.shrsi %mul3A_162, %shift_right_arithmetic3A_2231 : vector<8x128xi32>
    %and3A_2233 = arith.constant 16843009 : i32
    %and3A_2234 = vector.broadcast %and3A_2233 : i32 to vector<8x128xi32>
    %and3A_2235 = arith.andi %shift_right_arithmetic3A_2232, %and3A_2234 : vector<8x128xi32>
    %add3A_2236 = arith.addi %add3A_2229, %add3A_2229 : vector<8x128xi32>
    %add3A_2237 = arith.addi %add3A_2236, %and3A_2235 : vector<8x128xi32>
    %shift_right_arithmetic3A_2238 = arith.constant 6 : i32
    %shift_right_arithmetic3A_2239 = vector.broadcast %shift_right_arithmetic3A_2238 : i32 to vector<8x128xi32>
    %shift_right_arithmetic3A_2240 = arith.shrsi %mul3A_167, %shift_right_arithmetic3A_2239 : vector<8x128xi32>
    %and3A_2241 = arith.constant 16843009 : i32
    %and3A_2242 = vector.broadcast %and3A_2241 : i32 to vector<8x128xi32>
    %and3A_2243 = arith.andi %shift_right_arithmetic3A_2240, %and3A_2242 : vector<8x128xi32>
    %add3A_2244 = arith.addi %add3A_2237, %add3A_2237 : vector<8x128xi32>
    %add3A_2245 = arith.addi %add3A_2244, %and3A_2243 : vector<8x128xi32>
    %shift_right_arithmetic3A_2246 = arith.constant 6 : i32
    %shift_right_arithmetic3A_2247 = vector.broadcast %shift_right_arithmetic3A_2246 : i32 to vector<8x128xi32>
    %shift_right_arithmetic3A_2248 = arith.shrsi %mul3A_172, %shift_right_arithmetic3A_2247 : vector<8x128xi32>
    %and3A_2249 = arith.constant 16843009 : i32
    %and3A_2250 = vector.broadcast %and3A_2249 : i32 to vector<8x128xi32>
    %and3A_2251 = arith.andi %shift_right_arithmetic3A_2248, %and3A_2250 : vector<8x128xi32>
    %add3A_2252 = arith.addi %add3A_2245, %add3A_2245 : vector<8x128xi32>
    %add3A_2253 = arith.addi %add3A_2252, %and3A_2251 : vector<8x128xi32>
    %shift_right_arithmetic3A_2254 = arith.constant 6 : i32
    %shift_right_arithmetic3A_2255 = vector.broadcast %shift_right_arithmetic3A_2254 : i32 to vector<8x128xi32>
    %shift_right_arithmetic3A_2256 = arith.shrsi %mul3A_177, %shift_right_arithmetic3A_2255 : vector<8x128xi32>
    %and3A_2257 = arith.constant 16843009 : i32
    %and3A_2258 = vector.broadcast %and3A_2257 : i32 to vector<8x128xi32>
    %and3A_2259 = arith.andi %shift_right_arithmetic3A_2256, %and3A_2258 : vector<8x128xi32>
    %add3A_2260 = arith.addi %add3A_2253, %add3A_2253 : vector<8x128xi32>
    %add3A_2261 = arith.addi %add3A_2260, %and3A_2259 : vector<8x128xi32>
    %shift_right_arithmetic3A_2262 = arith.constant 6 : i32
    %shift_right_arithmetic3A_2263 = vector.broadcast %shift_right_arithmetic3A_2262 : i32 to vector<8x128xi32>
    %shift_right_arithmetic3A_2264 = arith.shrsi %reshape3A_208, %shift_right_arithmetic3A_2263 : vector<8x128xi32>
    %and3A_2265 = arith.constant 16843009 : i32
    %and3A_2266 = vector.broadcast %and3A_2265 : i32 to vector<8x128xi32>
    %and3A_2267 = arith.andi %shift_right_arithmetic3A_2264, %and3A_2266 : vector<8x128xi32>
    %shift_right_arithmetic3A_2268 = arith.constant 0 : i32
    %shift_right_arithmetic3A_2269 = vector.broadcast %shift_right_arithmetic3A_2268 : i32 to vector<8x128xi32>
    %shift_right_arithmetic3A_2270 = arith.shrsi %add3A_2261, %shift_right_arithmetic3A_2269 : vector<8x128xi32>
    %and3A_2271 = arith.constant 255 : i32
    %and3A_2272 = vector.broadcast %and3A_2271 : i32 to vector<8x128xi32>
    %and3A_2273 = arith.andi %shift_right_arithmetic3A_2270, %and3A_2272 : vector<8x128xi32>
    %shift_right_arithmetic3A_2274 = arith.constant 5 : i32
    %shift_right_arithmetic3A_2275 = vector.broadcast %shift_right_arithmetic3A_2274 : i32 to vector<8x128xi32>
    %shift_right_arithmetic3A_2276 = arith.shrsi %and3A_2273, %shift_right_arithmetic3A_2275 : vector<8x128xi32>
    %and3A_2277 = arith.constant 1 : i32
    %and3A_2278 = vector.broadcast %and3A_2277 : i32 to vector<8x128xi32>
    %and3A_2279 = arith.andi %shift_right_arithmetic3A_2276, %and3A_2278 : vector<8x128xi32>
    %shift_right_arithmetic3A_2280 = arith.constant 6 : i32
    %shift_right_arithmetic3A_2281 = vector.broadcast %shift_right_arithmetic3A_2280 : i32 to vector<8x128xi32>
    %shift_right_arithmetic3A_2282 = arith.shrsi %and3A_2273, %shift_right_arithmetic3A_2281 : vector<8x128xi32>
    %and3A_2283 = arith.constant 1 : i32
    %and3A_2284 = vector.broadcast %and3A_2283 : i32 to vector<8x128xi32>
    %and3A_2285 = arith.andi %shift_right_arithmetic3A_2282, %and3A_2284 : vector<8x128xi32>
    %shift_right_arithmetic3A_2286 = arith.constant 7 : i32
    %shift_right_arithmetic3A_2287 = vector.broadcast %shift_right_arithmetic3A_2286 : i32 to vector<8x128xi32>
    %shift_right_arithmetic3A_2288 = arith.shrsi %and3A_2273, %shift_right_arithmetic3A_2287 : vector<8x128xi32>
    %and3A_2289 = arith.constant 1 : i32
    %and3A_2290 = vector.broadcast %and3A_2289 : i32 to vector<8x128xi32>
    %and3A_2291 = arith.andi %shift_right_arithmetic3A_2288, %and3A_2290 : vector<8x128xi32>
    %eq3A_2292 = arith.constant 0 : i32
    %eq3A_2293 = vector.broadcast %eq3A_2292 : i32 to vector<8x128xi32>
    %eq3A_2294 = arith.cmpi eq, %and3A_2279, %eq3A_2293 : vector<8x128xi32>
    %select_n3A_2295 = arith.select %eq3A_2294, %add3A_73, %add3A_81 : vector<8x128xi1>, vector<8x128xi32>
    %eq3A_2296 = arith.constant 0 : i32
    %eq3A_2297 = vector.broadcast %eq3A_2296 : i32 to vector<8x128xi32>
    %eq3A_2298 = arith.cmpi eq, %and3A_2279, %eq3A_2297 : vector<8x128xi32>
    %select_n3A_2299 = arith.select %eq3A_2298, %add3A_89, %add3A_97 : vector<8x128xi1>, vector<8x128xi32>
    %eq3A_2300 = arith.constant 0 : i32
    %eq3A_2301 = vector.broadcast %eq3A_2300 : i32 to vector<8x128xi32>
    %eq3A_2302 = arith.cmpi eq, %and3A_2279, %eq3A_2301 : vector<8x128xi32>
    %select_n3A_2303 = arith.select %eq3A_2302, %add3A_105, %add3A_113 : vector<8x128xi1>, vector<8x128xi32>
    %eq3A_2304 = arith.constant 0 : i32
    %eq3A_2305 = vector.broadcast %eq3A_2304 : i32 to vector<8x128xi32>
    %eq3A_2306 = arith.cmpi eq, %and3A_2279, %eq3A_2305 : vector<8x128xi32>
    %select_n3A_2307 = arith.select %eq3A_2306, %add3A_121, %add3A_129 : vector<8x128xi1>, vector<8x128xi32>
    %eq3A_2308 = arith.constant 0 : i32
    %eq3A_2309 = vector.broadcast %eq3A_2308 : i32 to vector<8x128xi32>
    %eq3A_2310 = arith.cmpi eq, %and3A_2285, %eq3A_2309 : vector<8x128xi32>
    %select_n3A_2311 = arith.select %eq3A_2310, %select_n3A_2295, %select_n3A_2299 : vector<8x128xi1>, vector<8x128xi32>
    %eq3A_2312 = arith.constant 0 : i32
    %eq3A_2313 = vector.broadcast %eq3A_2312 : i32 to vector<8x128xi32>
    %eq3A_2314 = arith.cmpi eq, %and3A_2285, %eq3A_2313 : vector<8x128xi32>
    %select_n3A_2315 = arith.select %eq3A_2314, %select_n3A_2303, %select_n3A_2307 : vector<8x128xi1>, vector<8x128xi32>
    %eq3A_2316 = arith.constant 0 : i32
    %eq3A_2317 = vector.broadcast %eq3A_2316 : i32 to vector<8x128xi32>
    %eq3A_2318 = arith.cmpi eq, %and3A_2291, %eq3A_2317 : vector<8x128xi32>
    %select_n3A_2319 = arith.select %eq3A_2318, %select_n3A_2311, %select_n3A_2315 : vector<8x128xi1>, vector<8x128xi32>
    %and3A_2320 = arith.constant 31 : i32
    %and3A_2321 = vector.broadcast %and3A_2320 : i32 to vector<8x128xi32>
    %and3A_2322 = arith.andi %and3A_2273, %and3A_2321 : vector<8x128xi32>
    %shift_right_arithmetic3A_2323 = arith.shrsi %select_n3A_2319, %and3A_2322 : vector<8x128xi32>
    %and3A_2324 = arith.constant 1 : i32
    %and3A_2325 = vector.broadcast %and3A_2324 : i32 to vector<8x128xi32>
    %and3A_2326 = arith.andi %shift_right_arithmetic3A_2323, %and3A_2325 : vector<8x128xi32>
    %shift_right_arithmetic3A_2327 = arith.constant 0 : i32
    %shift_right_arithmetic3A_2328 = vector.broadcast %shift_right_arithmetic3A_2327 : i32 to vector<8x128xi32>
    %shift_right_arithmetic3A_2329 = arith.shrsi %and3A_2267, %shift_right_arithmetic3A_2328 : vector<8x128xi32>
    %and3A_2330 = arith.constant 1 : i32
    %and3A_2331 = vector.broadcast %and3A_2330 : i32 to vector<8x128xi32>
    %and3A_2332 = arith.andi %shift_right_arithmetic3A_2329, %and3A_2331 : vector<8x128xi32>
    %select_n3A_2333 = arith.select %eq3A_203, %and3A_2332, %and3A_2326 : vector<8x128xi1>, vector<8x128xi32>
    %shift_right_arithmetic3A_2334 = arith.constant 8 : i32
    %shift_right_arithmetic3A_2335 = vector.broadcast %shift_right_arithmetic3A_2334 : i32 to vector<8x128xi32>
    %shift_right_arithmetic3A_2336 = arith.shrsi %add3A_2261, %shift_right_arithmetic3A_2335 : vector<8x128xi32>
    %and3A_2337 = arith.constant 255 : i32
    %and3A_2338 = vector.broadcast %and3A_2337 : i32 to vector<8x128xi32>
    %and3A_2339 = arith.andi %shift_right_arithmetic3A_2336, %and3A_2338 : vector<8x128xi32>
    %shift_right_arithmetic3A_2340 = arith.constant 5 : i32
    %shift_right_arithmetic3A_2341 = vector.broadcast %shift_right_arithmetic3A_2340 : i32 to vector<8x128xi32>
    %shift_right_arithmetic3A_2342 = arith.shrsi %and3A_2339, %shift_right_arithmetic3A_2341 : vector<8x128xi32>
    %and3A_2343 = arith.constant 1 : i32
    %and3A_2344 = vector.broadcast %and3A_2343 : i32 to vector<8x128xi32>
    %and3A_2345 = arith.andi %shift_right_arithmetic3A_2342, %and3A_2344 : vector<8x128xi32>
    %shift_right_arithmetic3A_2346 = arith.constant 6 : i32
    %shift_right_arithmetic3A_2347 = vector.broadcast %shift_right_arithmetic3A_2346 : i32 to vector<8x128xi32>
    %shift_right_arithmetic3A_2348 = arith.shrsi %and3A_2339, %shift_right_arithmetic3A_2347 : vector<8x128xi32>
    %and3A_2349 = arith.constant 1 : i32
    %and3A_2350 = vector.broadcast %and3A_2349 : i32 to vector<8x128xi32>
    %and3A_2351 = arith.andi %shift_right_arithmetic3A_2348, %and3A_2350 : vector<8x128xi32>
    %shift_right_arithmetic3A_2352 = arith.constant 7 : i32
    %shift_right_arithmetic3A_2353 = vector.broadcast %shift_right_arithmetic3A_2352 : i32 to vector<8x128xi32>
    %shift_right_arithmetic3A_2354 = arith.shrsi %and3A_2339, %shift_right_arithmetic3A_2353 : vector<8x128xi32>
    %and3A_2355 = arith.constant 1 : i32
    %and3A_2356 = vector.broadcast %and3A_2355 : i32 to vector<8x128xi32>
    %and3A_2357 = arith.andi %shift_right_arithmetic3A_2354, %and3A_2356 : vector<8x128xi32>
    %eq3A_2358 = arith.constant 0 : i32
    %eq3A_2359 = vector.broadcast %eq3A_2358 : i32 to vector<8x128xi32>
    %eq3A_2360 = arith.cmpi eq, %and3A_2345, %eq3A_2359 : vector<8x128xi32>
    %select_n3A_2361 = arith.select %eq3A_2360, %add3A_73, %add3A_81 : vector<8x128xi1>, vector<8x128xi32>
    %eq3A_2362 = arith.constant 0 : i32
    %eq3A_2363 = vector.broadcast %eq3A_2362 : i32 to vector<8x128xi32>
    %eq3A_2364 = arith.cmpi eq, %and3A_2345, %eq3A_2363 : vector<8x128xi32>
    %select_n3A_2365 = arith.select %eq3A_2364, %add3A_89, %add3A_97 : vector<8x128xi1>, vector<8x128xi32>
    %eq3A_2366 = arith.constant 0 : i32
    %eq3A_2367 = vector.broadcast %eq3A_2366 : i32 to vector<8x128xi32>
    %eq3A_2368 = arith.cmpi eq, %and3A_2345, %eq3A_2367 : vector<8x128xi32>
    %select_n3A_2369 = arith.select %eq3A_2368, %add3A_105, %add3A_113 : vector<8x128xi1>, vector<8x128xi32>
    %eq3A_2370 = arith.constant 0 : i32
    %eq3A_2371 = vector.broadcast %eq3A_2370 : i32 to vector<8x128xi32>
    %eq3A_2372 = arith.cmpi eq, %and3A_2345, %eq3A_2371 : vector<8x128xi32>
    %select_n3A_2373 = arith.select %eq3A_2372, %add3A_121, %add3A_129 : vector<8x128xi1>, vector<8x128xi32>
    %eq3A_2374 = arith.constant 0 : i32
    %eq3A_2375 = vector.broadcast %eq3A_2374 : i32 to vector<8x128xi32>
    %eq3A_2376 = arith.cmpi eq, %and3A_2351, %eq3A_2375 : vector<8x128xi32>
    %select_n3A_2377 = arith.select %eq3A_2376, %select_n3A_2361, %select_n3A_2365 : vector<8x128xi1>, vector<8x128xi32>
    %eq3A_2378 = arith.constant 0 : i32
    %eq3A_2379 = vector.broadcast %eq3A_2378 : i32 to vector<8x128xi32>
    %eq3A_2380 = arith.cmpi eq, %and3A_2351, %eq3A_2379 : vector<8x128xi32>
    %select_n3A_2381 = arith.select %eq3A_2380, %select_n3A_2369, %select_n3A_2373 : vector<8x128xi1>, vector<8x128xi32>
    %eq3A_2382 = arith.constant 0 : i32
    %eq3A_2383 = vector.broadcast %eq3A_2382 : i32 to vector<8x128xi32>
    %eq3A_2384 = arith.cmpi eq, %and3A_2357, %eq3A_2383 : vector<8x128xi32>
    %select_n3A_2385 = arith.select %eq3A_2384, %select_n3A_2377, %select_n3A_2381 : vector<8x128xi1>, vector<8x128xi32>
    %and3A_2386 = arith.constant 31 : i32
    %and3A_2387 = vector.broadcast %and3A_2386 : i32 to vector<8x128xi32>
    %and3A_2388 = arith.andi %and3A_2339, %and3A_2387 : vector<8x128xi32>
    %shift_right_arithmetic3A_2389 = arith.shrsi %select_n3A_2385, %and3A_2388 : vector<8x128xi32>
    %and3A_2390 = arith.constant 1 : i32
    %and3A_2391 = vector.broadcast %and3A_2390 : i32 to vector<8x128xi32>
    %and3A_2392 = arith.andi %shift_right_arithmetic3A_2389, %and3A_2391 : vector<8x128xi32>
    %shift_right_arithmetic3A_2393 = arith.constant 8 : i32
    %shift_right_arithmetic3A_2394 = vector.broadcast %shift_right_arithmetic3A_2393 : i32 to vector<8x128xi32>
    %shift_right_arithmetic3A_2395 = arith.shrsi %and3A_2267, %shift_right_arithmetic3A_2394 : vector<8x128xi32>
    %and3A_2396 = arith.constant 1 : i32
    %and3A_2397 = vector.broadcast %and3A_2396 : i32 to vector<8x128xi32>
    %and3A_2398 = arith.andi %shift_right_arithmetic3A_2395, %and3A_2397 : vector<8x128xi32>
    %select_n3A_2399 = arith.select %eq3A_203, %and3A_2398, %and3A_2392 : vector<8x128xi1>, vector<8x128xi32>
    %shift_right_arithmetic3A_2400 = arith.constant 16 : i32
    %shift_right_arithmetic3A_2401 = vector.broadcast %shift_right_arithmetic3A_2400 : i32 to vector<8x128xi32>
    %shift_right_arithmetic3A_2402 = arith.shrsi %add3A_2261, %shift_right_arithmetic3A_2401 : vector<8x128xi32>
    %and3A_2403 = arith.constant 255 : i32
    %and3A_2404 = vector.broadcast %and3A_2403 : i32 to vector<8x128xi32>
    %and3A_2405 = arith.andi %shift_right_arithmetic3A_2402, %and3A_2404 : vector<8x128xi32>
    %shift_right_arithmetic3A_2406 = arith.constant 5 : i32
    %shift_right_arithmetic3A_2407 = vector.broadcast %shift_right_arithmetic3A_2406 : i32 to vector<8x128xi32>
    %shift_right_arithmetic3A_2408 = arith.shrsi %and3A_2405, %shift_right_arithmetic3A_2407 : vector<8x128xi32>
    %and3A_2409 = arith.constant 1 : i32
    %and3A_2410 = vector.broadcast %and3A_2409 : i32 to vector<8x128xi32>
    %and3A_2411 = arith.andi %shift_right_arithmetic3A_2408, %and3A_2410 : vector<8x128xi32>
    %shift_right_arithmetic3A_2412 = arith.constant 6 : i32
    %shift_right_arithmetic3A_2413 = vector.broadcast %shift_right_arithmetic3A_2412 : i32 to vector<8x128xi32>
    %shift_right_arithmetic3A_2414 = arith.shrsi %and3A_2405, %shift_right_arithmetic3A_2413 : vector<8x128xi32>
    %and3A_2415 = arith.constant 1 : i32
    %and3A_2416 = vector.broadcast %and3A_2415 : i32 to vector<8x128xi32>
    %and3A_2417 = arith.andi %shift_right_arithmetic3A_2414, %and3A_2416 : vector<8x128xi32>
    %shift_right_arithmetic3A_2418 = arith.constant 7 : i32
    %shift_right_arithmetic3A_2419 = vector.broadcast %shift_right_arithmetic3A_2418 : i32 to vector<8x128xi32>
    %shift_right_arithmetic3A_2420 = arith.shrsi %and3A_2405, %shift_right_arithmetic3A_2419 : vector<8x128xi32>
    %and3A_2421 = arith.constant 1 : i32
    %and3A_2422 = vector.broadcast %and3A_2421 : i32 to vector<8x128xi32>
    %and3A_2423 = arith.andi %shift_right_arithmetic3A_2420, %and3A_2422 : vector<8x128xi32>
    %eq3A_2424 = arith.constant 0 : i32
    %eq3A_2425 = vector.broadcast %eq3A_2424 : i32 to vector<8x128xi32>
    %eq3A_2426 = arith.cmpi eq, %and3A_2411, %eq3A_2425 : vector<8x128xi32>
    %select_n3A_2427 = arith.select %eq3A_2426, %add3A_73, %add3A_81 : vector<8x128xi1>, vector<8x128xi32>
    %eq3A_2428 = arith.constant 0 : i32
    %eq3A_2429 = vector.broadcast %eq3A_2428 : i32 to vector<8x128xi32>
    %eq3A_2430 = arith.cmpi eq, %and3A_2411, %eq3A_2429 : vector<8x128xi32>
    %select_n3A_2431 = arith.select %eq3A_2430, %add3A_89, %add3A_97 : vector<8x128xi1>, vector<8x128xi32>
    %eq3A_2432 = arith.constant 0 : i32
    %eq3A_2433 = vector.broadcast %eq3A_2432 : i32 to vector<8x128xi32>
    %eq3A_2434 = arith.cmpi eq, %and3A_2411, %eq3A_2433 : vector<8x128xi32>
    %select_n3A_2435 = arith.select %eq3A_2434, %add3A_105, %add3A_113 : vector<8x128xi1>, vector<8x128xi32>
    %eq3A_2436 = arith.constant 0 : i32
    %eq3A_2437 = vector.broadcast %eq3A_2436 : i32 to vector<8x128xi32>
    %eq3A_2438 = arith.cmpi eq, %and3A_2411, %eq3A_2437 : vector<8x128xi32>
    %select_n3A_2439 = arith.select %eq3A_2438, %add3A_121, %add3A_129 : vector<8x128xi1>, vector<8x128xi32>
    %eq3A_2440 = arith.constant 0 : i32
    %eq3A_2441 = vector.broadcast %eq3A_2440 : i32 to vector<8x128xi32>
    %eq3A_2442 = arith.cmpi eq, %and3A_2417, %eq3A_2441 : vector<8x128xi32>
    %select_n3A_2443 = arith.select %eq3A_2442, %select_n3A_2427, %select_n3A_2431 : vector<8x128xi1>, vector<8x128xi32>
    %eq3A_2444 = arith.constant 0 : i32
    %eq3A_2445 = vector.broadcast %eq3A_2444 : i32 to vector<8x128xi32>
    %eq3A_2446 = arith.cmpi eq, %and3A_2417, %eq3A_2445 : vector<8x128xi32>
    %select_n3A_2447 = arith.select %eq3A_2446, %select_n3A_2435, %select_n3A_2439 : vector<8x128xi1>, vector<8x128xi32>
    %eq3A_2448 = arith.constant 0 : i32
    %eq3A_2449 = vector.broadcast %eq3A_2448 : i32 to vector<8x128xi32>
    %eq3A_2450 = arith.cmpi eq, %and3A_2423, %eq3A_2449 : vector<8x128xi32>
    %select_n3A_2451 = arith.select %eq3A_2450, %select_n3A_2443, %select_n3A_2447 : vector<8x128xi1>, vector<8x128xi32>
    %and3A_2452 = arith.constant 31 : i32
    %and3A_2453 = vector.broadcast %and3A_2452 : i32 to vector<8x128xi32>
    %and3A_2454 = arith.andi %and3A_2405, %and3A_2453 : vector<8x128xi32>
    %shift_right_arithmetic3A_2455 = arith.shrsi %select_n3A_2451, %and3A_2454 : vector<8x128xi32>
    %and3A_2456 = arith.constant 1 : i32
    %and3A_2457 = vector.broadcast %and3A_2456 : i32 to vector<8x128xi32>
    %and3A_2458 = arith.andi %shift_right_arithmetic3A_2455, %and3A_2457 : vector<8x128xi32>
    %shift_right_arithmetic3A_2459 = arith.constant 16 : i32
    %shift_right_arithmetic3A_2460 = vector.broadcast %shift_right_arithmetic3A_2459 : i32 to vector<8x128xi32>
    %shift_right_arithmetic3A_2461 = arith.shrsi %and3A_2267, %shift_right_arithmetic3A_2460 : vector<8x128xi32>
    %and3A_2462 = arith.constant 1 : i32
    %and3A_2463 = vector.broadcast %and3A_2462 : i32 to vector<8x128xi32>
    %and3A_2464 = arith.andi %shift_right_arithmetic3A_2461, %and3A_2463 : vector<8x128xi32>
    %select_n3A_2465 = arith.select %eq3A_203, %and3A_2464, %and3A_2458 : vector<8x128xi1>, vector<8x128xi32>
    %shift_right_arithmetic3A_2466 = arith.constant 24 : i32
    %shift_right_arithmetic3A_2467 = vector.broadcast %shift_right_arithmetic3A_2466 : i32 to vector<8x128xi32>
    %shift_right_arithmetic3A_2468 = arith.shrsi %add3A_2261, %shift_right_arithmetic3A_2467 : vector<8x128xi32>
    %and3A_2469 = arith.constant 255 : i32
    %and3A_2470 = vector.broadcast %and3A_2469 : i32 to vector<8x128xi32>
    %and3A_2471 = arith.andi %shift_right_arithmetic3A_2468, %and3A_2470 : vector<8x128xi32>
    %shift_right_arithmetic3A_2472 = arith.constant 5 : i32
    %shift_right_arithmetic3A_2473 = vector.broadcast %shift_right_arithmetic3A_2472 : i32 to vector<8x128xi32>
    %shift_right_arithmetic3A_2474 = arith.shrsi %and3A_2471, %shift_right_arithmetic3A_2473 : vector<8x128xi32>
    %and3A_2475 = arith.constant 1 : i32
    %and3A_2476 = vector.broadcast %and3A_2475 : i32 to vector<8x128xi32>
    %and3A_2477 = arith.andi %shift_right_arithmetic3A_2474, %and3A_2476 : vector<8x128xi32>
    %shift_right_arithmetic3A_2478 = arith.constant 6 : i32
    %shift_right_arithmetic3A_2479 = vector.broadcast %shift_right_arithmetic3A_2478 : i32 to vector<8x128xi32>
    %shift_right_arithmetic3A_2480 = arith.shrsi %and3A_2471, %shift_right_arithmetic3A_2479 : vector<8x128xi32>
    %and3A_2481 = arith.constant 1 : i32
    %and3A_2482 = vector.broadcast %and3A_2481 : i32 to vector<8x128xi32>
    %and3A_2483 = arith.andi %shift_right_arithmetic3A_2480, %and3A_2482 : vector<8x128xi32>
    %shift_right_arithmetic3A_2484 = arith.constant 7 : i32
    %shift_right_arithmetic3A_2485 = vector.broadcast %shift_right_arithmetic3A_2484 : i32 to vector<8x128xi32>
    %shift_right_arithmetic3A_2486 = arith.shrsi %and3A_2471, %shift_right_arithmetic3A_2485 : vector<8x128xi32>
    %and3A_2487 = arith.constant 1 : i32
    %and3A_2488 = vector.broadcast %and3A_2487 : i32 to vector<8x128xi32>
    %and3A_2489 = arith.andi %shift_right_arithmetic3A_2486, %and3A_2488 : vector<8x128xi32>
    %eq3A_2490 = arith.constant 0 : i32
    %eq3A_2491 = vector.broadcast %eq3A_2490 : i32 to vector<8x128xi32>
    %eq3A_2492 = arith.cmpi eq, %and3A_2477, %eq3A_2491 : vector<8x128xi32>
    %select_n3A_2493 = arith.select %eq3A_2492, %add3A_73, %add3A_81 : vector<8x128xi1>, vector<8x128xi32>
    %eq3A_2494 = arith.constant 0 : i32
    %eq3A_2495 = vector.broadcast %eq3A_2494 : i32 to vector<8x128xi32>
    %eq3A_2496 = arith.cmpi eq, %and3A_2477, %eq3A_2495 : vector<8x128xi32>
    %select_n3A_2497 = arith.select %eq3A_2496, %add3A_89, %add3A_97 : vector<8x128xi1>, vector<8x128xi32>
    %eq3A_2498 = arith.constant 0 : i32
    %eq3A_2499 = vector.broadcast %eq3A_2498 : i32 to vector<8x128xi32>
    %eq3A_2500 = arith.cmpi eq, %and3A_2477, %eq3A_2499 : vector<8x128xi32>
    %select_n3A_2501 = arith.select %eq3A_2500, %add3A_105, %add3A_113 : vector<8x128xi1>, vector<8x128xi32>
    %eq3A_2502 = arith.constant 0 : i32
    %eq3A_2503 = vector.broadcast %eq3A_2502 : i32 to vector<8x128xi32>
    %eq3A_2504 = arith.cmpi eq, %and3A_2477, %eq3A_2503 : vector<8x128xi32>
    %select_n3A_2505 = arith.select %eq3A_2504, %add3A_121, %add3A_129 : vector<8x128xi1>, vector<8x128xi32>
    %eq3A_2506 = arith.constant 0 : i32
    %eq3A_2507 = vector.broadcast %eq3A_2506 : i32 to vector<8x128xi32>
    %eq3A_2508 = arith.cmpi eq, %and3A_2483, %eq3A_2507 : vector<8x128xi32>
    %select_n3A_2509 = arith.select %eq3A_2508, %select_n3A_2493, %select_n3A_2497 : vector<8x128xi1>, vector<8x128xi32>
    %eq3A_2510 = arith.constant 0 : i32
    %eq3A_2511 = vector.broadcast %eq3A_2510 : i32 to vector<8x128xi32>
    %eq3A_2512 = arith.cmpi eq, %and3A_2483, %eq3A_2511 : vector<8x128xi32>
    %select_n3A_2513 = arith.select %eq3A_2512, %select_n3A_2501, %select_n3A_2505 : vector<8x128xi1>, vector<8x128xi32>
    %eq3A_2514 = arith.constant 0 : i32
    %eq3A_2515 = vector.broadcast %eq3A_2514 : i32 to vector<8x128xi32>
    %eq3A_2516 = arith.cmpi eq, %and3A_2489, %eq3A_2515 : vector<8x128xi32>
    %select_n3A_2517 = arith.select %eq3A_2516, %select_n3A_2509, %select_n3A_2513 : vector<8x128xi1>, vector<8x128xi32>
    %and3A_2518 = arith.constant 31 : i32
    %and3A_2519 = vector.broadcast %and3A_2518 : i32 to vector<8x128xi32>
    %and3A_2520 = arith.andi %and3A_2471, %and3A_2519 : vector<8x128xi32>
    %shift_right_arithmetic3A_2521 = arith.shrsi %select_n3A_2517, %and3A_2520 : vector<8x128xi32>
    %and3A_2522 = arith.constant 1 : i32
    %and3A_2523 = vector.broadcast %and3A_2522 : i32 to vector<8x128xi32>
    %and3A_2524 = arith.andi %shift_right_arithmetic3A_2521, %and3A_2523 : vector<8x128xi32>
    %shift_right_arithmetic3A_2525 = arith.constant 24 : i32
    %shift_right_arithmetic3A_2526 = vector.broadcast %shift_right_arithmetic3A_2525 : i32 to vector<8x128xi32>
    %shift_right_arithmetic3A_2527 = arith.shrsi %and3A_2267, %shift_right_arithmetic3A_2526 : vector<8x128xi32>
    %and3A_2528 = arith.constant 1 : i32
    %and3A_2529 = vector.broadcast %and3A_2528 : i32 to vector<8x128xi32>
    %and3A_2530 = arith.andi %shift_right_arithmetic3A_2527, %and3A_2529 : vector<8x128xi32>
    %select_n3A_2531 = arith.select %eq3A_203, %and3A_2530, %and3A_2524 : vector<8x128xi1>, vector<8x128xi32>
    %shift_right_arithmetic3A_2532 = arith.constant 7 : i32
    %shift_right_arithmetic3A_2533 = vector.broadcast %shift_right_arithmetic3A_2532 : i32 to vector<8x128xi32>
    %shift_right_arithmetic3A_2534 = arith.shrsi %mul3A_142, %shift_right_arithmetic3A_2533 : vector<8x128xi32>
    %and3A_2535 = arith.constant 16843009 : i32
    %and3A_2536 = vector.broadcast %and3A_2535 : i32 to vector<8x128xi32>
    %and3A_2537 = arith.andi %shift_right_arithmetic3A_2534, %and3A_2536 : vector<8x128xi32>
    %shift_right_arithmetic3A_2538 = arith.constant 7 : i32
    %shift_right_arithmetic3A_2539 = vector.broadcast %shift_right_arithmetic3A_2538 : i32 to vector<8x128xi32>
    %shift_right_arithmetic3A_2540 = arith.shrsi %mul3A_147, %shift_right_arithmetic3A_2539 : vector<8x128xi32>
    %and3A_2541 = arith.constant 16843009 : i32
    %and3A_2542 = vector.broadcast %and3A_2541 : i32 to vector<8x128xi32>
    %and3A_2543 = arith.andi %shift_right_arithmetic3A_2540, %and3A_2542 : vector<8x128xi32>
    %add3A_2544 = arith.addi %and3A_2537, %and3A_2537 : vector<8x128xi32>
    %add3A_2545 = arith.addi %add3A_2544, %and3A_2543 : vector<8x128xi32>
    %shift_right_arithmetic3A_2546 = arith.constant 7 : i32
    %shift_right_arithmetic3A_2547 = vector.broadcast %shift_right_arithmetic3A_2546 : i32 to vector<8x128xi32>
    %shift_right_arithmetic3A_2548 = arith.shrsi %mul3A_152, %shift_right_arithmetic3A_2547 : vector<8x128xi32>
    %and3A_2549 = arith.constant 16843009 : i32
    %and3A_2550 = vector.broadcast %and3A_2549 : i32 to vector<8x128xi32>
    %and3A_2551 = arith.andi %shift_right_arithmetic3A_2548, %and3A_2550 : vector<8x128xi32>
    %add3A_2552 = arith.addi %add3A_2545, %add3A_2545 : vector<8x128xi32>
    %add3A_2553 = arith.addi %add3A_2552, %and3A_2551 : vector<8x128xi32>
    %shift_right_arithmetic3A_2554 = arith.constant 7 : i32
    %shift_right_arithmetic3A_2555 = vector.broadcast %shift_right_arithmetic3A_2554 : i32 to vector<8x128xi32>
    %shift_right_arithmetic3A_2556 = arith.shrsi %mul3A_157, %shift_right_arithmetic3A_2555 : vector<8x128xi32>
    %and3A_2557 = arith.constant 16843009 : i32
    %and3A_2558 = vector.broadcast %and3A_2557 : i32 to vector<8x128xi32>
    %and3A_2559 = arith.andi %shift_right_arithmetic3A_2556, %and3A_2558 : vector<8x128xi32>
    %add3A_2560 = arith.addi %add3A_2553, %add3A_2553 : vector<8x128xi32>
    %add3A_2561 = arith.addi %add3A_2560, %and3A_2559 : vector<8x128xi32>
    %shift_right_arithmetic3A_2562 = arith.constant 7 : i32
    %shift_right_arithmetic3A_2563 = vector.broadcast %shift_right_arithmetic3A_2562 : i32 to vector<8x128xi32>
    %shift_right_arithmetic3A_2564 = arith.shrsi %mul3A_162, %shift_right_arithmetic3A_2563 : vector<8x128xi32>
    %and3A_2565 = arith.constant 16843009 : i32
    %and3A_2566 = vector.broadcast %and3A_2565 : i32 to vector<8x128xi32>
    %and3A_2567 = arith.andi %shift_right_arithmetic3A_2564, %and3A_2566 : vector<8x128xi32>
    %add3A_2568 = arith.addi %add3A_2561, %add3A_2561 : vector<8x128xi32>
    %add3A_2569 = arith.addi %add3A_2568, %and3A_2567 : vector<8x128xi32>
    %shift_right_arithmetic3A_2570 = arith.constant 7 : i32
    %shift_right_arithmetic3A_2571 = vector.broadcast %shift_right_arithmetic3A_2570 : i32 to vector<8x128xi32>
    %shift_right_arithmetic3A_2572 = arith.shrsi %mul3A_167, %shift_right_arithmetic3A_2571 : vector<8x128xi32>
    %and3A_2573 = arith.constant 16843009 : i32
    %and3A_2574 = vector.broadcast %and3A_2573 : i32 to vector<8x128xi32>
    %and3A_2575 = arith.andi %shift_right_arithmetic3A_2572, %and3A_2574 : vector<8x128xi32>
    %add3A_2576 = arith.addi %add3A_2569, %add3A_2569 : vector<8x128xi32>
    %add3A_2577 = arith.addi %add3A_2576, %and3A_2575 : vector<8x128xi32>
    %shift_right_arithmetic3A_2578 = arith.constant 7 : i32
    %shift_right_arithmetic3A_2579 = vector.broadcast %shift_right_arithmetic3A_2578 : i32 to vector<8x128xi32>
    %shift_right_arithmetic3A_2580 = arith.shrsi %mul3A_172, %shift_right_arithmetic3A_2579 : vector<8x128xi32>
    %and3A_2581 = arith.constant 16843009 : i32
    %and3A_2582 = vector.broadcast %and3A_2581 : i32 to vector<8x128xi32>
    %and3A_2583 = arith.andi %shift_right_arithmetic3A_2580, %and3A_2582 : vector<8x128xi32>
    %add3A_2584 = arith.addi %add3A_2577, %add3A_2577 : vector<8x128xi32>
    %add3A_2585 = arith.addi %add3A_2584, %and3A_2583 : vector<8x128xi32>
    %shift_right_arithmetic3A_2586 = arith.constant 7 : i32
    %shift_right_arithmetic3A_2587 = vector.broadcast %shift_right_arithmetic3A_2586 : i32 to vector<8x128xi32>
    %shift_right_arithmetic3A_2588 = arith.shrsi %mul3A_177, %shift_right_arithmetic3A_2587 : vector<8x128xi32>
    %and3A_2589 = arith.constant 16843009 : i32
    %and3A_2590 = vector.broadcast %and3A_2589 : i32 to vector<8x128xi32>
    %and3A_2591 = arith.andi %shift_right_arithmetic3A_2588, %and3A_2590 : vector<8x128xi32>
    %add3A_2592 = arith.addi %add3A_2585, %add3A_2585 : vector<8x128xi32>
    %add3A_2593 = arith.addi %add3A_2592, %and3A_2591 : vector<8x128xi32>
    %shift_right_arithmetic3A_2594 = arith.constant 7 : i32
    %shift_right_arithmetic3A_2595 = vector.broadcast %shift_right_arithmetic3A_2594 : i32 to vector<8x128xi32>
    %shift_right_arithmetic3A_2596 = arith.shrsi %reshape3A_208, %shift_right_arithmetic3A_2595 : vector<8x128xi32>
    %and3A_2597 = arith.constant 16843009 : i32
    %and3A_2598 = vector.broadcast %and3A_2597 : i32 to vector<8x128xi32>
    %and3A_2599 = arith.andi %shift_right_arithmetic3A_2596, %and3A_2598 : vector<8x128xi32>
    %shift_right_arithmetic3A_2600 = arith.constant 0 : i32
    %shift_right_arithmetic3A_2601 = vector.broadcast %shift_right_arithmetic3A_2600 : i32 to vector<8x128xi32>
    %shift_right_arithmetic3A_2602 = arith.shrsi %add3A_2593, %shift_right_arithmetic3A_2601 : vector<8x128xi32>
    %and3A_2603 = arith.constant 255 : i32
    %and3A_2604 = vector.broadcast %and3A_2603 : i32 to vector<8x128xi32>
    %and3A_2605 = arith.andi %shift_right_arithmetic3A_2602, %and3A_2604 : vector<8x128xi32>
    %shift_right_arithmetic3A_2606 = arith.constant 5 : i32
    %shift_right_arithmetic3A_2607 = vector.broadcast %shift_right_arithmetic3A_2606 : i32 to vector<8x128xi32>
    %shift_right_arithmetic3A_2608 = arith.shrsi %and3A_2605, %shift_right_arithmetic3A_2607 : vector<8x128xi32>
    %and3A_2609 = arith.constant 1 : i32
    %and3A_2610 = vector.broadcast %and3A_2609 : i32 to vector<8x128xi32>
    %and3A_2611 = arith.andi %shift_right_arithmetic3A_2608, %and3A_2610 : vector<8x128xi32>
    %shift_right_arithmetic3A_2612 = arith.constant 6 : i32
    %shift_right_arithmetic3A_2613 = vector.broadcast %shift_right_arithmetic3A_2612 : i32 to vector<8x128xi32>
    %shift_right_arithmetic3A_2614 = arith.shrsi %and3A_2605, %shift_right_arithmetic3A_2613 : vector<8x128xi32>
    %and3A_2615 = arith.constant 1 : i32
    %and3A_2616 = vector.broadcast %and3A_2615 : i32 to vector<8x128xi32>
    %and3A_2617 = arith.andi %shift_right_arithmetic3A_2614, %and3A_2616 : vector<8x128xi32>
    %shift_right_arithmetic3A_2618 = arith.constant 7 : i32
    %shift_right_arithmetic3A_2619 = vector.broadcast %shift_right_arithmetic3A_2618 : i32 to vector<8x128xi32>
    %shift_right_arithmetic3A_2620 = arith.shrsi %and3A_2605, %shift_right_arithmetic3A_2619 : vector<8x128xi32>
    %and3A_2621 = arith.constant 1 : i32
    %and3A_2622 = vector.broadcast %and3A_2621 : i32 to vector<8x128xi32>
    %and3A_2623 = arith.andi %shift_right_arithmetic3A_2620, %and3A_2622 : vector<8x128xi32>
    %eq3A_2624 = arith.constant 0 : i32
    %eq3A_2625 = vector.broadcast %eq3A_2624 : i32 to vector<8x128xi32>
    %eq3A_2626 = arith.cmpi eq, %and3A_2611, %eq3A_2625 : vector<8x128xi32>
    %select_n3A_2627 = arith.select %eq3A_2626, %add3A_73, %add3A_81 : vector<8x128xi1>, vector<8x128xi32>
    %eq3A_2628 = arith.constant 0 : i32
    %eq3A_2629 = vector.broadcast %eq3A_2628 : i32 to vector<8x128xi32>
    %eq3A_2630 = arith.cmpi eq, %and3A_2611, %eq3A_2629 : vector<8x128xi32>
    %select_n3A_2631 = arith.select %eq3A_2630, %add3A_89, %add3A_97 : vector<8x128xi1>, vector<8x128xi32>
    %eq3A_2632 = arith.constant 0 : i32
    %eq3A_2633 = vector.broadcast %eq3A_2632 : i32 to vector<8x128xi32>
    %eq3A_2634 = arith.cmpi eq, %and3A_2611, %eq3A_2633 : vector<8x128xi32>
    %select_n3A_2635 = arith.select %eq3A_2634, %add3A_105, %add3A_113 : vector<8x128xi1>, vector<8x128xi32>
    %eq3A_2636 = arith.constant 0 : i32
    %eq3A_2637 = vector.broadcast %eq3A_2636 : i32 to vector<8x128xi32>
    %eq3A_2638 = arith.cmpi eq, %and3A_2611, %eq3A_2637 : vector<8x128xi32>
    %select_n3A_2639 = arith.select %eq3A_2638, %add3A_121, %add3A_129 : vector<8x128xi1>, vector<8x128xi32>
    %eq3A_2640 = arith.constant 0 : i32
    %eq3A_2641 = vector.broadcast %eq3A_2640 : i32 to vector<8x128xi32>
    %eq3A_2642 = arith.cmpi eq, %and3A_2617, %eq3A_2641 : vector<8x128xi32>
    %select_n3A_2643 = arith.select %eq3A_2642, %select_n3A_2627, %select_n3A_2631 : vector<8x128xi1>, vector<8x128xi32>
    %eq3A_2644 = arith.constant 0 : i32
    %eq3A_2645 = vector.broadcast %eq3A_2644 : i32 to vector<8x128xi32>
    %eq3A_2646 = arith.cmpi eq, %and3A_2617, %eq3A_2645 : vector<8x128xi32>
    %select_n3A_2647 = arith.select %eq3A_2646, %select_n3A_2635, %select_n3A_2639 : vector<8x128xi1>, vector<8x128xi32>
    %eq3A_2648 = arith.constant 0 : i32
    %eq3A_2649 = vector.broadcast %eq3A_2648 : i32 to vector<8x128xi32>
    %eq3A_2650 = arith.cmpi eq, %and3A_2623, %eq3A_2649 : vector<8x128xi32>
    %select_n3A_2651 = arith.select %eq3A_2650, %select_n3A_2643, %select_n3A_2647 : vector<8x128xi1>, vector<8x128xi32>
    %and3A_2652 = arith.constant 31 : i32
    %and3A_2653 = vector.broadcast %and3A_2652 : i32 to vector<8x128xi32>
    %and3A_2654 = arith.andi %and3A_2605, %and3A_2653 : vector<8x128xi32>
    %shift_right_arithmetic3A_2655 = arith.shrsi %select_n3A_2651, %and3A_2654 : vector<8x128xi32>
    %and3A_2656 = arith.constant 1 : i32
    %and3A_2657 = vector.broadcast %and3A_2656 : i32 to vector<8x128xi32>
    %and3A_2658 = arith.andi %shift_right_arithmetic3A_2655, %and3A_2657 : vector<8x128xi32>
    %shift_right_arithmetic3A_2659 = arith.constant 0 : i32
    %shift_right_arithmetic3A_2660 = vector.broadcast %shift_right_arithmetic3A_2659 : i32 to vector<8x128xi32>
    %shift_right_arithmetic3A_2661 = arith.shrsi %and3A_2599, %shift_right_arithmetic3A_2660 : vector<8x128xi32>
    %and3A_2662 = arith.constant 1 : i32
    %and3A_2663 = vector.broadcast %and3A_2662 : i32 to vector<8x128xi32>
    %and3A_2664 = arith.andi %shift_right_arithmetic3A_2661, %and3A_2663 : vector<8x128xi32>
    %select_n3A_2665 = arith.select %eq3A_203, %and3A_2664, %and3A_2658 : vector<8x128xi1>, vector<8x128xi32>
    %shift_right_arithmetic3A_2666 = arith.constant 8 : i32
    %shift_right_arithmetic3A_2667 = vector.broadcast %shift_right_arithmetic3A_2666 : i32 to vector<8x128xi32>
    %shift_right_arithmetic3A_2668 = arith.shrsi %add3A_2593, %shift_right_arithmetic3A_2667 : vector<8x128xi32>
    %and3A_2669 = arith.constant 255 : i32
    %and3A_2670 = vector.broadcast %and3A_2669 : i32 to vector<8x128xi32>
    %and3A_2671 = arith.andi %shift_right_arithmetic3A_2668, %and3A_2670 : vector<8x128xi32>
    %shift_right_arithmetic3A_2672 = arith.constant 5 : i32
    %shift_right_arithmetic3A_2673 = vector.broadcast %shift_right_arithmetic3A_2672 : i32 to vector<8x128xi32>
    %shift_right_arithmetic3A_2674 = arith.shrsi %and3A_2671, %shift_right_arithmetic3A_2673 : vector<8x128xi32>
    %and3A_2675 = arith.constant 1 : i32
    %and3A_2676 = vector.broadcast %and3A_2675 : i32 to vector<8x128xi32>
    %and3A_2677 = arith.andi %shift_right_arithmetic3A_2674, %and3A_2676 : vector<8x128xi32>
    %shift_right_arithmetic3A_2678 = arith.constant 6 : i32
    %shift_right_arithmetic3A_2679 = vector.broadcast %shift_right_arithmetic3A_2678 : i32 to vector<8x128xi32>
    %shift_right_arithmetic3A_2680 = arith.shrsi %and3A_2671, %shift_right_arithmetic3A_2679 : vector<8x128xi32>
    %and3A_2681 = arith.constant 1 : i32
    %and3A_2682 = vector.broadcast %and3A_2681 : i32 to vector<8x128xi32>
    %and3A_2683 = arith.andi %shift_right_arithmetic3A_2680, %and3A_2682 : vector<8x128xi32>
    %shift_right_arithmetic3A_2684 = arith.constant 7 : i32
    %shift_right_arithmetic3A_2685 = vector.broadcast %shift_right_arithmetic3A_2684 : i32 to vector<8x128xi32>
    %shift_right_arithmetic3A_2686 = arith.shrsi %and3A_2671, %shift_right_arithmetic3A_2685 : vector<8x128xi32>
    %and3A_2687 = arith.constant 1 : i32
    %and3A_2688 = vector.broadcast %and3A_2687 : i32 to vector<8x128xi32>
    %and3A_2689 = arith.andi %shift_right_arithmetic3A_2686, %and3A_2688 : vector<8x128xi32>
    %eq3A_2690 = arith.constant 0 : i32
    %eq3A_2691 = vector.broadcast %eq3A_2690 : i32 to vector<8x128xi32>
    %eq3A_2692 = arith.cmpi eq, %and3A_2677, %eq3A_2691 : vector<8x128xi32>
    %select_n3A_2693 = arith.select %eq3A_2692, %add3A_73, %add3A_81 : vector<8x128xi1>, vector<8x128xi32>
    %eq3A_2694 = arith.constant 0 : i32
    %eq3A_2695 = vector.broadcast %eq3A_2694 : i32 to vector<8x128xi32>
    %eq3A_2696 = arith.cmpi eq, %and3A_2677, %eq3A_2695 : vector<8x128xi32>
    %select_n3A_2697 = arith.select %eq3A_2696, %add3A_89, %add3A_97 : vector<8x128xi1>, vector<8x128xi32>
    %eq3A_2698 = arith.constant 0 : i32
    %eq3A_2699 = vector.broadcast %eq3A_2698 : i32 to vector<8x128xi32>
    %eq3A_2700 = arith.cmpi eq, %and3A_2677, %eq3A_2699 : vector<8x128xi32>
    %select_n3A_2701 = arith.select %eq3A_2700, %add3A_105, %add3A_113 : vector<8x128xi1>, vector<8x128xi32>
    %eq3A_2702 = arith.constant 0 : i32
    %eq3A_2703 = vector.broadcast %eq3A_2702 : i32 to vector<8x128xi32>
    %eq3A_2704 = arith.cmpi eq, %and3A_2677, %eq3A_2703 : vector<8x128xi32>
    %select_n3A_2705 = arith.select %eq3A_2704, %add3A_121, %add3A_129 : vector<8x128xi1>, vector<8x128xi32>
    %eq3A_2706 = arith.constant 0 : i32
    %eq3A_2707 = vector.broadcast %eq3A_2706 : i32 to vector<8x128xi32>
    %eq3A_2708 = arith.cmpi eq, %and3A_2683, %eq3A_2707 : vector<8x128xi32>
    %select_n3A_2709 = arith.select %eq3A_2708, %select_n3A_2693, %select_n3A_2697 : vector<8x128xi1>, vector<8x128xi32>
    %eq3A_2710 = arith.constant 0 : i32
    %eq3A_2711 = vector.broadcast %eq3A_2710 : i32 to vector<8x128xi32>
    %eq3A_2712 = arith.cmpi eq, %and3A_2683, %eq3A_2711 : vector<8x128xi32>
    %select_n3A_2713 = arith.select %eq3A_2712, %select_n3A_2701, %select_n3A_2705 : vector<8x128xi1>, vector<8x128xi32>
    %eq3A_2714 = arith.constant 0 : i32
    %eq3A_2715 = vector.broadcast %eq3A_2714 : i32 to vector<8x128xi32>
    %eq3A_2716 = arith.cmpi eq, %and3A_2689, %eq3A_2715 : vector<8x128xi32>
    %select_n3A_2717 = arith.select %eq3A_2716, %select_n3A_2709, %select_n3A_2713 : vector<8x128xi1>, vector<8x128xi32>
    %and3A_2718 = arith.constant 31 : i32
    %and3A_2719 = vector.broadcast %and3A_2718 : i32 to vector<8x128xi32>
    %and3A_2720 = arith.andi %and3A_2671, %and3A_2719 : vector<8x128xi32>
    %shift_right_arithmetic3A_2721 = arith.shrsi %select_n3A_2717, %and3A_2720 : vector<8x128xi32>
    %and3A_2722 = arith.constant 1 : i32
    %and3A_2723 = vector.broadcast %and3A_2722 : i32 to vector<8x128xi32>
    %and3A_2724 = arith.andi %shift_right_arithmetic3A_2721, %and3A_2723 : vector<8x128xi32>
    %shift_right_arithmetic3A_2725 = arith.constant 8 : i32
    %shift_right_arithmetic3A_2726 = vector.broadcast %shift_right_arithmetic3A_2725 : i32 to vector<8x128xi32>
    %shift_right_arithmetic3A_2727 = arith.shrsi %and3A_2599, %shift_right_arithmetic3A_2726 : vector<8x128xi32>
    %and3A_2728 = arith.constant 1 : i32
    %and3A_2729 = vector.broadcast %and3A_2728 : i32 to vector<8x128xi32>
    %and3A_2730 = arith.andi %shift_right_arithmetic3A_2727, %and3A_2729 : vector<8x128xi32>
    %select_n3A_2731 = arith.select %eq3A_203, %and3A_2730, %and3A_2724 : vector<8x128xi1>, vector<8x128xi32>
    %shift_right_arithmetic3A_2732 = arith.constant 16 : i32
    %shift_right_arithmetic3A_2733 = vector.broadcast %shift_right_arithmetic3A_2732 : i32 to vector<8x128xi32>
    %shift_right_arithmetic3A_2734 = arith.shrsi %add3A_2593, %shift_right_arithmetic3A_2733 : vector<8x128xi32>
    %and3A_2735 = arith.constant 255 : i32
    %and3A_2736 = vector.broadcast %and3A_2735 : i32 to vector<8x128xi32>
    %and3A_2737 = arith.andi %shift_right_arithmetic3A_2734, %and3A_2736 : vector<8x128xi32>
    %shift_right_arithmetic3A_2738 = arith.constant 5 : i32
    %shift_right_arithmetic3A_2739 = vector.broadcast %shift_right_arithmetic3A_2738 : i32 to vector<8x128xi32>
    %shift_right_arithmetic3A_2740 = arith.shrsi %and3A_2737, %shift_right_arithmetic3A_2739 : vector<8x128xi32>
    %and3A_2741 = arith.constant 1 : i32
    %and3A_2742 = vector.broadcast %and3A_2741 : i32 to vector<8x128xi32>
    %and3A_2743 = arith.andi %shift_right_arithmetic3A_2740, %and3A_2742 : vector<8x128xi32>
    %shift_right_arithmetic3A_2744 = arith.constant 6 : i32
    %shift_right_arithmetic3A_2745 = vector.broadcast %shift_right_arithmetic3A_2744 : i32 to vector<8x128xi32>
    %shift_right_arithmetic3A_2746 = arith.shrsi %and3A_2737, %shift_right_arithmetic3A_2745 : vector<8x128xi32>
    %and3A_2747 = arith.constant 1 : i32
    %and3A_2748 = vector.broadcast %and3A_2747 : i32 to vector<8x128xi32>
    %and3A_2749 = arith.andi %shift_right_arithmetic3A_2746, %and3A_2748 : vector<8x128xi32>
    %shift_right_arithmetic3A_2750 = arith.constant 7 : i32
    %shift_right_arithmetic3A_2751 = vector.broadcast %shift_right_arithmetic3A_2750 : i32 to vector<8x128xi32>
    %shift_right_arithmetic3A_2752 = arith.shrsi %and3A_2737, %shift_right_arithmetic3A_2751 : vector<8x128xi32>
    %and3A_2753 = arith.constant 1 : i32
    %and3A_2754 = vector.broadcast %and3A_2753 : i32 to vector<8x128xi32>
    %and3A_2755 = arith.andi %shift_right_arithmetic3A_2752, %and3A_2754 : vector<8x128xi32>
    %eq3A_2756 = arith.constant 0 : i32
    %eq3A_2757 = vector.broadcast %eq3A_2756 : i32 to vector<8x128xi32>
    %eq3A_2758 = arith.cmpi eq, %and3A_2743, %eq3A_2757 : vector<8x128xi32>
    %select_n3A_2759 = arith.select %eq3A_2758, %add3A_73, %add3A_81 : vector<8x128xi1>, vector<8x128xi32>
    %eq3A_2760 = arith.constant 0 : i32
    %eq3A_2761 = vector.broadcast %eq3A_2760 : i32 to vector<8x128xi32>
    %eq3A_2762 = arith.cmpi eq, %and3A_2743, %eq3A_2761 : vector<8x128xi32>
    %select_n3A_2763 = arith.select %eq3A_2762, %add3A_89, %add3A_97 : vector<8x128xi1>, vector<8x128xi32>
    %eq3A_2764 = arith.constant 0 : i32
    %eq3A_2765 = vector.broadcast %eq3A_2764 : i32 to vector<8x128xi32>
    %eq3A_2766 = arith.cmpi eq, %and3A_2743, %eq3A_2765 : vector<8x128xi32>
    %select_n3A_2767 = arith.select %eq3A_2766, %add3A_105, %add3A_113 : vector<8x128xi1>, vector<8x128xi32>
    %eq3A_2768 = arith.constant 0 : i32
    %eq3A_2769 = vector.broadcast %eq3A_2768 : i32 to vector<8x128xi32>
    %eq3A_2770 = arith.cmpi eq, %and3A_2743, %eq3A_2769 : vector<8x128xi32>
    %select_n3A_2771 = arith.select %eq3A_2770, %add3A_121, %add3A_129 : vector<8x128xi1>, vector<8x128xi32>
    %eq3A_2772 = arith.constant 0 : i32
    %eq3A_2773 = vector.broadcast %eq3A_2772 : i32 to vector<8x128xi32>
    %eq3A_2774 = arith.cmpi eq, %and3A_2749, %eq3A_2773 : vector<8x128xi32>
    %select_n3A_2775 = arith.select %eq3A_2774, %select_n3A_2759, %select_n3A_2763 : vector<8x128xi1>, vector<8x128xi32>
    %eq3A_2776 = arith.constant 0 : i32
    %eq3A_2777 = vector.broadcast %eq3A_2776 : i32 to vector<8x128xi32>
    %eq3A_2778 = arith.cmpi eq, %and3A_2749, %eq3A_2777 : vector<8x128xi32>
    %select_n3A_2779 = arith.select %eq3A_2778, %select_n3A_2767, %select_n3A_2771 : vector<8x128xi1>, vector<8x128xi32>
    %eq3A_2780 = arith.constant 0 : i32
    %eq3A_2781 = vector.broadcast %eq3A_2780 : i32 to vector<8x128xi32>
    %eq3A_2782 = arith.cmpi eq, %and3A_2755, %eq3A_2781 : vector<8x128xi32>
    %select_n3A_2783 = arith.select %eq3A_2782, %select_n3A_2775, %select_n3A_2779 : vector<8x128xi1>, vector<8x128xi32>
    %and3A_2784 = arith.constant 31 : i32
    %and3A_2785 = vector.broadcast %and3A_2784 : i32 to vector<8x128xi32>
    %and3A_2786 = arith.andi %and3A_2737, %and3A_2785 : vector<8x128xi32>
    %shift_right_arithmetic3A_2787 = arith.shrsi %select_n3A_2783, %and3A_2786 : vector<8x128xi32>
    %and3A_2788 = arith.constant 1 : i32
    %and3A_2789 = vector.broadcast %and3A_2788 : i32 to vector<8x128xi32>
    %and3A_2790 = arith.andi %shift_right_arithmetic3A_2787, %and3A_2789 : vector<8x128xi32>
    %shift_right_arithmetic3A_2791 = arith.constant 16 : i32
    %shift_right_arithmetic3A_2792 = vector.broadcast %shift_right_arithmetic3A_2791 : i32 to vector<8x128xi32>
    %shift_right_arithmetic3A_2793 = arith.shrsi %and3A_2599, %shift_right_arithmetic3A_2792 : vector<8x128xi32>
    %and3A_2794 = arith.constant 1 : i32
    %and3A_2795 = vector.broadcast %and3A_2794 : i32 to vector<8x128xi32>
    %and3A_2796 = arith.andi %shift_right_arithmetic3A_2793, %and3A_2795 : vector<8x128xi32>
    %select_n3A_2797 = arith.select %eq3A_203, %and3A_2796, %and3A_2790 : vector<8x128xi1>, vector<8x128xi32>
    %shift_right_arithmetic3A_2798 = arith.constant 24 : i32
    %shift_right_arithmetic3A_2799 = vector.broadcast %shift_right_arithmetic3A_2798 : i32 to vector<8x128xi32>
    %shift_right_arithmetic3A_2800 = arith.shrsi %add3A_2593, %shift_right_arithmetic3A_2799 : vector<8x128xi32>
    %and3A_2801 = arith.constant 255 : i32
    %and3A_2802 = vector.broadcast %and3A_2801 : i32 to vector<8x128xi32>
    %and3A_2803 = arith.andi %shift_right_arithmetic3A_2800, %and3A_2802 : vector<8x128xi32>
    %shift_right_arithmetic3A_2804 = arith.constant 5 : i32
    %shift_right_arithmetic3A_2805 = vector.broadcast %shift_right_arithmetic3A_2804 : i32 to vector<8x128xi32>
    %shift_right_arithmetic3A_2806 = arith.shrsi %and3A_2803, %shift_right_arithmetic3A_2805 : vector<8x128xi32>
    %and3A_2807 = arith.constant 1 : i32
    %and3A_2808 = vector.broadcast %and3A_2807 : i32 to vector<8x128xi32>
    %and3A_2809 = arith.andi %shift_right_arithmetic3A_2806, %and3A_2808 : vector<8x128xi32>
    %shift_right_arithmetic3A_2810 = arith.constant 6 : i32
    %shift_right_arithmetic3A_2811 = vector.broadcast %shift_right_arithmetic3A_2810 : i32 to vector<8x128xi32>
    %shift_right_arithmetic3A_2812 = arith.shrsi %and3A_2803, %shift_right_arithmetic3A_2811 : vector<8x128xi32>
    %and3A_2813 = arith.constant 1 : i32
    %and3A_2814 = vector.broadcast %and3A_2813 : i32 to vector<8x128xi32>
    %and3A_2815 = arith.andi %shift_right_arithmetic3A_2812, %and3A_2814 : vector<8x128xi32>
    %shift_right_arithmetic3A_2816 = arith.constant 7 : i32
    %shift_right_arithmetic3A_2817 = vector.broadcast %shift_right_arithmetic3A_2816 : i32 to vector<8x128xi32>
    %shift_right_arithmetic3A_2818 = arith.shrsi %and3A_2803, %shift_right_arithmetic3A_2817 : vector<8x128xi32>
    %and3A_2819 = arith.constant 1 : i32
    %and3A_2820 = vector.broadcast %and3A_2819 : i32 to vector<8x128xi32>
    %and3A_2821 = arith.andi %shift_right_arithmetic3A_2818, %and3A_2820 : vector<8x128xi32>
    %eq3A_2822 = arith.constant 0 : i32
    %eq3A_2823 = vector.broadcast %eq3A_2822 : i32 to vector<8x128xi32>
    %eq3A_2824 = arith.cmpi eq, %and3A_2809, %eq3A_2823 : vector<8x128xi32>
    %select_n3A_2825 = arith.select %eq3A_2824, %add3A_73, %add3A_81 : vector<8x128xi1>, vector<8x128xi32>
    %eq3A_2826 = arith.constant 0 : i32
    %eq3A_2827 = vector.broadcast %eq3A_2826 : i32 to vector<8x128xi32>
    %eq3A_2828 = arith.cmpi eq, %and3A_2809, %eq3A_2827 : vector<8x128xi32>
    %select_n3A_2829 = arith.select %eq3A_2828, %add3A_89, %add3A_97 : vector<8x128xi1>, vector<8x128xi32>
    %eq3A_2830 = arith.constant 0 : i32
    %eq3A_2831 = vector.broadcast %eq3A_2830 : i32 to vector<8x128xi32>
    %eq3A_2832 = arith.cmpi eq, %and3A_2809, %eq3A_2831 : vector<8x128xi32>
    %select_n3A_2833 = arith.select %eq3A_2832, %add3A_105, %add3A_113 : vector<8x128xi1>, vector<8x128xi32>
    %eq3A_2834 = arith.constant 0 : i32
    %eq3A_2835 = vector.broadcast %eq3A_2834 : i32 to vector<8x128xi32>
    %eq3A_2836 = arith.cmpi eq, %and3A_2809, %eq3A_2835 : vector<8x128xi32>
    %select_n3A_2837 = arith.select %eq3A_2836, %add3A_121, %add3A_129 : vector<8x128xi1>, vector<8x128xi32>
    %eq3A_2838 = arith.constant 0 : i32
    %eq3A_2839 = vector.broadcast %eq3A_2838 : i32 to vector<8x128xi32>
    %eq3A_2840 = arith.cmpi eq, %and3A_2815, %eq3A_2839 : vector<8x128xi32>
    %select_n3A_2841 = arith.select %eq3A_2840, %select_n3A_2825, %select_n3A_2829 : vector<8x128xi1>, vector<8x128xi32>
    %eq3A_2842 = arith.constant 0 : i32
    %eq3A_2843 = vector.broadcast %eq3A_2842 : i32 to vector<8x128xi32>
    %eq3A_2844 = arith.cmpi eq, %and3A_2815, %eq3A_2843 : vector<8x128xi32>
    %select_n3A_2845 = arith.select %eq3A_2844, %select_n3A_2833, %select_n3A_2837 : vector<8x128xi1>, vector<8x128xi32>
    %eq3A_2846 = arith.constant 0 : i32
    %eq3A_2847 = vector.broadcast %eq3A_2846 : i32 to vector<8x128xi32>
    %eq3A_2848 = arith.cmpi eq, %and3A_2821, %eq3A_2847 : vector<8x128xi32>
    %select_n3A_2849 = arith.select %eq3A_2848, %select_n3A_2841, %select_n3A_2845 : vector<8x128xi1>, vector<8x128xi32>
    %and3A_2850 = arith.constant 31 : i32
    %and3A_2851 = vector.broadcast %and3A_2850 : i32 to vector<8x128xi32>
    %and3A_2852 = arith.andi %and3A_2803, %and3A_2851 : vector<8x128xi32>
    %shift_right_arithmetic3A_2853 = arith.shrsi %select_n3A_2849, %and3A_2852 : vector<8x128xi32>
    %and3A_2854 = arith.constant 1 : i32
    %and3A_2855 = vector.broadcast %and3A_2854 : i32 to vector<8x128xi32>
    %and3A_2856 = arith.andi %shift_right_arithmetic3A_2853, %and3A_2855 : vector<8x128xi32>
    %shift_right_arithmetic3A_2857 = arith.constant 24 : i32
    %shift_right_arithmetic3A_2858 = vector.broadcast %shift_right_arithmetic3A_2857 : i32 to vector<8x128xi32>
    %shift_right_arithmetic3A_2859 = arith.shrsi %and3A_2599, %shift_right_arithmetic3A_2858 : vector<8x128xi32>
    %and3A_2860 = arith.constant 1 : i32
    %and3A_2861 = vector.broadcast %and3A_2860 : i32 to vector<8x128xi32>
    %and3A_2862 = arith.andi %shift_right_arithmetic3A_2859, %and3A_2861 : vector<8x128xi32>
    %select_n3A_2863 = arith.select %eq3A_203, %and3A_2862, %and3A_2856 : vector<8x128xi1>, vector<8x128xi32>
    %stack3A = vector.shape_cast %select_n3A_341 : vector<8x128xi32> to vector<1x8x128xi32>
    %stack3A_2864 = vector.shape_cast %select_n3A_673 : vector<8x128xi32> to vector<1x8x128xi32>
    %stack3A_2865 = vector.shape_cast %select_n3A_1005 : vector<8x128xi32> to vector<1x8x128xi32>
    %stack3A_2866 = vector.shape_cast %select_n3A_1337 : vector<8x128xi32> to vector<1x8x128xi32>
    %stack3A_2867 = vector.shape_cast %select_n3A_1669 : vector<8x128xi32> to vector<1x8x128xi32>
    %stack3A_2868 = vector.shape_cast %select_n3A_2001 : vector<8x128xi32> to vector<1x8x128xi32>
    %stack3A_2869 = vector.shape_cast %select_n3A_2333 : vector<8x128xi32> to vector<1x8x128xi32>
    %stack3A_2870 = vector.shape_cast %select_n3A_2665 : vector<8x128xi32> to vector<1x8x128xi32>
    %stack3A_2871 = vector.shape_cast %select_n3A_407 : vector<8x128xi32> to vector<1x8x128xi32>
    %stack3A_2872 = vector.shape_cast %select_n3A_739 : vector<8x128xi32> to vector<1x8x128xi32>
    %stack3A_2873 = vector.shape_cast %select_n3A_1071 : vector<8x128xi32> to vector<1x8x128xi32>
    %stack3A_2874 = vector.shape_cast %select_n3A_1403 : vector<8x128xi32> to vector<1x8x128xi32>
    %stack3A_2875 = vector.shape_cast %select_n3A_1735 : vector<8x128xi32> to vector<1x8x128xi32>
    %stack3A_2876 = vector.shape_cast %select_n3A_2067 : vector<8x128xi32> to vector<1x8x128xi32>
    %stack3A_2877 = vector.shape_cast %select_n3A_2399 : vector<8x128xi32> to vector<1x8x128xi32>
    %stack3A_2878 = vector.shape_cast %select_n3A_2731 : vector<8x128xi32> to vector<1x8x128xi32>
    %stack3A_2879 = vector.shape_cast %select_n3A_473 : vector<8x128xi32> to vector<1x8x128xi32>
    %stack3A_2880 = vector.shape_cast %select_n3A_805 : vector<8x128xi32> to vector<1x8x128xi32>
    %stack3A_2881 = vector.shape_cast %select_n3A_1137 : vector<8x128xi32> to vector<1x8x128xi32>
    %stack3A_2882 = vector.shape_cast %select_n3A_1469 : vector<8x128xi32> to vector<1x8x128xi32>
    %stack3A_2883 = vector.shape_cast %select_n3A_1801 : vector<8x128xi32> to vector<1x8x128xi32>
    %stack3A_2884 = vector.shape_cast %select_n3A_2133 : vector<8x128xi32> to vector<1x8x128xi32>
    %stack3A_2885 = vector.shape_cast %select_n3A_2465 : vector<8x128xi32> to vector<1x8x128xi32>
    %stack3A_2886 = vector.shape_cast %select_n3A_2797 : vector<8x128xi32> to vector<1x8x128xi32>
    %stack3A_2887 = vector.shape_cast %select_n3A_539 : vector<8x128xi32> to vector<1x8x128xi32>
    %stack3A_2888 = vector.shape_cast %select_n3A_871 : vector<8x128xi32> to vector<1x8x128xi32>
    %stack3A_2889 = vector.shape_cast %select_n3A_1203 : vector<8x128xi32> to vector<1x8x128xi32>
    %stack3A_2890 = vector.shape_cast %select_n3A_1535 : vector<8x128xi32> to vector<1x8x128xi32>
    %stack3A_2891 = vector.shape_cast %select_n3A_1867 : vector<8x128xi32> to vector<1x8x128xi32>
    %stack3A_2892 = vector.shape_cast %select_n3A_2199 : vector<8x128xi32> to vector<1x8x128xi32>
    %stack3A_2893 = vector.shape_cast %select_n3A_2531 : vector<8x128xi32> to vector<1x8x128xi32>
    %stack3A_2894 = vector.shape_cast %select_n3A_2863 : vector<8x128xi32> to vector<1x8x128xi32>
    %stack3A_2895 = tpu.concatenate %stack3A, %stack3A_2864, %stack3A_2865, %stack3A_2866, %stack3A_2867, %stack3A_2868, %stack3A_2869, %stack3A_2870, %stack3A_2871, %stack3A_2872, %stack3A_2873, %stack3A_2874, %stack3A_2875, %stack3A_2876, %stack3A_2877, %stack3A_2878, %stack3A_2879, %stack3A_2880, %stack3A_2881, %stack3A_2882, %stack3A_2883, %stack3A_2884, %stack3A_2885, %stack3A_2886, %stack3A_2887, %stack3A_2888, %stack3A_2889, %stack3A_2890, %stack3A_2891, %stack3A_2892, %stack3A_2893, %stack3A_2894 in 0 : vector<1x8x128xi32>, vector<1x8x128xi32>, vector<1x8x128xi32>, vector<1x8x128xi32>, vector<1x8x128xi32>, vector<1x8x128xi32>, vector<1x8x128xi32>, vector<1x8x128xi32>, vector<1x8x128xi32>, vector<1x8x128xi32>, vector<1x8x128xi32>, vector<1x8x128xi32>, vector<1x8x128xi32>, vector<1x8x128xi32>, vector<1x8x128xi32>, vector<1x8x128xi32>, vector<1x8x128xi32>, vector<1x8x128xi32>, vector<1x8x128xi32>, vector<1x8x128xi32>, vector<1x8x128xi32>, vector<1x8x128xi32>, vector<1x8x128xi32>, vector<1x8x128xi32>, vector<1x8x128xi32>, vector<1x8x128xi32>, vector<1x8x128xi32>, vector<1x8x128xi32>, vector<1x8x128xi32>, vector<1x8x128xi32>, vector<1x8x128xi32>, vector<1x8x128xi32> -> vector<32x8x128xi32>
    %reshape3A_2896 = vector.shape_cast %stack3A_2895 : vector<32x8x128xi32> to vector<32x1024xi32>
    %convert_element_type3A_2897 = arith.sitofp %reshape3A_2896 : vector<32x1024xi32> to vector<32x1024xf32>
    %dot_general3A_2898 = arith.constant dense<0.000000e+00> : vector<32x128xf32>
    %dot_general3A_2899 = tpu.matmul %convert_element_type3A_2897, %select_n3A, %dot_general3A_2898 {dimension_numbers = #tpu.dot_dimension_numbers<[1], [0], [0], [1], [0, 0, 1, 1], [], []>, transpose_lhs_hint = false} : vector<32x1024xf32>, vector<1024x128xf32>, vector<32x128xf32> -> vector<32x128xf32>
    %eq3A_2900 = arith.constant 0 : i32
    %eq3A_2901 = arith.cmpi eq, %arg0, %eq3A_2900 : i32
    %convert_element_type3A_2902 = arith.extui %eq3A_2901 : i1 to i32
    %cond3A = arith.constant 0 : i32
    %cond3A_2903 = arith.cmpi ne, %convert_element_type3A_2902, %cond3A : i32
    scf.if %cond3A_2903 {
      %swap3A = arith.constant 0 : index
      %swap3A_2913 = arith.constant 0 : index
      %swap3A_2914 = vector.load %arg7[%swap3A, %swap3A_2913] : memref<32x128xf32, #tpu.memory_space<vmem>>, vector<32x128xf32>
      tpu.vector_store %arg7[%swap3A, %swap3A_2913], %dot_general3A_2899 {strides = array<i32>} : memref<32x128xf32, #tpu.memory_space<vmem>>, vector<32x128xf32>,
    } else {
    }
    %gt3A = arith.constant 0 : i32
    %gt3A_2904 = arith.cmpi sgt, %arg0, %gt3A : i32
    %convert_element_type3A_2905 = arith.extui %gt3A_2904 : i1 to i32
    %cond3A_2906 = arith.constant 0 : i32
    %cond3A_2907 = arith.cmpi ne, %convert_element_type3A_2905, %cond3A_2906 : i32
    scf.if %cond3A_2907 {
      %get3A_2913 = arith.constant 0 : index
      %get3A_2914 = arith.constant 0 : index
      %get3A_2915 = vector.load %arg7[%get3A_2913, %get3A_2914] : memref<32x128xf32, #tpu.memory_space<vmem>>, vector<32x128xf32>
      %add3A_2916 = arith.addf %get3A_2915, %dot_general3A_2899 : vector<32x128xf32>
      %swap3A = arith.constant 0 : index
      %swap3A_2917 = arith.constant 0 : index
      %swap3A_2918 = vector.load %arg7[%swap3A, %swap3A_2917] : memref<32x128xf32, #tpu.memory_space<vmem>>, vector<32x128xf32>
      tpu.vector_store %arg7[%swap3A, %swap3A_2917], %add3A_2916 {strides = array<i32>} : memref<32x128xf32, #tpu.memory_space<vmem>>, vector<32x128xf32>,
    } else {
    }
    %eq3A_2908 = arith.constant 96 : i32
    %eq3A_2909 = arith.cmpi eq, %arg0, %eq3A_2908 : i32
    %convert_element_type3A_2910 = arith.extui %eq3A_2909 : i1 to i32
    %cond3A_2911 = arith.constant 0 : i32
    %cond3A_2912 = arith.cmpi ne, %convert_element_type3A_2910, %cond3A_2911 : i32
    scf.if %cond3A_2912 {
      %get3A_2913 = arith.constant 0 : index
      %get3A_2914 = arith.constant 0 : index
      %get3A_2915 = vector.load %arg7[%get3A_2913, %get3A_2914] : memref<32x128xf32, #tpu.memory_space<vmem>>, vector<32x128xf32>
      %get3A_2916 = arith.constant 0 : index
      %get3A_2917 = arith.constant 0 : index
      %get3A_2918 = vector.load %arg6[%get3A_2916, %get3A_2917] : memref<1x128xf32, #tpu.memory_space<vmem>>, vector<1x128xf32>
      %add3A_2919 = vector.broadcast %get3A_2918 : vector<1x128xf32> to vector<32x128xf32>
      %add3A_2920 = arith.addf %get3A_2915, %add3A_2919 : vector<32x128xf32>
      %logistic3A = arith.negf %add3A_2920 : vector<32x128xf32>
      %logistic3A_2921 = math.exp %logistic3A : vector<32x128xf32>
      %logistic3A_2922 = arith.constant 1.000000e+00 : f32
      %logistic3A_2923 = vector.broadcast %logistic3A_2922 : f32 to vector<32x128xf32>
      %logistic3A_2924 = arith.addf %logistic3A_2923, %logistic3A_2921 : vector<32x128xf32>
      %logistic3A_2925 = arith.divf %logistic3A_2923, %logistic3A_2924 : vector<32x128xf32>
      %swap3A = arith.constant 0 : index
      %swap3A_2926 = arith.constant 0 : index
      %swap3A_2927 = vector.load %arg7[%swap3A, %swap3A_2926] : memref<32x128xf32, #tpu.memory_space<vmem>>, vector<32x128xf32>
      tpu.vector_store %arg7[%swap3A, %swap3A_2926], %logistic3A_2925 {strides = array<i32>} : memref<32x128xf32, #tpu.memory_space<vmem>>, vector<32x128xf32>,
    } else {
    }
    return
  }
  func.func @transform_0(%arg0: i32) -> (i32, i32) {
    %add3A = arith.constant 1 : i32
    %add3A_0 = arith.addi %arg0, %add3A : i32
    %c0_i32 = arith.constant 0 : i32
    %c0_i32_1 = arith.constant 0 : i32
    return %add3A_0, %c0_i32 : i32, i32
  }
  func.func @transform_1(%arg0: i32) -> (i32, i32) {
    %c0_i32 = arith.constant 0 : i32
    %c0_i32_0 = arith.constant 0 : i32
    return %c0_i32, %arg0 : i32, i32
  }
  func.func @transform_2(%arg0: i32) -> (i32, i32) {
    %c0_i32 = arith.constant 0 : i32
    %c0_i32_0 = arith.constant 0 : i32
    return %c0_i32, %arg0 : i32, i32
  }
  func.func @transform_3(%arg0: i32) -> (i32, i32, i32) {
    %c0_i32 = arith.constant 0 : i32
    %c0_i32_0 = arith.constant 0 : i32
    %c0_i32_1 = arith.constant 0 : i32
    return %arg0, %c0_i32, %c0_i32_0 : i32, i32, i32
  }
  func.func @transform_4(%arg0: i32) -> (i32, i32) {
    %c0_i32 = arith.constant 0 : i32
    %c0_i32_0 = arith.constant 0 : i32
    return %arg0, %c0_i32 : i32, i32
  }
  func.func @transform_5(%arg0: i32) -> (i32, i32) {
    %c0_i32 = arith.constant 0 : i32
    %c0_i32_0 = arith.constant 0 : i32
    %c0_i32_1 = arith.constant 0 : i32
    return %c0_i32, %c0_i32_0 : i32, i32
  }
  func.func @transform_6(%arg0: i32) -> (i32, i32) {
    %c0_i32 = arith.constant 0 : i32
    %c0_i32_0 = arith.constant 0 : i32
    %c0_i32_1 = arith.constant 0 : i32
    return %c0_i32, %c0_i32_0 : i32, i32
  }
}

</mosaic_0001>

<sc_bundles>
// kernel: kernel.5.cloned.1.call-start
scs
__scs_entry_jumppad:
0x0: {  	(pc) =	sbr.rel $0x88, $3  }
0x1: {  	(tag) =	ssettag $0x0;
	lr =	simm.s32 $0x1  }
0x2: {  	[smem:$0x3F9B] =	sst lr;
	_ =	strace $0xD0000000  }
0x3: {  	_ = 	snop  }
0x4: {  	_ = 	snop  }
0x5: {  	_ = 	snop  }
0x6: {  	_ = 	snop  }
0x7: {  	_ = 	snop  }
__scs_overlays_trampoline_lowered:
0x8: {  	[smem:$0x3FAA] =	sst s0  }
0x9: {  	[smem:$0x3FAB] =	sst s1  }
0xa: {  	[smem:$0x3FAC] =	sst s2  }
0xb: {  	[smem:$0x3FAD] =	sst s3  }
0xc: {  	[smem:$0x3FAE] =	sst s4  }
0xd: {  	[smem:$0x3FAF] =	sst s5  }
0xe: {  	[smem:$0x3FB0] =	sst s6  }
0xf: {  	[smem:$0x3FB1] =	sst s7  }
0x10: {  	[smem:$0x3FB2] =	sst s8  }
0x11: {  	[smem:$0x3FB3] =	sst s9;
	s0 =	simm.s32 @!p0 $0x0  }
0x12: {  	s1 =	sld [smem:$0x3F99];
	s0 =	simm.s32 @p0 $0x1  }
0x13: {  	[smem:$0x3FB4] =	sst s0;
	s0 =	simm.s32 @!p1 $0x0  }
0x14: {  	s2 =	sld [smem:$0x3F98];
	s0 =	simm.s32 @p1 $0x1  }
0x15: {  	[smem:$0x3FB5] =	sst s0;
	s0 =	simm.s32 @!p2 $0x0  }
0x16: {  	s3 =	sld [smem:$0x3FDB];
	s0 =	simm.s32 @p2 $0x1  }
0x17: {  	s4 =	simm.s32 $0x1BF5;
	[smem:$0x3FB7] =	sst s0  }
0x18: {  	s0 =	sld [smem:$0x3F9A];
	_ =	swait.ge [sflag:s4], $0x0  }
0x19: {  	s7 =	sld [smem:$0x3F9B]  }
0x1a: {  	s8 =	sadd.s32 $0xFFFFE003, lr  }
0x1b: {  	s9 =	sadd.s32 $0xFFFFFEF7, lr;
	s5 =	simm.s32 $0xFFFFFFFF;
	p2 =	slt.u32 s8, $0xFFFFF086  }
0x1c: {  	p1 =	slt.u32 s9, $0xF7A;
	s5 =	simm.s32 @!p2 $0x0  }
0x1d: {  	s5 =	simm.s32 @p1 $0x1;
	p0 =	seq.s32 s7, s2  }
0x1e: {  	s7 =	smul.u32 @!p0 $0xF7A, s2;
	p2 =	seq.s32 @!p0 s5, $0x0  }
0x1f: {  	s9 =	smul.u32 $0xF7A, s1;
	s8 =	simm.s32 @!p0 $0x1BF5;
	p2 =	por !p2, p0  }
0x20: {  	[sflag:s8] =	ssyncset.s32 @!p0 $0xFFFFF086;
	s6 =	sadd.s32 @!p0 s3, s7;
	s7 =	simm.s32 @!p0 $0x108  }
0x21: {  	s3 =	sadd.s32 s3, s9;
	s6 =	sadd.s32 @!p0 $0x88, s6;
	s7 =	simm.s32 @p2 $0x1082  }
0x22: {  	[simem:s7], [sflag:s8] =	dma.local @!p0 [hbm:s6], $0xF7A  }
0x23: {  	s9 =	sor.u32 $0xD0000000, s2;
	s6 =	simm.s32 $0x108;
	_ =	swait.ge @!p0 [sflag:s8], $0x0  }
0x24: {  	s3 =	sadd.s32 $0x88, s3;
	s6 =	simm.s32 @!p1 $0x1082;
	[sflag:s4] =	ssyncset.s32 $0xFFFFF086  }
0x25: {  	[simem:s6], [sflag:s4] =	dma.local [hbm:s3], $0xF7A  }
0x26: {  	[smem:$0x3F9B] =	sst s1;
	(tag) =	ssettag s2;
	_ =	strace s9  }
0x27: {  	s1 =	sld [smem:$0x3FAB]  }
0x28: {  	s2 =	sld [smem:$0x3FAC]  }
0x29: {  	s4 =	sld [smem:$0x3FAE]  }
0x2a: {  	p0 =	seq.s32 s5, $0x0;
	s5 =	sld [smem:$0x3FAF]  }
0x2b: {  	s6 =	sld [smem:$0x3FB0]  }
0x2c: {  	s7 =	sld [smem:$0x3FB1]  }
0x2d: {  	s3 =	simm.s32 $0x108;
	s8 =	sld [smem:$0x3FB2]  }
0x2e: {  	s3 =	simm.s32 @!p0 $0x1082;
	s9 =	sld [smem:$0x3FB3]  }
0x2f: {  	lr =	sadd.s32 s0, s3;
	s0 =	sld [smem:$0x3FAA]  }
0x30: {  	s3 =	sld [smem:$0x3FAD]  }
0x31: {  	[smem:$0x3FB6] =	sst s10  }
0x32: {  	s10 =	sld [smem:$0x3FB4];
	_ =	sdelay $0x3  }
0x33: {  	p0 =	seq.s32 s10, $0x1;
	s10 =	sld [smem:$0x3FB6];
	_ =	sdelay $0x3  }
0x34: {  	[smem:$0x3FB6] =	sst s10  }
0x35: {  	s10 =	sld [smem:$0x3FB5];
	_ =	sdelay $0x3  }
0x36: {  	p1 =	seq.s32 s10, $0x1;
	s10 =	sld [smem:$0x3FB6];
	_ =	sdelay $0x3  }
0x37: {  	[smem:$0x3FB6] =	sst s10  }
0x38: {  	s10 =	sld [smem:$0x3FB7]  }
0x39: {  	_ = 	snop;
	(pc) =	sbr.ind lr, $3  }
0x3a: {  	_ = 	snop  }
0x3b: {  	_ = 	snop  }
0x3c: {  	p2 =	seq.s32 s10, $0x1;
	s10 =	sld [smem:$0x3FB6]  }
0x3d: {  	_ =	shalt  }
0x3e: {  	_ =	shalt  }
0x3f: {  	_ =	shalt  }
0x40: {  	_ =	shalt  }
0x41: {  	_ =	shalt  }
0x42: {  	_ =	shalt  }
0x43: {  	_ =	shalt  }
0x44: {  	_ =	shalt  }
0x45: {  	_ =	shalt  }
0x46: {  	_ =	shalt  }
0x47: {  	_ =	shalt  }
0x48: {  	_ =	shalt  }
0x49: {  	_ =	shalt  }
0x4a: {  	_ =	shalt  }
0x4b: {  	_ =	shalt  }
0x4c: {  	_ =	shalt  }
0x4d: {  	_ =	shalt  }
0x4e: {  	_ =	shalt  }
0x4f: {  	_ =	shalt  }
0x50: {  	_ =	shalt  }
0x51: {  	_ =	shalt  }
0x52: {  	_ =	shalt  }
0x53: {  	_ =	shalt  }
0x54: {  	_ =	shalt  }
0x55: {  	_ =	shalt  }
0x56: {  	_ =	shalt  }
0x57: {  	_ =	shalt  }
0x58: {  	_ =	shalt  }
0x59: {  	_ =	shalt  }
0x5a: {  	_ =	shalt  }
0x5b: {  	_ =	shalt  }
0x5c: {  	_ =	shalt  }
0x5d: {  	_ =	shalt  }
0x5e: {  	_ =	shalt  }
0x5f: {  	_ =	shalt  }
0x60: {  	_ =	shalt  }
0x61: {  	_ =	shalt  }
0x62: {  	_ =	shalt  }
0x63: {  	_ =	shalt  }
0x64: {  	_ =	shalt  }
0x65: {  	_ =	shalt  }
0x66: {  	_ =	shalt  }
0x67: {  	_ =	shalt  }
0x68: {  	_ =	shalt  }
0x69: {  	_ =	shalt  }
0x6a: {  	_ =	shalt  }
0x6b: {  	_ =	shalt  }
0x6c: {  	_ =	shalt  }
0x6d: {  	_ =	shalt  }
0x6e: {  	_ =	shalt  }
0x6f: {  	_ =	shalt  }
0x70: {  	_ =	shalt  }
0x71: {  	_ =	shalt  }
0x72: {  	_ =	shalt  }
0x73: {  	_ =	shalt  }
0x74: {  	_ =	shalt  }
0x75: {  	_ =	shalt  }
0x76: {  	_ =	shalt  }
0x77: {  	_ =	shalt  }
0x78: {  	_ =	shalt  }
0x79: {  	_ =	shalt  }
0x7a: {  	_ =	shalt  }
0x7b: {  	_ =	shalt  }
0x7c: {  	_ =	shalt  }
0x7d: {  	_ =	shalt  }
0x7e: {  	_ =	shalt  }
0x7f: {  	_ =	shalt  }
0x80: {  	_ =	shalt  }
0x81: {  	_ =	shalt  }
0x82: {  	_ =	shalt  }
0x83: {  	_ =	shalt  }
0x84: {  	_ =	shalt  }
0x85: {  	_ =	shalt  }
0x86: {  	_ =	shalt  }
0x87: {  	_ =	shalt  }
.Lfunc_end0:
.L_simem_size_0:
called_computation_lowered:
.L_overlay_start_0:
0x88: {  	s2 =	sld [smem:$0x3FD9]  }
0x89: {  	s3 =	sld [smem:$0x3FFE];
	_ =	sdelay $0x1  }
0x8a: {  	s1 =	srdreg.scid  }
0x8b: {  	s0 =	sand.u32 $0x1, s1  }
0x8c: {  	s16 =	sshll.u32 s0, $0xA;
	s2 =	sadd.s32 s3, s2  }
0x8d: {  	s2 =	sadd.s32 s2, s16  }
0x8e: {  	[smem:$0x3FC2] =	sst s2  }
0x8f: {  	_ = 	snop  }
0x90: {  	(tm) =	ssettm $0x1  }
0x91: {  	s17 =	sld [smem:$0x3FFB];
	_ =	sdelay $0x3  }
0x92: {  	_ =	strace s17  }
0x93: {  	s2 =	sld [smem:$0x3FFC];
	_ =	sdelay $0x3  }
0x94: {  	_ =	strace s2  }
0x95: {  	s2 =	sld [smem:$0x3FFD];
	_ =	sdelay $0x3  }
0x96: {  	_ =	strace s2  }
0x97: {  	_ =	strace $0x8FFFFFFF  }
0x98: {  	s18 =	sld [smem:$0x3FDB];
	_ =	sdelay $0x1  }
0x99: {  	s19 =	simm.s32 $_scs_section_size  }
0x9a: {  	s4 =	simm.s32 $_size__tile_overlayer_lowered;
	s5 =	simm.s32 $_tile_overlayer_lowered  }
0x9b: {  	s22 =	simm.s32 $0x1BFF;
	s21 =	sshll.u32 s5, $0x1;
	s2 =	sadd.s32 s19, s18  }
0x9c: {  	s6 =	simm.s32 $0x0;
	s20 =	sshll.u32 s4, $0x1;
	s4 =	sadd.s32 s21, s2  }
0x9d: {  	[timem:s6], [sflag:s22] =	dma.local [hbm:s4], s20  }
0x9e: {  	_ =	swait.ge [sflag:s22], s20  }
0x9f: {  	s3 =	ssub.s32 $0x0, s20;
	[sflag:s22] =	ssyncset.done $0x0  }
0xa0: {  	[sflag:s22] =	ssyncadd.s32 s3;
	_ =	sdelay $0x1  }
0xa1: {  	s23 =	simm.s32 $0x1B8B  }
0xa2: {  	_ =	swait.ge [sflag:s23], $0x1  }
0xa3: {  	[sflag:s23] =	ssyncset.done $0x0  }
0xa4: {  	s25 =	simm.s32 $0x1B8E;
	s24 =	sld [smem:$0x3FFE];
	[sflag:s23] =	ssyncadd.s32 $0xFFFFFFFF  }
0xa5: {  	s26 =	simm.s32 $execute0_lowered;
	[smem:$0x3FD2] =	sst s25  }
0xa6: {  	s4 =	sshll.u32 s26, $0x1;
	_ =	strace $0x80000046;
	[dreg:$0x1] =	wrdreg $0xFFFFFFFF  }
0xa7: {  	s28 =	simm.s32 $_size_execute0_lowered;
	s2 =	sadd.s32 s2, s4;
	[dreg:$0x0] =	wrdreg $0x0  }
0xa8: {  	s4 =	sshll.u32 s28, $0x1;
	[dreg:$0x2] =	wrdreg s2  }
0xa9: {  	[dreg:$0x3] =	wrdreg s4  }
0xaa: {  	[dreg:$0x4] =	wrdreg $0xC0  }
0xab: {  	_ =	task [dreg:s6], $0x5FFFF  }
0xac: {  	[dreg:$0x1] =	wrdreg $0xFFFFFFFF  }
0xad: {  	[dreg:$0x0] =	wrdreg $0x60  }
0xae: {  	[dreg:$0x2] =	wrdreg s24  }
0xaf: {  	[dreg:$0x3] =	wrdreg $0x9  }
0xb0: {  	_ =	task.clear_ibuf [dreg:s6], $0x4FFFF;
	_ =	strace $0x90000046  }
0xb1: {  	s29 =	simm.s32 $0x9;
	_ =	strace $0x80000048  }
0xb2: {  	_ =	swait.ge [sflag:s29], $0x1  }
0xb3: {  	[sflag:s29] =	ssyncadd.s32 $0xFFFFFFFF  }
0xb4: {  	_ =	strace $0x90000048  }
0xb5: {  	_ =	sfence  }
0xb6: {  	s30 =	sld [smem:$0x0];
	_ =	sdelay $0x2  }
0xb7: {  	s31 =	sshll.u32 s1, $0xD;
	s1 =	sshrl.u32 s1, $0x2  }
0xb8: {  	s3 =	sand.u32 $0x4000, s31;
	s1 =	sadd.s32 s1, s30  }
0xb9: {  	s0 =	sor.u32 s3, s0;
	s1 =	sshll.u32 s1, $0x11  }
0xba: {  	s0 =	sor.u32 s1, s0  }
0xbb: {  	s0 =	sadd.s32 $0x8F2B, s0  }
0xbc: {  	[sflag:s0] =	ssyncadd.remote.s32 $0x1  }
0xbd: {  	_ =	sfence.sel $0xFFFF  }
0xbe: {  	[dreg:$0x0] =	wrdreg $0xFFFFFFFF;
	(pc) =	sbr.abs _section_cstart, $3  }
0xbf: {  	[dreg:$0x1] =	wrdreg $0xFFFFFFFF  }
0xc0: {  	_ =	task.clear_ibuf [dreg:s6], $0x2FFFF;
	_ =	strace $0x9FFFFFFF  }
0xc1: {  	(tm) =	ssettm $0x7FFFFFFF  }
tec
execute0_lowered:
.L_overlay_start_1:
0x0: {  	(tag) =	ssettag $0x1  }
0x1: {  	s1 =	srdreg.scid  }
0x2: {  	s0 =	stileid.u32;
	s4 =	rddreg [dreg:$0x0];
	s2 =	simm.s32 $0x0  }
0x3: {  	s14 =	simm.s32 $0x18800;
	s15 =	simm.s32 $0x1A080;
	s16 =	simm.s32 $0x0  }
0x4: {  	s5 =	sand.u32 $0x1, s1;
	s3 =	sshll.u32 s0, $0x1;
	s1 =	rddreg [dreg:$0x1]  }
0x5: {  	[smem:$0x7FF] =	sst s2;
	s3 =	sor.u32 s5, s3;
	s5 =	ssub.s32 $0x2, s5  }
0x6: {  	s10 =	sadd.s32 $0x4600, s4;
	s6 =	smul.u32 $0x6100, s3;
	s7 =	sshrl.u32 s5, $0x1  }
0x7: {  	s11 =	sadd.s32 $0x1CA00, s4;
	_ =	strace $0x80000047;
	s12 =	ssub.s32 s5, s7  }
0x8: {  	s3 =	sadd.s32 $0x1400, s4;
	s8 =	sshrl.u32 s6, $0x3;
	s12 =	smax.u32 s12, $0x1  }
0x9: {  	s31 =	sadd.s32 $0x308, s8;
	s4 =	sadd.s32 s10, s8;
	s5 =	sadd.s32 s11, s8  }
0xa: {  	s9 =	sadd.s32 $0x610, s8;
	s13 =	sadd.s32 $0x918, s8;
	s6 =	sadd.s32 s10, s31  }
0xb: {  	s7 =	sadd.s32 s11, s31;
	s8 =	sadd.s32 s10, s9;
	s9 =	sadd.s32 s11, s9  }
0xc: {  	s10 =	sadd.s32 s10, s13;
	s11 =	sadd.s32 s11, s13;
	s13 =	simm.s32 $0x1  }
.LBB2_1:
0xd: {  	[tilespmem:s2], [sflag:$0x1] =	stream.linear.gather [hbm4b:s3+s2], $0x18800, $0x38;
	[tilespmem:$0x1B900] =	vst v63  }
0xe: {  	_ =	swait.ge [sflag:s13], $0x18800  }
0xf: {  	[sflag:s13] =	ssyncset.done $0x0  }
0x10: {  	[sflag:s13] =	ssyncadd.s32 $0xFFFE7800  }
0x11: {  	[tilespmem:s14], [sflag:$0x1] =	stream.linear.gather [hbm4b:s4+s2], $0x1840, $0x38;
	[tilespmem:$0x1B900] =	vst v63  }
0x12: {  	_ =	swait.ge [sflag:s13], $0x1840  }
0x13: {  	[sflag:s13] =	ssyncset.done $0x0  }
0x14: {  	s17 =	simm.s32 $0x0;
	[sflag:s13] =	ssyncadd.s32 $0xFFFFE7C0  }
0x15: {  	v0 =	vld [tilespmem:s17+$0x18800];
	_ =	sdelay $0x7  }
0x16: {  	s18 =	simm.s32 $0x10;
	s19 =	simm.s32 $0x80;
	v0 =	vld.idx.msk [tilespmem:v0+s2+$0x0], $0xffff  }
.LBB2_2:
0x17: {  	p0 =	sne.s32 s19, $0x60C0;
	v1 =	vld [tilespmem:s18+$0x18800];
	_ =	sdelay $0x3  }
.Ltmp0:
0x18: {  	(pc) =	sbr.rel @p0 .LBB2_2-.Ltmp0, $2  }
0x19: {  	[tilespmem:s17+$0x1A080] =	vst v0;
	s17 =	smov.u32 s18;
	_ =	sdelay $0x2  }
0x1a: {  	s18 =	sshra.s32 s19, $0x2;
	s19 =	sadd.s32 $0x40, s19;
	v0 =	vld.idx.msk [tilespmem:v1+s2+$0x0], $0xffff  }
0x1b: {  	v1 =	vld [tilespmem:s18+$0x18800];
	_ =	sdelay $0x6  }
0x1c: {  	[tilespmem:s17+$0x1A080] =	vst v0  }
0x1d: {  	v0 =	vld.idx.msk [tilespmem:v1+s2+$0x0], $0xffff;
	_ =	sdelay $0x4  }
0x1e: {  	s31 =	simm.s32 $0x0;
	[tilespmem:s18+$0x1A080] =	vst v0  }
0x1f: {  	[hbm4b:s5+s31] =	stream.linear.scatter [tilespmem:s15], [sflag:$0x1], $0x1840, $0x38;
	[tilespmem:$0x1B900] =	vst v63  }
0x20: {  	_ =	swait.ge [sflag:s13], $0x1840  }
0x21: {  	[sflag:s13] =	ssyncset.done $0x0  }
0x22: {  	[sflag:s13] =	ssyncadd.s32 $0xFFFFE7C0  }
0x23: {  	[tilespmem:s14], [sflag:$0x1] =	stream.linear.gather [hbm4b:s6+s31], $0x1840, $0x38;
	[tilespmem:$0x1B900] =	vst v63  }
0x24: {  	_ =	swait.ge [sflag:s13], $0x1840  }
0x25: {  	[sflag:s13] =	ssyncset.done $0x0  }
0x26: {  	s17 =	simm.s32 $0x0;
	[sflag:s13] =	ssyncadd.s32 $0xFFFFE7C0  }
0x27: {  	v0 =	vld [tilespmem:s17+$0x18800];
	_ =	sdelay $0x7  }
0x28: {  	s19 =	simm.s32 $0x80;
	s18 =	simm.s32 $0x10;
	v0 =	vld.idx.msk [tilespmem:v0+s2+$0x0], $0xffff  }
.LBB2_4:
0x29: {  	p0 =	sne.s32 s19, $0x60C0;
	v1 =	vld [tilespmem:s18+$0x18800];
	_ =	sdelay $0x3  }
.Ltmp1:
0x2a: {  	(pc) =	sbr.rel @p0 .LBB2_4-.Ltmp1, $2  }
0x2b: {  	[tilespmem:s17+$0x1A080] =	vst v0;
	s17 =	smov.u32 s18;
	_ =	sdelay $0x2  }
0x2c: {  	s18 =	sshra.s32 s19, $0x2;
	s19 =	sadd.s32 $0x40, s19;
	v0 =	vld.idx.msk [tilespmem:v1+s2+$0x0], $0xffff  }
0x2d: {  	v1 =	vld [tilespmem:s18+$0x18800];
	_ =	sdelay $0x6  }
0x2e: {  	[tilespmem:s17+$0x1A080] =	vst v0  }
0x2f: {  	v0 =	vld.idx.msk [tilespmem:v1+s2+$0x0], $0xffff;
	_ =	sdelay $0x4  }
0x30: {  	s31 =	simm.s32 $0x0;
	[tilespmem:s18+$0x1A080] =	vst v0  }
0x31: {  	[hbm4b:s7+s31] =	stream.linear.scatter [tilespmem:s15], [sflag:$0x1], $0x1840, $0x38;
	[tilespmem:$0x1B900] =	vst v63  }
0x32: {  	_ =	swait.ge [sflag:s13], $0x1840  }
0x33: {  	[sflag:s13] =	ssyncset.done $0x0  }
0x34: {  	[sflag:s13] =	ssyncadd.s32 $0xFFFFE7C0  }
0x35: {  	[tilespmem:s14], [sflag:$0x1] =	stream.linear.gather [hbm4b:s8+s31], $0x1840, $0x38;
	[tilespmem:$0x1B900] =	vst v63  }
0x36: {  	_ =	swait.ge [sflag:s13], $0x1840  }
0x37: {  	[sflag:s13] =	ssyncset.done $0x0  }
0x38: {  	s17 =	simm.s32 $0x0;
	[sflag:s13] =	ssyncadd.s32 $0xFFFFE7C0  }
0x39: {  	v0 =	vld [tilespmem:s17+$0x18800];
	_ =	sdelay $0x7  }
0x3a: {  	s19 =	simm.s32 $0x80;
	s18 =	simm.s32 $0x10;
	v0 =	vld.idx.msk [tilespmem:v0+s2+$0x0], $0xffff  }
.LBB2_6:
0x3b: {  	p0 =	sne.s32 s19, $0x60C0;
	v1 =	vld [tilespmem:s18+$0x18800];
	_ =	sdelay $0x3  }
.Ltmp2:
0x3c: {  	(pc) =	sbr.rel @p0 .LBB2_6-.Ltmp2, $2  }
0x3d: {  	[tilespmem:s17+$0x1A080] =	vst v0;
	s17 =	smov.u32 s18;
	_ =	sdelay $0x2  }
0x3e: {  	s18 =	sshra.s32 s19, $0x2;
	s19 =	sadd.s32 $0x40, s19;
	v0 =	vld.idx.msk [tilespmem:v1+s2+$0x0], $0xffff  }
0x3f: {  	v1 =	vld [tilespmem:s18+$0x18800];
	_ =	sdelay $0x6  }
0x40: {  	[tilespmem:s17+$0x1A080] =	vst v0  }
0x41: {  	v0 =	vld.idx.msk [tilespmem:v1+s2+$0x0], $0xffff;
	_ =	sdelay $0x4  }
0x42: {  	s31 =	simm.s32 $0x0;
	[tilespmem:s18+$0x1A080] =	vst v0  }
0x43: {  	[hbm4b:s9+s31] =	stream.linear.scatter [tilespmem:s15], [sflag:$0x1], $0x1840, $0x38;
	[tilespmem:$0x1B900] =	vst v63  }
0x44: {  	_ =	swait.ge [sflag:s13], $0x1840  }
0x45: {  	[sflag:s13] =	ssyncset.done $0x0  }
0x46: {  	[sflag:s13] =	ssyncadd.s32 $0xFFFFE7C0  }
0x47: {  	[tilespmem:s14], [sflag:$0x1] =	stream.linear.gather [hbm4b:s10+s31], $0x1840, $0x38;
	[tilespmem:$0x1B900] =	vst v63  }
0x48: {  	_ =	swait.ge [sflag:s13], $0x1840  }
0x49: {  	[sflag:s13] =	ssyncset.done $0x0  }
0x4a: {  	s17 =	simm.s32 $0x0;
	[sflag:s13] =	ssyncadd.s32 $0xFFFFE7C0  }
0x4b: {  	v0 =	vld [tilespmem:s17+$0x18800];
	_ =	sdelay $0x7  }
0x4c: {  	s19 =	simm.s32 $0x80;
	s18 =	simm.s32 $0x10;
	v0 =	vld.idx.msk [tilespmem:v0+s2+$0x0], $0xffff  }
.LBB2_8:
0x4d: {  	p0 =	sne.s32 s19, $0x60C0;
	v1 =	vld [tilespmem:s18+$0x18800];
	_ =	sdelay $0x3  }
.Ltmp3:
0x4e: {  	(pc) =	sbr.rel @p0 .LBB2_8-.Ltmp3, $2  }
0x4f: {  	[tilespmem:s17+$0x1A080] =	vst v0;
	s17 =	smov.u32 s18;
	_ =	sdelay $0x2  }
0x50: {  	s18 =	sshra.s32 s19, $0x2;
	s19 =	sadd.s32 $0x40, s19;
	v0 =	vld.idx.msk [tilespmem:v1+s2+$0x0], $0xffff  }
0x51: {  	v1 =	vld [tilespmem:s18+$0x18800];
	_ =	sdelay $0x6  }
0x52: {  	[tilespmem:s17+$0x1A080] =	vst v0  }
0x53: {  	v0 =	vld.idx.msk [tilespmem:v1+s2+$0x0], $0xffff;
	_ =	sdelay $0x2  }
0x54: {  	s16 =	sadd.s32 $0x1, s16  }
0x55: {  	p0 =	sne.s32 s16, s12  }
.Ltmp4:
0x56: {  	[tilespmem:s18+$0x1A080] =	vst v0;
	(pc) =	sbr.rel @p0 .LBB2_1-.Ltmp4, $4  }
0x57: {  	[hbm4b:s11+s2] =	stream.linear.scatter [tilespmem:s15], [sflag:$0x1], $0x1840, $0x38;
	[tilespmem:$0x1B900] =	vst v63  }
0x58: {  	_ =	swait.ge [sflag:s13], $0x1840  }
0x59: {  	[sflag:s13] =	ssyncset.done $0x0  }
0x5a: {  	[sflag:s13] =	ssyncadd.s32 $0xFFFFE7C0  }
0x5b: {  	_ =	sfence.sel $0x180000  }
0x5c: {  	[bflag:$0x0] =	sbarrier.arrive $0xFFFF  }
0x5d: {  	p0 =	sne.s32 s0, $0x0;
	_ =	strace $0x90000047  }
0x5e: {  	s0 =	sadd.s32 @!p0 $0x100000, s1;
	[bflag:$0x2] =	sbarrier.arrive $0xFFFF  }
0x5f: {  	[sflag:s0] =	ssyncadd.tile.s32 @!p0 $0x1;
	_ =	shalt  }
.Lfunc_end2:
_tile_overlayer_lowered:
.L_overlay_start_2:
0x60: {  	(tag) =	ssettag $0x2  }
0x61: {  	s0 =	rddreg [dreg:$0x0];
	s2 =	stileid.u32  }
0x62: {  	s1 =	rddreg [dreg:$0x1];
	p0 =	sne.s32 s2, $0x0  }
0x63: {  	s3 =	rddreg [dreg:$0x2];
	[bflag:$0x3] =	sbarrier.arrive $0xFFFF;
	s2 =	simm.s32 @!p0 $0x1C01  }
0x64: {  	[timem:s3], [sflag:s2] =	dma.local @!p0 [hbm:s0], s1  }
0x65: {  	s0 =	simm.s32 @!p0 $0x1  }
0x66: {  	_ =	swait.ge @!p0 [sflag:s0], s1  }
0x67: {  	s1 =	ssub.s32 @!p0 $0x0, s1;
	[sflag:s0] =	ssyncset.done @!p0 $0x0  }
0x68: {  	[sflag:s0] =	ssyncadd.s32 @!p0 s1  }
0x69: {  	[bflag:$0x3] =	sbarrier.arrive $0xFFFF  }
0x6a: {  	_ =	shalt  }

</sc_bundles>
